<compile_context>
chip_gen: v7x
topology: tpu7x:2x2x1
jax: 0.10.2.dev20260603
libtpu: 0.0.44.dev20260713+nightly
codegen_flags: <defaults>
</compile_context>

<pallas_src>
import functools

import jax
import jax.numpy as jnp
from jax import lax
from jax.experimental import pallas as pl
from jax.experimental.pallas import tpu as pltpu
from jax.experimental.pallas import tpu_sc as plsc

N = 10000
E = 320000
D = 128
H = 8
HD = D // H
ED = 16
L = 16
DE = D + L
EW = 24
NCORE = 2
NSUB = 16
NW = NCORE * NSUB
NP = 10240
RPT = NP // NSUB
CH = 80
EPW = E // NW
NCHUNK = EPW // CH


def _tc_node_proj(feats, wfc_t, a1p, a2p):
    BN = 400

    def body(f_ref, w_ref, a1_ref, a2_ref, xr_ref, sc_ref):
        xb = jnp.dot(f_ref[...], w_ref[...], preferred_element_type=jnp.float32)
        srb = jnp.dot(xb, a2_ref[...], preferred_element_type=jnp.float32)
        xr_ref[...] = jnp.concatenate([xb, srb], axis=1)
        sc_ref[...] = jnp.dot(xb, a1_ref[...], preferred_element_type=jnp.float32)

    return pl.pallas_call(
        body,
        grid=(N // BN,),
        in_specs=[
            pl.BlockSpec((BN, D), lambda i: (i, 0)),
            pl.BlockSpec((D, D), lambda i: (0, 0)),
            pl.BlockSpec((D, L), lambda i: (0, 0)),
            pl.BlockSpec((D, L), lambda i: (0, 0)),
        ],
        out_specs=[
            pl.BlockSpec((BN, DE), lambda i: (i, 0)),
            pl.BlockSpec((BN, L), lambda i: (i, 0)),
        ],
        out_shape=[
            jax.ShapeDtypeStruct((N, DE), jnp.float32),
            jax.ShapeDtypeStruct((N, L), jnp.float32),
        ],
    )(feats, wfc_t, a1p, a2p)


def _tc_edge_proj(edge_attr, wedge_t, a3p):
    BE = 4000

    def body(ea_ref, w_ref, a3_ref, se_ref):
        ea = jnp.dot(ea_ref[...], w_ref[...], preferred_element_type=jnp.float32)
        se_ref[...] = jnp.dot(ea, a3_ref[...], preferred_element_type=jnp.float32)

    return pl.pallas_call(
        body,
        grid=(E // BE,),
        in_specs=[
            pl.BlockSpec((BE, ED), lambda i: (i, 0)),
            pl.BlockSpec((ED, ED), lambda i: (0, 0)),
            pl.BlockSpec((ED, L), lambda i: (0, 0)),
        ],
        out_specs=pl.BlockSpec((BE, L), lambda i: (i, 0)),
        out_shape=jax.ShapeDtypeStruct((E, L), jnp.float32),
    )(edge_attr, wedge_t, a3p)


def _sc_edge_pass(col, row, se16, sc16, xr):
    mesh = plsc.VectorSubcoreMesh(core_axis_name="c", subcore_axis_name="s")

    @functools.partial(
        pl.kernel,
        out_type=jax.ShapeDtypeStruct((NCORE, NP, DE), jnp.float32),
        mesh=mesh,
        compiler_params=pltpu.CompilerParams(use_tc_tiling_on_sc=False),
        scratch_types=[
            [pltpu.VMEM((CH, L), jnp.float32) for _ in range(2)],
            [pltpu.VMEM((CH,), jnp.int32) for _ in range(2)],
            [pltpu.VMEM((CH,), jnp.int32) for _ in range(2)],
            [pltpu.VMEM((CH, L), jnp.float32) for _ in range(2)],
            [pltpu.VMEM((CH, DE), jnp.float32) for _ in range(2)],
            pltpu.VMEM_SHARED((NP, DE), jnp.float32),
            pltpu.SemaphoreType.DMA,
            pltpu.SemaphoreType.DMA,
        ],
    )
    def sck(col_h, row_h, se_h, sc_h, xr_h, acc_out,
            sev, colv, rowv, scg, xrg, acc_sh, sem_l, sem_g):
        cid = lax.axis_index("c")
        tid = lax.axis_index("s")
        w = cid * NSUB + tid
        ebase = w * EPW

        z16 = jnp.zeros((L,), jnp.float32)

        def zero_body(i, _):
            for j in range(DE // L):
                xrg[0][i, pl.ds(j * L, L)] = z16
            return 0

        lax.fori_loop(0, CH, zero_body, 0)
        base_rows = tid * RPT
        for part in range(RPT // CH):
            pltpu.sync_copy(xrg[0], acc_sh.at[pl.ds(base_rows + part * CH, CH)])
        plsc.subcore_barrier()

        def load_descs(k, b):
            base = ebase + k * CH
            return (
                pltpu.make_async_copy(col_h.at[pl.ds(base, CH)], colv[b], sem_l),
                pltpu.make_async_copy(row_h.at[pl.ds(base, CH)], rowv[b], sem_l),
                pltpu.make_async_copy(se_h.at[pl.ds(base, CH)], sev[b], sem_l),
            )

        def start_loads(k, b):
            for c in load_descs(k, b):
                c.start()

        def wait_loads(k, b):
            for c in load_descs(k, b):
                c.wait()

        def issue_gathers(b):
            pltpu.async_copy(sc_h.at[colv[b]], scg[b], sem_g)
            pltpu.async_copy(xr_h.at[rowv[b]], xrg[b], sem_g)

        def wait_gathers(b):
            pltpu.make_async_copy(sc_h.at[colv[b]], scg[b], sem_g).wait()
            pltpu.make_async_copy(xr_h.at[rowv[b]], xrg[b], sem_g).wait()

        def compute_scatter(b):
            def edge_body(e, _):
                g = scg[b][e] + xrg[b][e, pl.ds(D, L)] + sev[b][e]
                a = jnp.where(g >= 0.0, g, 0.01 * g)
                a = jnp.minimum(a, 70.0)
                ev = jnp.exp(a)
                xrg[b][e, pl.ds(D, L)] = ev
                for h in range(H):
                    s = ev[h]
                    xrg[b][e, pl.ds(h * HD, HD)] = xrg[b][e, pl.ds(h * HD, HD)] * s
                return 0

            lax.fori_loop(0, CH, edge_body, 0, unroll=4)
            pltpu.sync_copy(xrg[b], acc_sh.at[colv[b]], add=True)

        start_loads(0, 0)
        wait_loads(0, 0)
        issue_gathers(0)
        start_loads(1, 1)

        def half_step(k, b):
            nb = 1 - b
            wait_gathers(b)
            wait_loads(k + 1, nb)
            issue_gathers(nb)
            compute_scatter(b)

            @pl.when(k + 2 < NCHUNK)
            def _():
                start_loads(k + 2, b)

        def outer_body(kk, _):
            half_step(2 * kk, 0)
            half_step(2 * kk + 1, 1)
            return 0

        lax.fori_loop(0, NCHUNK // 2, outer_body, 0)
        wait_gathers(0)
        compute_scatter(0)
        plsc.subcore_barrier()

        for part in range(2):
            off = base_rows + part * (RPT // 2)
            pltpu.sync_copy(acc_sh.at[pl.ds(off, RPT // 2)],
                            acc_out.at[cid, pl.ds(off, RPT // 2)])

    return sck(col, row, se16, sc16, xr)


def _tc_finalize(acc, sel, bias, wout_t, b_out):
    BN = 400

    def body(a_ref, s_ref, b_ref, w_ref, bo_ref, o_ref):
        acc_b = a_ref[0] + a_ref[1]
        den_b = acc_b[:, D:]
        agg_b = acc_b[:, :D]
        rec = 1.0 / jnp.where(den_b > 0.0, den_b, 1.0)
        rec128 = jnp.dot(rec, s_ref[...], preferred_element_type=jnp.float32)
        hdn = agg_b * rec128 + b_ref[...]
        o_ref[...] = jnp.dot(hdn, w_ref[...], preferred_element_type=jnp.float32) + bo_ref[...]

    return pl.pallas_call(
        body,
        grid=(N // BN,),
        in_specs=[
            pl.BlockSpec((2, BN, DE), lambda i: (0, i, 0)),
            pl.BlockSpec((L, D), lambda i: (0, 0)),
            pl.BlockSpec((1, D), lambda i: (0, 0)),
            pl.BlockSpec((D, D), lambda i: (0, 0)),
            pl.BlockSpec((1, D), lambda i: (0, 0)),
        ],
        out_specs=pl.BlockSpec((BN, D), lambda i: (i, 0)),
        out_shape=jax.ShapeDtypeStruct((N, D), jnp.float32),
    )(acc, sel, bias, wout_t, b_out)


def kernel(feats, edge_index, edge_attr, W_fc, W_edge, att, bias, W_out, b_out):
    f32 = jnp.float32
    att2d = att[:, :, 0].astype(f32)
    eye = jnp.eye(H, L, dtype=f32)
    a1p = (att2d[:, :HD][:, :, None] * eye[:, None, :]).reshape(D, L)
    a2p = (att2d[:, HD:2 * HD][:, :, None] * eye[:, None, :]).reshape(D, L)
    a3p = (att2d[:, 2 * HD:][:, :, None] * eye[:, None, :]).reshape(ED, L)
    sel = (jnp.eye(L, H, dtype=f32)[:, :, None]
           * jnp.ones((1, 1, HD), f32)).reshape(L, D)

    xr, sc16 = _tc_node_proj(feats, W_fc.T, a1p, a2p)
    se16 = _tc_edge_proj(edge_attr, W_edge.T, a3p)

    row = edge_index[:, 0]
    col = edge_index[:, 1]
    acc = _sc_edge_pass(col, row, se16, sc16, xr)

    out = _tc_finalize(acc, sel, bias.reshape(1, D), W_out.T,
                       b_out.reshape(1, D))
    return (out, edge_index, edge_attr)

# --- scband reference (transcript-rebuilt; emitter-appended) ---
"""Pipeline reference for scband-multi-head-mlp-4277787427367 (READ-ONLY COPY).

The authoritative reference and input builder live on the scoring server;
editing this copy changes nothing except your own understanding.
"""

import jax, jax.numpy as jnp
import numpy as np

N = 10000
E = 320000
D = 128
H = 8
HD = D // H  # 16
ED = 16
EHD = ED // H  # 2


def setup_inputs(seed: int = 0) -> dict:
    key = jax.random.key(seed)
    ks = jax.random.split(key, 10)
    feats = jax.random.normal(ks[0], (N, D), dtype=jnp.float32)
    edge_index = jax.random.randint(ks[1], (E, 2), 0, N, dtype=jnp.int32)
    edge_attr = jax.random.normal(ks[2], (E, ED), dtype=jnp.float32)
    # learned parameters
    W_fc = jax.random.normal(ks[3], (D, D), dtype=jnp.float32) * 0.1   # fc.linear.weight [out,in]
    W_edge = jax.random.normal(ks[4], (ED, ED), dtype=jnp.float32) * 0.3
    att = jax.random.normal(ks[5], (H, 2 * HD + EHD, 1), dtype=jnp.float32) * 0.15
    bias = jnp.zeros((H * HD,), dtype=jnp.float32)
    W_out = jax.random.normal(ks[6], (D, D), dtype=jnp.float32) * 0.1
    b_out = jnp.zeros((D,), dtype=jnp.float32)
    return {"feats": feats, "edge_index": edge_index, "edge_attr": edge_attr,
            "W_fc": W_fc, "W_edge": W_edge, "att": att, "bias": bias,
            "W_out": W_out, "b_out": b_out}


def _leaky(x):
    return jnp.where(x >= 0, x, 0.01 * x)


def reference(feats, edge_index, edge_attr, W_fc, W_edge, att, bias, W_out, b_out):
    bs = feats.shape[0]
    # fc projection, split heads: (H, N, HD)
    x = (feats @ W_fc.T).reshape(bs, H, HD).transpose(1, 0, 2)
    # edge projection: (H, E, EHD)
    ea = (edge_attr @ W_edge.T).reshape(E, H, EHD).transpose(1, 0, 2)
    row = edge_index[:, 0]
    col = edge_index[:, 1]
    # gather src/dst features: (H, E, 2*HD+EHD)
    cat = jnp.concatenate([x[:, col, :], x[:, row, :], ea], axis=2)
    # bmm with attention vector: (H, E, 1)
    alpha = jnp.matmul(cat, att)
    alpha = _leaky(alpha)
    # segment softmax over col (dst) with dim_size=bs
    a = alpha.transpose(1, 0, 2)  # (E, H, 1)
    seg_max = jax.ops.segment_max(a, col, num_segments=bs)  # (bs, H, 1)
    seg_max = jnp.where(jnp.isfinite(seg_max), seg_max, 0.0)
    a = a - seg_max[col]
    ex = jnp.exp(a)
    denom = jax.ops.segment_sum(ex, col, num_segments=bs)
    attn = ex / denom[col]  # (E, H, 1)
    # dropout p=0.0 -> identity
    # weighted messages from src (row), aggregated (scatter_add) into dst (col)
    msg = attn * x.transpose(1, 0, 2)[row]  # (E, H, HD)
    agg = jax.ops.segment_sum(msg, col, num_segments=bs)  # (bs, H, HD)
    out = agg.reshape(bs, H * HD) + bias
    out = out @ W_out.T + b_out
    return (out, edge_index, edge_attr)

if __name__ == "__main__":
    import jax
    _d = setup_inputs()
    print(jax.jit(kernel)(*tuple(_d.values())))

</pallas_src>

<mosaic_0001>
#map = affine_map<(d0, d1) -> (0)>
#map1 = affine_map<(d0, d1) -> (0, 0)>
#map2 = affine_map<(d0, d1) -> (0, 0, 0)>
module attributes {stable_mosaic.version = 14 : i64} {
  func.func @sck(%arg0: i32, %arg1: i32, %arg2: memref<320000xi32, #tpu.memory_space<hbm>>, %arg3: memref<320000xi32, #tpu.memory_space<hbm>>, %arg4: memref<320000x16xf32, #tpu.memory_space<hbm>>, %arg5: memref<10000x16xf32, #tpu.memory_space<hbm>>, %arg6: memref<10000x144xf32, #tpu.memory_space<hbm>>, %arg7: memref<2x10240x144xf32, #tpu.memory_space<hbm>>, %arg8: memref<80x16xf32, #tpu.memory_space<vmem>>, %arg9: memref<80x16xf32, #tpu.memory_space<vmem>>, %arg10: memref<80xi32, #tpu.memory_space<vmem>>, %arg11: memref<80xi32, #tpu.memory_space<vmem>>, %arg12: memref<80xi32, #tpu.memory_space<vmem>>, %arg13: memref<80xi32, #tpu.memory_space<vmem>>, %arg14: memref<80x16xf32, #tpu.memory_space<vmem>>, %arg15: memref<80x16xf32, #tpu.memory_space<vmem>>, %arg16: memref<80x144xf32, #tpu.memory_space<vmem>>, %arg17: memref<80x144xf32, #tpu.memory_space<vmem>>, %arg18: memref<10240x144xf32, #tpu.memory_space<vmem_shared>>, %arg19: memref<!tpu.dma_semaphore, #tpu.memory_space<semaphore_mem>>, %arg20: memref<!tpu.dma_semaphore, #tpu.memory_space<semaphore_mem>>) attributes {dimension_semantics = [#tpu.dimension_semantics<core_parallel>, #tpu.dimension_semantics<subcore_parallel>], iteration_bounds = array<i64: 2, 16>, scalar_prefetch = 0 : i64, scratch_operands = 13 : i64, tpu.core_type = #tpu.core_type<sc_vector_subcore>, window_params = [{transform_indices = #map}, {transform_indices = #map}, {transform_indices = #map1}, {transform_indices = #map1}, {transform_indices = #map1}, {transform_indices = #map2}]} {
    %mul3A = arith.constant 16 : i32
    %mul3A_0 = arith.muli %arg0, %mul3A : i32
    %add3A = arith.addi %mul3A_0, %arg1 : i32
    %mul3A_1 = arith.constant 10000 : i32
    %mul3A_2 = arith.muli %add3A, %mul3A_1 : i32
    %broadcast_in_dim3A = arith.constant 0.000000e+00 : f32
    %broadcast_in_dim3A_3 = vector.broadcast %broadcast_in_dim3A : f32 to vector<16xf32>
    %scan3A = arith.constant 0 : i32
    %scan3A_4 = arith.constant 0 : i32
    %scan3A_5 = arith.constant 80 : i32
    %scan3A_6 = arith.addi %scan3A_4, %scan3A_5 : i32
    %scan3A_7 = arith.constant 1 : i32
    %scan3A_8 = scf.for %scan3A_87 = %scan3A_4 to %scan3A_6 step %scan3A_7 iter_args(%scan3A_88 = %scan3A) -> (i32)  : i32 {
      %swap3A = arith.index_cast %scan3A_87 : i32 to index
      %swap3A_89 = arith.constant 0 : index
      %swap3A_90 = tpu.vector_load %arg16[%swap3A, %swap3A_89] {strides = array<i32>} : memref<80x144xf32, #tpu.memory_space<vmem>>, vector<1x16xf32>,
      %swap3A_91 = vector.shape_cast %swap3A_90 : vector<1x16xf32> to vector<16xf32>
      %swap3A_92 = vector.shape_cast %broadcast_in_dim3A_3 : vector<16xf32> to vector<1x16xf32>
      tpu.vector_store %arg16[%swap3A, %swap3A_89], %swap3A_92 {strides = array<i32>} : memref<80x144xf32, #tpu.memory_space<vmem>>, vector<1x16xf32>,
      %swap3A_93 = arith.index_cast %scan3A_87 : i32 to index
      %swap3A_94 = arith.constant 16 : index
      %swap3A_95 = tpu.vector_load %arg16[%swap3A_93, %swap3A_94] {strides = array<i32>} : memref<80x144xf32, #tpu.memory_space<vmem>>, vector<1x16xf32>,
      %swap3A_96 = vector.shape_cast %swap3A_95 : vector<1x16xf32> to vector<16xf32>
      %swap3A_97 = vector.shape_cast %broadcast_in_dim3A_3 : vector<16xf32> to vector<1x16xf32>
      tpu.vector_store %arg16[%swap3A_93, %swap3A_94], %swap3A_97 {strides = array<i32>} : memref<80x144xf32, #tpu.memory_space<vmem>>, vector<1x16xf32>,
      %swap3A_98 = arith.index_cast %scan3A_87 : i32 to index
      %swap3A_99 = arith.constant 32 : index
      %swap3A_100 = tpu.vector_load %arg16[%swap3A_98, %swap3A_99] {strides = array<i32>} : memref<80x144xf32, #tpu.memory_space<vmem>>, vector<1x16xf32>,
      %swap3A_101 = vector.shape_cast %swap3A_100 : vector<1x16xf32> to vector<16xf32>
      %swap3A_102 = vector.shape_cast %broadcast_in_dim3A_3 : vector<16xf32> to vector<1x16xf32>
      tpu.vector_store %arg16[%swap3A_98, %swap3A_99], %swap3A_102 {strides = array<i32>} : memref<80x144xf32, #tpu.memory_space<vmem>>, vector<1x16xf32>,
      %swap3A_103 = arith.index_cast %scan3A_87 : i32 to index
      %swap3A_104 = arith.constant 48 : index
      %swap3A_105 = tpu.vector_load %arg16[%swap3A_103, %swap3A_104] {strides = array<i32>} : memref<80x144xf32, #tpu.memory_space<vmem>>, vector<1x16xf32>,
      %swap3A_106 = vector.shape_cast %swap3A_105 : vector<1x16xf32> to vector<16xf32>
      %swap3A_107 = vector.shape_cast %broadcast_in_dim3A_3 : vector<16xf32> to vector<1x16xf32>
      tpu.vector_store %arg16[%swap3A_103, %swap3A_104], %swap3A_107 {strides = array<i32>} : memref<80x144xf32, #tpu.memory_space<vmem>>, vector<1x16xf32>,
      %swap3A_108 = arith.index_cast %scan3A_87 : i32 to index
      %swap3A_109 = arith.constant 64 : index
      %swap3A_110 = tpu.vector_load %arg16[%swap3A_108, %swap3A_109] {strides = array<i32>} : memref<80x144xf32, #tpu.memory_space<vmem>>, vector<1x16xf32>,
      %swap3A_111 = vector.shape_cast %swap3A_110 : vector<1x16xf32> to vector<16xf32>
      %swap3A_112 = vector.shape_cast %broadcast_in_dim3A_3 : vector<16xf32> to vector<1x16xf32>
      tpu.vector_store %arg16[%swap3A_108, %swap3A_109], %swap3A_112 {strides = array<i32>} : memref<80x144xf32, #tpu.memory_space<vmem>>, vector<1x16xf32>,
      %swap3A_113 = arith.index_cast %scan3A_87 : i32 to index
      %swap3A_114 = arith.constant 80 : index
      %swap3A_115 = tpu.vector_load %arg16[%swap3A_113, %swap3A_114] {strides = array<i32>} : memref<80x144xf32, #tpu.memory_space<vmem>>, vector<1x16xf32>,
      %swap3A_116 = vector.shape_cast %swap3A_115 : vector<1x16xf32> to vector<16xf32>
      %swap3A_117 = vector.shape_cast %broadcast_in_dim3A_3 : vector<16xf32> to vector<1x16xf32>
      tpu.vector_store %arg16[%swap3A_113, %swap3A_114], %swap3A_117 {strides = array<i32>} : memref<80x144xf32, #tpu.memory_space<vmem>>, vector<1x16xf32>,
      %swap3A_118 = arith.index_cast %scan3A_87 : i32 to index
      %swap3A_119 = arith.constant 96 : index
      %swap3A_120 = tpu.vector_load %arg16[%swap3A_118, %swap3A_119] {strides = array<i32>} : memref<80x144xf32, #tpu.memory_space<vmem>>, vector<1x16xf32>,
      %swap3A_121 = vector.shape_cast %swap3A_120 : vector<1x16xf32> to vector<16xf32>
      %swap3A_122 = vector.shape_cast %broadcast_in_dim3A_3 : vector<16xf32> to vector<1x16xf32>
      tpu.vector_store %arg16[%swap3A_118, %swap3A_119], %swap3A_122 {strides = array<i32>} : memref<80x144xf32, #tpu.memory_space<vmem>>, vector<1x16xf32>,
      %swap3A_123 = arith.index_cast %scan3A_87 : i32 to index
      %swap3A_124 = arith.constant 112 : index
      %swap3A_125 = tpu.vector_load %arg16[%swap3A_123, %swap3A_124] {strides = array<i32>} : memref<80x144xf32, #tpu.memory_space<vmem>>, vector<1x16xf32>,
      %swap3A_126 = vector.shape_cast %swap3A_125 : vector<1x16xf32> to vector<16xf32>
      %swap3A_127 = vector.shape_cast %broadcast_in_dim3A_3 : vector<16xf32> to vector<1x16xf32>
      tpu.vector_store %arg16[%swap3A_123, %swap3A_124], %swap3A_127 {strides = array<i32>} : memref<80x144xf32, #tpu.memory_space<vmem>>, vector<1x16xf32>,
      %swap3A_128 = arith.index_cast %scan3A_87 : i32 to index
      %swap3A_129 = arith.constant 128 : index
      %swap3A_130 = tpu.vector_load %arg16[%swap3A_128, %swap3A_129] {strides = array<i32>} : memref<80x144xf32, #tpu.memory_space<vmem>>, vector<1x16xf32>,
      %swap3A_131 = vector.shape_cast %swap3A_130 : vector<1x16xf32> to vector<16xf32>
      %swap3A_132 = vector.shape_cast %broadcast_in_dim3A_3 : vector<16xf32> to vector<1x16xf32>
      tpu.vector_store %arg16[%swap3A_128, %swap3A_129], %swap3A_132 {strides = array<i32>} : memref<80x144xf32, #tpu.memory_space<vmem>>, vector<1x16xf32>,
      %scan3A_133 = arith.constant 0 : i32
      scf.yield %scan3A_133 : i32
    }
    %scan3A_9 = arith.constant 80 : i32
    %mul3A_10 = arith.constant 640 : i32
    %mul3A_11 = arith.muli %arg1, %mul3A_10 : i32
    %add3A_12 = arith.constant 0 : i32
    %add3A_13 = arith.addi %mul3A_11, %add3A_12 : i32
    "tpu.region"() ({
      %run_scoped3A = tpu.sem_alloc : memref<!tpu.dma_semaphore, #tpu.memory_space<semaphore_mem>>
      %dma_start3A_87 = arith.constant 0 : i32
      %dma_start3A_88 = tpu.memref_slice %arg18[%add3A_13, %dma_start3A_87] : memref<10240x144xf32, #tpu.memory_space<vmem_shared>> -> memref<80x144xf32, #tpu.memory_space<vmem_shared>>
      %dma_start3A_89 = arith.constant 0 : i32
      %dma_start3A_90 = tpu.memref_slice %arg18[%add3A_13, %dma_start3A_89] : memref<10240x144xf32, #tpu.memory_space<vmem_shared>> -> memref<80x144xf32, #tpu.memory_space<vmem_shared>>
      tpu.enqueue_dma source(%arg16 : memref<80x144xf32, #tpu.memory_space<vmem>>) target(%dma_start3A_90 : memref<80x144xf32, #tpu.memory_space<vmem_shared>>) target_semaphore(%run_scoped3A : memref<!tpu.dma_semaphore, #tpu.memory_space<semaphore_mem>>)
      %dma_wait3A_91 = arith.constant 0 : i32
      %dma_wait3A_92 = tpu.memref_slice %arg18[%add3A_13, %dma_wait3A_91] : memref<10240x144xf32, #tpu.memory_space<vmem_shared>> -> memref<80x144xf32, #tpu.memory_space<vmem_shared>>
      %dma_wait3A_93 = arith.constant 0 : i32
      %dma_wait3A_94 = tpu.memref_slice %arg18[%add3A_13, %dma_wait3A_93] : memref<10240x144xf32, #tpu.memory_space<vmem_shared>> -> memref<80x144xf32, #tpu.memory_space<vmem_shared>>
      tpu.wait_dma2 semaphore(%run_scoped3A : memref<!tpu.dma_semaphore, #tpu.memory_space<semaphore_mem>>) src(%arg16 : memref<80x144xf32, #tpu.memory_space<vmem>>) dst(%dma_wait3A_94 : memref<80x144xf32, #tpu.memory_space<vmem_shared>>)
      tpu.yield
    }) : () -> ()
    %add3A_14 = arith.constant 80 : i32
    %add3A_15 = arith.addi %mul3A_11, %add3A_14 : i32
    "tpu.region"() ({
      %run_scoped3A = tpu.sem_alloc : memref<!tpu.dma_semaphore, #tpu.memory_space<semaphore_mem>>
      %dma_start3A_87 = arith.constant 0 : i32
      %dma_start3A_88 = tpu.memref_slice %arg18[%add3A_15, %dma_start3A_87] : memref<10240x144xf32, #tpu.memory_space<vmem_shared>> -> memref<80x144xf32, #tpu.memory_space<vmem_shared>>
      %dma_start3A_89 = arith.constant 0 : i32
      %dma_start3A_90 = tpu.memref_slice %arg18[%add3A_15, %dma_start3A_89] : memref<10240x144xf32, #tpu.memory_space<vmem_shared>> -> memref<80x144xf32, #tpu.memory_space<vmem_shared>>
      tpu.enqueue_dma source(%arg16 : memref<80x144xf32, #tpu.memory_space<vmem>>) target(%dma_start3A_90 : memref<80x144xf32, #tpu.memory_space<vmem_shared>>) target_semaphore(%run_scoped3A : memref<!tpu.dma_semaphore, #tpu.memory_space<semaphore_mem>>)
      %dma_wait3A_91 = arith.constant 0 : i32
      %dma_wait3A_92 = tpu.memref_slice %arg18[%add3A_15, %dma_wait3A_91] : memref<10240x144xf32, #tpu.memory_space<vmem_shared>> -> memref<80x144xf32, #tpu.memory_space<vmem_shared>>
      %dma_wait3A_93 = arith.constant 0 : i32
      %dma_wait3A_94 = tpu.memref_slice %arg18[%add3A_15, %dma_wait3A_93] : memref<10240x144xf32, #tpu.memory_space<vmem_shared>> -> memref<80x144xf32, #tpu.memory_space<vmem_shared>>
      tpu.wait_dma2 semaphore(%run_scoped3A : memref<!tpu.dma_semaphore, #tpu.memory_space<semaphore_mem>>) src(%arg16 : memref<80x144xf32, #tpu.memory_space<vmem>>) dst(%dma_wait3A_94 : memref<80x144xf32, #tpu.memory_space<vmem_shared>>)
      tpu.yield
    }) : () -> ()
    %add3A_16 = arith.constant 160 : i32
    %add3A_17 = arith.addi %mul3A_11, %add3A_16 : i32
    "tpu.region"() ({
      %run_scoped3A = tpu.sem_alloc : memref<!tpu.dma_semaphore, #tpu.memory_space<semaphore_mem>>
      %dma_start3A_87 = arith.constant 0 : i32
      %dma_start3A_88 = tpu.memref_slice %arg18[%add3A_17, %dma_start3A_87] : memref<10240x144xf32, #tpu.memory_space<vmem_shared>> -> memref<80x144xf32, #tpu.memory_space<vmem_shared>>
      %dma_start3A_89 = arith.constant 0 : i32
      %dma_start3A_90 = tpu.memref_slice %arg18[%add3A_17, %dma_start3A_89] : memref<10240x144xf32, #tpu.memory_space<vmem_shared>> -> memref<80x144xf32, #tpu.memory_space<vmem_shared>>
      tpu.enqueue_dma source(%arg16 : memref<80x144xf32, #tpu.memory_space<vmem>>) target(%dma_start3A_90 : memref<80x144xf32, #tpu.memory_space<vmem_shared>>) target_semaphore(%run_scoped3A : memref<!tpu.dma_semaphore, #tpu.memory_space<semaphore_mem>>)
      %dma_wait3A_91 = arith.constant 0 : i32
      %dma_wait3A_92 = tpu.memref_slice %arg18[%add3A_17, %dma_wait3A_91] : memref<10240x144xf32, #tpu.memory_space<vmem_shared>> -> memref<80x144xf32, #tpu.memory_space<vmem_shared>>
      %dma_wait3A_93 = arith.constant 0 : i32
      %dma_wait3A_94 = tpu.memref_slice %arg18[%add3A_17, %dma_wait3A_93] : memref<10240x144xf32, #tpu.memory_space<vmem_shared>> -> memref<80x144xf32, #tpu.memory_space<vmem_shared>>
      tpu.wait_dma2 semaphore(%run_scoped3A : memref<!tpu.dma_semaphore, #tpu.memory_space<semaphore_mem>>) src(%arg16 : memref<80x144xf32, #tpu.memory_space<vmem>>) dst(%dma_wait3A_94 : memref<80x144xf32, #tpu.memory_space<vmem_shared>>)
      tpu.yield
    }) : () -> ()
    %add3A_18 = arith.constant 240 : i32
    %add3A_19 = arith.addi %mul3A_11, %add3A_18 : i32
    "tpu.region"() ({
      %run_scoped3A = tpu.sem_alloc : memref<!tpu.dma_semaphore, #tpu.memory_space<semaphore_mem>>
      %dma_start3A_87 = arith.constant 0 : i32
      %dma_start3A_88 = tpu.memref_slice %arg18[%add3A_19, %dma_start3A_87] : memref<10240x144xf32, #tpu.memory_space<vmem_shared>> -> memref<80x144xf32, #tpu.memory_space<vmem_shared>>
      %dma_start3A_89 = arith.constant 0 : i32
      %dma_start3A_90 = tpu.memref_slice %arg18[%add3A_19, %dma_start3A_89] : memref<10240x144xf32, #tpu.memory_space<vmem_shared>> -> memref<80x144xf32, #tpu.memory_space<vmem_shared>>
      tpu.enqueue_dma source(%arg16 : memref<80x144xf32, #tpu.memory_space<vmem>>) target(%dma_start3A_90 : memref<80x144xf32, #tpu.memory_space<vmem_shared>>) target_semaphore(%run_scoped3A : memref<!tpu.dma_semaphore, #tpu.memory_space<semaphore_mem>>)
      %dma_wait3A_91 = arith.constant 0 : i32
      %dma_wait3A_92 = tpu.memref_slice %arg18[%add3A_19, %dma_wait3A_91] : memref<10240x144xf32, #tpu.memory_space<vmem_shared>> -> memref<80x144xf32, #tpu.memory_space<vmem_shared>>
      %dma_wait3A_93 = arith.constant 0 : i32
      %dma_wait3A_94 = tpu.memref_slice %arg18[%add3A_19, %dma_wait3A_93] : memref<10240x144xf32, #tpu.memory_space<vmem_shared>> -> memref<80x144xf32, #tpu.memory_space<vmem_shared>>
      tpu.wait_dma2 semaphore(%run_scoped3A : memref<!tpu.dma_semaphore, #tpu.memory_space<semaphore_mem>>) src(%arg16 : memref<80x144xf32, #tpu.memory_space<vmem>>) dst(%dma_wait3A_94 : memref<80x144xf32, #tpu.memory_space<vmem_shared>>)
      tpu.yield
    }) : () -> ()
    %add3A_20 = arith.constant 320 : i32
    %add3A_21 = arith.addi %mul3A_11, %add3A_20 : i32
    "tpu.region"() ({
      %run_scoped3A = tpu.sem_alloc : memref<!tpu.dma_semaphore, #tpu.memory_space<semaphore_mem>>
      %dma_start3A_87 = arith.constant 0 : i32
      %dma_start3A_88 = tpu.memref_slice %arg18[%add3A_21, %dma_start3A_87] : memref<10240x144xf32, #tpu.memory_space<vmem_shared>> -> memref<80x144xf32, #tpu.memory_space<vmem_shared>>
      %dma_start3A_89 = arith.constant 0 : i32
      %dma_start3A_90 = tpu.memref_slice %arg18[%add3A_21, %dma_start3A_89] : memref<10240x144xf32, #tpu.memory_space<vmem_shared>> -> memref<80x144xf32, #tpu.memory_space<vmem_shared>>
      tpu.enqueue_dma source(%arg16 : memref<80x144xf32, #tpu.memory_space<vmem>>) target(%dma_start3A_90 : memref<80x144xf32, #tpu.memory_space<vmem_shared>>) target_semaphore(%run_scoped3A : memref<!tpu.dma_semaphore, #tpu.memory_space<semaphore_mem>>)
      %dma_wait3A_91 = arith.constant 0 : i32
      %dma_wait3A_92 = tpu.memref_slice %arg18[%add3A_21, %dma_wait3A_91] : memref<10240x144xf32, #tpu.memory_space<vmem_shared>> -> memref<80x144xf32, #tpu.memory_space<vmem_shared>>
      %dma_wait3A_93 = arith.constant 0 : i32
      %dma_wait3A_94 = tpu.memref_slice %arg18[%add3A_21, %dma_wait3A_93] : memref<10240x144xf32, #tpu.memory_space<vmem_shared>> -> memref<80x144xf32, #tpu.memory_space<vmem_shared>>
      tpu.wait_dma2 semaphore(%run_scoped3A : memref<!tpu.dma_semaphore, #tpu.memory_space<semaphore_mem>>) src(%arg16 : memref<80x144xf32, #tpu.memory_space<vmem>>) dst(%dma_wait3A_94 : memref<80x144xf32, #tpu.memory_space<vmem_shared>>)
      tpu.yield
    }) : () -> ()
    %add3A_22 = arith.constant 400 : i32
    %add3A_23 = arith.addi %mul3A_11, %add3A_22 : i32
    "tpu.region"() ({
      %run_scoped3A = tpu.sem_alloc : memref<!tpu.dma_semaphore, #tpu.memory_space<semaphore_mem>>
      %dma_start3A_87 = arith.constant 0 : i32
      %dma_start3A_88 = tpu.memref_slice %arg18[%add3A_23, %dma_start3A_87] : memref<10240x144xf32, #tpu.memory_space<vmem_shared>> -> memref<80x144xf32, #tpu.memory_space<vmem_shared>>
      %dma_start3A_89 = arith.constant 0 : i32
      %dma_start3A_90 = tpu.memref_slice %arg18[%add3A_23, %dma_start3A_89] : memref<10240x144xf32, #tpu.memory_space<vmem_shared>> -> memref<80x144xf32, #tpu.memory_space<vmem_shared>>
      tpu.enqueue_dma source(%arg16 : memref<80x144xf32, #tpu.memory_space<vmem>>) target(%dma_start3A_90 : memref<80x144xf32, #tpu.memory_space<vmem_shared>>) target_semaphore(%run_scoped3A : memref<!tpu.dma_semaphore, #tpu.memory_space<semaphore_mem>>)
      %dma_wait3A_91 = arith.constant 0 : i32
      %dma_wait3A_92 = tpu.memref_slice %arg18[%add3A_23, %dma_wait3A_91] : memref<10240x144xf32, #tpu.memory_space<vmem_shared>> -> memref<80x144xf32, #tpu.memory_space<vmem_shared>>
      %dma_wait3A_93 = arith.constant 0 : i32
      %dma_wait3A_94 = tpu.memref_slice %arg18[%add3A_23, %dma_wait3A_93] : memref<10240x144xf32, #tpu.memory_space<vmem_shared>> -> memref<80x144xf32, #tpu.memory_space<vmem_shared>>
      tpu.wait_dma2 semaphore(%run_scoped3A : memref<!tpu.dma_semaphore, #tpu.memory_space<semaphore_mem>>) src(%arg16 : memref<80x144xf32, #tpu.memory_space<vmem>>) dst(%dma_wait3A_94 : memref<80x144xf32, #tpu.memory_space<vmem_shared>>)
      tpu.yield
    }) : () -> ()
    %add3A_24 = arith.constant 480 : i32
    %add3A_25 = arith.addi %mul3A_11, %add3A_24 : i32
    "tpu.region"() ({
      %run_scoped3A = tpu.sem_alloc : memref<!tpu.dma_semaphore, #tpu.memory_space<semaphore_mem>>
      %dma_start3A_87 = arith.constant 0 : i32
      %dma_start3A_88 = tpu.memref_slice %arg18[%add3A_25, %dma_start3A_87] : memref<10240x144xf32, #tpu.memory_space<vmem_shared>> -> memref<80x144xf32, #tpu.memory_space<vmem_shared>>
      %dma_start3A_89 = arith.constant 0 : i32
      %dma_start3A_90 = tpu.memref_slice %arg18[%add3A_25, %dma_start3A_89] : memref<10240x144xf32, #tpu.memory_space<vmem_shared>> -> memref<80x144xf32, #tpu.memory_space<vmem_shared>>
      tpu.enqueue_dma source(%arg16 : memref<80x144xf32, #tpu.memory_space<vmem>>) target(%dma_start3A_90 : memref<80x144xf32, #tpu.memory_space<vmem_shared>>) target_semaphore(%run_scoped3A : memref<!tpu.dma_semaphore, #tpu.memory_space<semaphore_mem>>)
      %dma_wait3A_91 = arith.constant 0 : i32
      %dma_wait3A_92 = tpu.memref_slice %arg18[%add3A_25, %dma_wait3A_91] : memref<10240x144xf32, #tpu.memory_space<vmem_shared>> -> memref<80x144xf32, #tpu.memory_space<vmem_shared>>
      %dma_wait3A_93 = arith.constant 0 : i32
      %dma_wait3A_94 = tpu.memref_slice %arg18[%add3A_25, %dma_wait3A_93] : memref<10240x144xf32, #tpu.memory_space<vmem_shared>> -> memref<80x144xf32, #tpu.memory_space<vmem_shared>>
      tpu.wait_dma2 semaphore(%run_scoped3A : memref<!tpu.dma_semaphore, #tpu.memory_space<semaphore_mem>>) src(%arg16 : memref<80x144xf32, #tpu.memory_space<vmem>>) dst(%dma_wait3A_94 : memref<80x144xf32, #tpu.memory_space<vmem_shared>>)
      tpu.yield
    }) : () -> ()
    %add3A_26 = arith.constant 560 : i32
    %add3A_27 = arith.addi %mul3A_11, %add3A_26 : i32
    "tpu.region"() ({
      %run_scoped3A = tpu.sem_alloc : memref<!tpu.dma_semaphore, #tpu.memory_space<semaphore_mem>>
      %dma_start3A_87 = arith.constant 0 : i32
      %dma_start3A_88 = tpu.memref_slice %arg18[%add3A_27, %dma_start3A_87] : memref<10240x144xf32, #tpu.memory_space<vmem_shared>> -> memref<80x144xf32, #tpu.memory_space<vmem_shared>>
      %dma_start3A_89 = arith.constant 0 : i32
      %dma_start3A_90 = tpu.memref_slice %arg18[%add3A_27, %dma_start3A_89] : memref<10240x144xf32, #tpu.memory_space<vmem_shared>> -> memref<80x144xf32, #tpu.memory_space<vmem_shared>>
      tpu.enqueue_dma source(%arg16 : memref<80x144xf32, #tpu.memory_space<vmem>>) target(%dma_start3A_90 : memref<80x144xf32, #tpu.memory_space<vmem_shared>>) target_semaphore(%run_scoped3A : memref<!tpu.dma_semaphore, #tpu.memory_space<semaphore_mem>>)
      %dma_wait3A_91 = arith.constant 0 : i32
      %dma_wait3A_92 = tpu.memref_slice %arg18[%add3A_27, %dma_wait3A_91] : memref<10240x144xf32, #tpu.memory_space<vmem_shared>> -> memref<80x144xf32, #tpu.memory_space<vmem_shared>>
      %dma_wait3A_93 = arith.constant 0 : i32
      %dma_wait3A_94 = tpu.memref_slice %arg18[%add3A_27, %dma_wait3A_93] : memref<10240x144xf32, #tpu.memory_space<vmem_shared>> -> memref<80x144xf32, #tpu.memory_space<vmem_shared>>
      tpu.wait_dma2 semaphore(%run_scoped3A : memref<!tpu.dma_semaphore, #tpu.memory_space<semaphore_mem>>) src(%arg16 : memref<80x144xf32, #tpu.memory_space<vmem>>) dst(%dma_wait3A_94 : memref<80x144xf32, #tpu.memory_space<vmem_shared>>)
      tpu.yield
    }) : () -> ()
    %barrier3A = arith.constant 0 : index
    tpu.barrier barrier_id(%barrier3A)
    %add3A_28 = arith.constant 0 : i32
    %add3A_29 = arith.addi %mul3A_2, %add3A_28 : i32
    %dma_start3A = tpu.memref_slice %arg2[%add3A_29] : memref<320000xi32, #tpu.memory_space<hbm>> -> memref<80xi32, #tpu.memory_space<hbm>>
    %dma_start3A_30 = tpu.memref_slice %arg2[%add3A_29] : memref<320000xi32, #tpu.memory_space<hbm>> -> memref<80xi32, #tpu.memory_space<hbm>>
    tpu.enqueue_dma source(%dma_start3A_30 : memref<80xi32, #tpu.memory_space<hbm>>) target(%arg10 : memref<80xi32, #tpu.memory_space<vmem>>) target_semaphore(%arg19 : memref<!tpu.dma_semaphore, #tpu.memory_space<semaphore_mem>>)
    %dma_start3A_31 = tpu.memref_slice %arg3[%add3A_29] : memref<320000xi32, #tpu.memory_space<hbm>> -> memref<80xi32, #tpu.memory_space<hbm>>
    %dma_start3A_32 = tpu.memref_slice %arg3[%add3A_29] : memref<320000xi32, #tpu.memory_space<hbm>> -> memref<80xi32, #tpu.memory_space<hbm>>
    tpu.enqueue_dma source(%dma_start3A_32 : memref<80xi32, #tpu.memory_space<hbm>>) target(%arg12 : memref<80xi32, #tpu.memory_space<vmem>>) target_semaphore(%arg19 : memref<!tpu.dma_semaphore, #tpu.memory_space<semaphore_mem>>)
    %dma_start3A_33 = arith.constant 0 : i32
    %dma_start3A_34 = tpu.memref_slice %arg4[%add3A_29, %dma_start3A_33] : memref<320000x16xf32, #tpu.memory_space<hbm>> -> memref<80x16xf32, #tpu.memory_space<hbm>>
    %dma_start3A_35 = arith.constant 0 : i32
    %dma_start3A_36 = tpu.memref_slice %arg4[%add3A_29, %dma_start3A_35] : memref<320000x16xf32, #tpu.memory_space<hbm>> -> memref<80x16xf32, #tpu.memory_space<hbm>>
    tpu.enqueue_dma source(%dma_start3A_36 : memref<80x16xf32, #tpu.memory_space<hbm>>) target(%arg8 : memref<80x16xf32, #tpu.memory_space<vmem>>) target_semaphore(%arg19 : memref<!tpu.dma_semaphore, #tpu.memory_space<semaphore_mem>>)
    %add3A_37 = arith.constant 0 : i32
    %add3A_38 = arith.addi %mul3A_2, %add3A_37 : i32
    %dma_wait3A = tpu.memref_slice %arg2[%add3A_38] : memref<320000xi32, #tpu.memory_space<hbm>> -> memref<80xi32, #tpu.memory_space<hbm>>
    %dma_wait3A_39 = tpu.memref_slice %arg2[%add3A_38] : memref<320000xi32, #tpu.memory_space<hbm>> -> memref<80xi32, #tpu.memory_space<hbm>>
    tpu.wait_dma2 semaphore(%arg19 : memref<!tpu.dma_semaphore, #tpu.memory_space<semaphore_mem>>) src(%dma_wait3A_39 : memref<80xi32, #tpu.memory_space<hbm>>) dst(%arg10 : memref<80xi32, #tpu.memory_space<vmem>>)
    %dma_wait3A_40 = tpu.memref_slice %arg3[%add3A_38] : memref<320000xi32, #tpu.memory_space<hbm>> -> memref<80xi32, #tpu.memory_space<hbm>>
    %dma_wait3A_41 = tpu.memref_slice %arg3[%add3A_38] : memref<320000xi32, #tpu.memory_space<hbm>> -> memref<80xi32, #tpu.memory_space<hbm>>
    tpu.wait_dma2 semaphore(%arg19 : memref<!tpu.dma_semaphore, #tpu.memory_space<semaphore_mem>>) src(%dma_wait3A_41 : memref<80xi32, #tpu.memory_space<hbm>>) dst(%arg12 : memref<80xi32, #tpu.memory_space<vmem>>)
    %dma_wait3A_42 = arith.constant 0 : i32
    %dma_wait3A_43 = tpu.memref_slice %arg4[%add3A_38, %dma_wait3A_42] : memref<320000x16xf32, #tpu.memory_space<hbm>> -> memref<80x16xf32, #tpu.memory_space<hbm>>
    %dma_wait3A_44 = arith.constant 0 : i32
    %dma_wait3A_45 = tpu.memref_slice %arg4[%add3A_38, %dma_wait3A_44] : memref<320000x16xf32, #tpu.memory_space<hbm>> -> memref<80x16xf32, #tpu.memory_space<hbm>>
    tpu.wait_dma2 semaphore(%arg19 : memref<!tpu.dma_semaphore, #tpu.memory_space<semaphore_mem>>) src(%dma_wait3A_45 : memref<80x16xf32, #tpu.memory_space<hbm>>) dst(%arg8 : memref<80x16xf32, #tpu.memory_space<vmem>>)
    %dma_start3A_46 = arith.constant 0 : i32
    %dma_start3A_47 = arith.constant 0 : i32
    %dma_start3A_48 = tpu.memref_slice %arg5[%dma_start3A_46, %dma_start3A_47] : memref<10000x16xf32, #tpu.memory_space<hbm>> -> memref<10000x16xf32, #tpu.memory_space<hbm>>
    tpu.enqueue_indirect_dma source(%dma_start3A_48 : memref<10000x16xf32, #tpu.memory_space<hbm>>) target(%arg14 : memref<80x16xf32, #tpu.memory_space<vmem>>) offsets(%arg10 : memref<80xi32, #tpu.memory_space<vmem>>) semaphore(%arg20 : memref<!tpu.dma_semaphore, #tpu.memory_space<semaphore_mem>>)
    %dma_start3A_49 = arith.constant 0 : i32
    %dma_start3A_50 = arith.constant 0 : i32
    %dma_start3A_51 = tpu.memref_slice %arg6[%dma_start3A_49, %dma_start3A_50] : memref<10000x144xf32, #tpu.memory_space<hbm>> -> memref<10000x144xf32, #tpu.memory_space<hbm>>
    tpu.enqueue_indirect_dma source(%dma_start3A_51 : memref<10000x144xf32, #tpu.memory_space<hbm>>) target(%arg16 : memref<80x144xf32, #tpu.memory_space<vmem>>) offsets(%arg12 : memref<80xi32, #tpu.memory_space<vmem>>) semaphore(%arg20 : memref<!tpu.dma_semaphore, #tpu.memory_space<semaphore_mem>>)
    %add3A_52 = arith.constant 80 : i32
    %add3A_53 = arith.addi %mul3A_2, %add3A_52 : i32
    %dma_start3A_54 = tpu.memref_slice %arg2[%add3A_53] : memref<320000xi32, #tpu.memory_space<hbm>> -> memref<80xi32, #tpu.memory_space<hbm>>
    %dma_start3A_55 = tpu.memref_slice %arg2[%add3A_53] : memref<320000xi32, #tpu.memory_space<hbm>> -> memref<80xi32, #tpu.memory_space<hbm>>
    tpu.enqueue_dma source(%dma_start3A_55 : memref<80xi32, #tpu.memory_space<hbm>>) target(%arg11 : memref<80xi32, #tpu.memory_space<vmem>>) target_semaphore(%arg19 : memref<!tpu.dma_semaphore, #tpu.memory_space<semaphore_mem>>)
    %dma_start3A_56 = tpu.memref_slice %arg3[%add3A_53] : memref<320000xi32, #tpu.memory_space<hbm>> -> memref<80xi32, #tpu.memory_space<hbm>>
    %dma_start3A_57 = tpu.memref_slice %arg3[%add3A_53] : memref<320000xi32, #tpu.memory_space<hbm>> -> memref<80xi32, #tpu.memory_space<hbm>>
    tpu.enqueue_dma source(%dma_start3A_57 : memref<80xi32, #tpu.memory_space<hbm>>) target(%arg13 : memref<80xi32, #tpu.memory_space<vmem>>) target_semaphore(%arg19 : memref<!tpu.dma_semaphore, #tpu.memory_space<semaphore_mem>>)
    %dma_start3A_58 = arith.constant 0 : i32
    %dma_start3A_59 = tpu.memref_slice %arg4[%add3A_53, %dma_start3A_58] : memref<320000x16xf32, #tpu.memory_space<hbm>> -> memref<80x16xf32, #tpu.memory_space<hbm>>
    %dma_start3A_60 = arith.constant 0 : i32
    %dma_start3A_61 = tpu.memref_slice %arg4[%add3A_53, %dma_start3A_60] : memref<320000x16xf32, #tpu.memory_space<hbm>> -> memref<80x16xf32, #tpu.memory_space<hbm>>
    tpu.enqueue_dma source(%dma_start3A_61 : memref<80x16xf32, #tpu.memory_space<hbm>>) target(%arg9 : memref<80x16xf32, #tpu.memory_space<vmem>>) target_semaphore(%arg19 : memref<!tpu.dma_semaphore, #tpu.memory_space<semaphore_mem>>)
    %scan3A_62 = arith.constant 0 : i32
    %scan3A_63 = arith.constant 0 : i32
    %scan3A_64 = arith.constant 62 : i32
    %scan3A_65 = arith.addi %scan3A_63, %scan3A_64 : i32
    %scan3A_66 = arith.constant 1 : i32
    %scan3A_67 = scf.for %scan3A_87 = %scan3A_63 to %scan3A_65 step %scan3A_66 iter_args(%scan3A_88 = %scan3A_62) -> (i32)  : i32 {
      %mul3A_89 = arith.constant 2 : i32
      %mul3A_90 = arith.muli %mul3A_89, %scan3A_87 : i32
      %dma_wait3A_91 = arith.constant 0 : i32
      %dma_wait3A_92 = arith.constant 0 : i32
      %dma_wait3A_93 = tpu.memref_slice %arg5[%dma_wait3A_91, %dma_wait3A_92] : memref<10000x16xf32, #tpu.memory_space<hbm>> -> memref<10000x16xf32, #tpu.memory_space<hbm>>
      tpu.wait_indirect_dma semaphore(%arg20 : memref<!tpu.dma_semaphore, #tpu.memory_space<semaphore_mem>>) src(%dma_wait3A_93 : memref<10000x16xf32, #tpu.memory_space<hbm>>) dst(%arg14 : memref<80x16xf32, #tpu.memory_space<vmem>>)
      %dma_wait3A_94 = arith.constant 0 : i32
      %dma_wait3A_95 = arith.constant 0 : i32
      %dma_wait3A_96 = tpu.memref_slice %arg6[%dma_wait3A_94, %dma_wait3A_95] : memref<10000x144xf32, #tpu.memory_space<hbm>> -> memref<10000x144xf32, #tpu.memory_space<hbm>>
      tpu.wait_indirect_dma semaphore(%arg20 : memref<!tpu.dma_semaphore, #tpu.memory_space<semaphore_mem>>) src(%dma_wait3A_96 : memref<10000x144xf32, #tpu.memory_space<hbm>>) dst(%arg16 : memref<80x144xf32, #tpu.memory_space<vmem>>)
      %add3A_97 = arith.constant 1 : i32
      %add3A_98 = arith.addi %mul3A_90, %add3A_97 : i32
      %mul3A_99 = arith.constant 80 : i32
      %mul3A_100 = arith.muli %add3A_98, %mul3A_99 : i32
      %add3A_101 = arith.addi %mul3A_2, %mul3A_100 : i32
      %dma_wait3A_102 = tpu.memref_slice %arg2[%add3A_101] : memref<320000xi32, #tpu.memory_space<hbm>> -> memref<80xi32, #tpu.memory_space<hbm>>
      %dma_wait3A_103 = tpu.memref_slice %arg2[%add3A_101] : memref<320000xi32, #tpu.memory_space<hbm>> -> memref<80xi32, #tpu.memory_space<hbm>>
      tpu.wait_dma2 semaphore(%arg19 : memref<!tpu.dma_semaphore, #tpu.memory_space<semaphore_mem>>) src(%dma_wait3A_103 : memref<80xi32, #tpu.memory_space<hbm>>) dst(%arg11 : memref<80xi32, #tpu.memory_space<vmem>>)
      %dma_wait3A_104 = tpu.memref_slice %arg3[%add3A_101] : memref<320000xi32, #tpu.memory_space<hbm>> -> memref<80xi32, #tpu.memory_space<hbm>>
      %dma_wait3A_105 = tpu.memref_slice %arg3[%add3A_101] : memref<320000xi32, #tpu.memory_space<hbm>> -> memref<80xi32, #tpu.memory_space<hbm>>
      tpu.wait_dma2 semaphore(%arg19 : memref<!tpu.dma_semaphore, #tpu.memory_space<semaphore_mem>>) src(%dma_wait3A_105 : memref<80xi32, #tpu.memory_space<hbm>>) dst(%arg13 : memref<80xi32, #tpu.memory_space<vmem>>)
      %dma_wait3A_106 = arith.constant 0 : i32
      %dma_wait3A_107 = tpu.memref_slice %arg4[%add3A_101, %dma_wait3A_106] : memref<320000x16xf32, #tpu.memory_space<hbm>> -> memref<80x16xf32, #tpu.memory_space<hbm>>
      %dma_wait3A_108 = arith.constant 0 : i32
      %dma_wait3A_109 = tpu.memref_slice %arg4[%add3A_101, %dma_wait3A_108] : memref<320000x16xf32, #tpu.memory_space<hbm>> -> memref<80x16xf32, #tpu.memory_space<hbm>>
      tpu.wait_dma2 semaphore(%arg19 : memref<!tpu.dma_semaphore, #tpu.memory_space<semaphore_mem>>) src(%dma_wait3A_109 : memref<80x16xf32, #tpu.memory_space<hbm>>) dst(%arg9 : memref<80x16xf32, #tpu.memory_space<vmem>>)
      %dma_start3A_110 = arith.constant 0 : i32
      %dma_start3A_111 = arith.constant 0 : i32
      %dma_start3A_112 = tpu.memref_slice %arg5[%dma_start3A_110, %dma_start3A_111] : memref<10000x16xf32, #tpu.memory_space<hbm>> -> memref<10000x16xf32, #tpu.memory_space<hbm>>
      tpu.enqueue_indirect_dma source(%dma_start3A_112 : memref<10000x16xf32, #tpu.memory_space<hbm>>) target(%arg15 : memref<80x16xf32, #tpu.memory_space<vmem>>) offsets(%arg11 : memref<80xi32, #tpu.memory_space<vmem>>) semaphore(%arg20 : memref<!tpu.dma_semaphore, #tpu.memory_space<semaphore_mem>>)
      %dma_start3A_113 = arith.constant 0 : i32
      %dma_start3A_114 = arith.constant 0 : i32
      %dma_start3A_115 = tpu.memref_slice %arg6[%dma_start3A_113, %dma_start3A_114] : memref<10000x144xf32, #tpu.memory_space<hbm>> -> memref<10000x144xf32, #tpu.memory_space<hbm>>
      tpu.enqueue_indirect_dma source(%dma_start3A_115 : memref<10000x144xf32, #tpu.memory_space<hbm>>) target(%arg17 : memref<80x144xf32, #tpu.memory_space<vmem>>) offsets(%arg13 : memref<80xi32, #tpu.memory_space<vmem>>) semaphore(%arg20 : memref<!tpu.dma_semaphore, #tpu.memory_space<semaphore_mem>>)
      %scan3A_116 = arith.constant 0 : i32
      %scan3A_117 = arith.constant 0 : i32
      %scan3A_118 = arith.constant 80 : i32
      %scan3A_119 = arith.addi %scan3A_117, %scan3A_118 : i32
      %scan3A_120 = arith.constant 4 : i32
      %scan3A_121 = scf.for %scan3A_171 = %scan3A_117 to %scan3A_119 step %scan3A_120 iter_args(%scan3A_172 = %scan3A_116) -> (i32)  : i32 {
        %get3A = arith.index_cast %scan3A_171 : i32 to index
        %get3A_173 = arith.constant 0 : index
        %get3A_174 = tpu.vector_load %arg14[%get3A, %get3A_173] {strides = array<i32>} : memref<80x16xf32, #tpu.memory_space<vmem>>, vector<1x16xf32>,
        %get3A_175 = vector.shape_cast %get3A_174 : vector<1x16xf32> to vector<16xf32>
        %get3A_176 = arith.index_cast %scan3A_171 : i32 to index
        %get3A_177 = arith.constant 128 : index
        %get3A_178 = tpu.vector_load %arg16[%get3A_176, %get3A_177] {strides = array<i32>} : memref<80x144xf32, #tpu.memory_space<vmem>>, vector<1x16xf32>,
        %get3A_179 = vector.shape_cast %get3A_178 : vector<1x16xf32> to vector<16xf32>
        %add3A_180 = arith.addf %get3A_175, %get3A_179 : vector<16xf32>
        %get3A_181 = arith.index_cast %scan3A_171 : i32 to index
        %get3A_182 = arith.constant 0 : index
        %get3A_183 = tpu.vector_load %arg8[%get3A_181, %get3A_182] {strides = array<i32>} : memref<80x16xf32, #tpu.memory_space<vmem>>, vector<1x16xf32>,
        %get3A_184 = vector.shape_cast %get3A_183 : vector<1x16xf32> to vector<16xf32>
        %add3A_185 = arith.addf %add3A_180, %get3A_184 : vector<16xf32>
        %ge3A = arith.constant 0.000000e+00 : f32
        %ge3A_186 = vector.broadcast %ge3A : f32 to vector<16xf32>
        %ge3A_187 = arith.cmpf oge, %add3A_185, %ge3A_186 : vector<16xf32>
        %mul3A_188 = arith.constant 0.00999999977 : f32
        %mul3A_189 = vector.broadcast %mul3A_188 : f32 to vector<16xf32>
        %mul3A_190 = arith.mulf %mul3A_189, %add3A_185 : vector<16xf32>
        %select_n3A = arith.select %ge3A_187, %add3A_185, %mul3A_190 : vector<16xi1>, vector<16xf32>
        %min3A = arith.constant 7.000000e+01 : f32
        %min3A_191 = vector.broadcast %min3A : f32 to vector<16xf32>
        %min3A_192 = arith.minimumf %select_n3A, %min3A_191 : vector<16xf32>
        %exp3A = math.exp %min3A_192 : vector<16xf32>
        %swap3A = arith.index_cast %scan3A_171 : i32 to index
        %swap3A_193 = arith.constant 128 : index
        %swap3A_194 = tpu.vector_load %arg16[%swap3A, %swap3A_193] {strides = array<i32>} : memref<80x144xf32, #tpu.memory_space<vmem>>, vector<1x16xf32>,
        %swap3A_195 = vector.shape_cast %swap3A_194 : vector<1x16xf32> to vector<16xf32>
        %swap3A_196 = vector.shape_cast %exp3A : vector<16xf32> to vector<1x16xf32>
        tpu.vector_store %arg16[%swap3A, %swap3A_193], %swap3A_196 {strides = array<i32>} : memref<80x144xf32, #tpu.memory_space<vmem>>, vector<1x16xf32>,
        %slice3A = vector.extract_strided_slice %exp3A {offsets = [0], sizes = [1], strides = [1]} : vector<16xf32> to vector<1xf32>
        %squeeze3A = vector.extract %slice3A[0] : f32 from vector<1xf32>
        %get3A_197 = arith.index_cast %scan3A_171 : i32 to index
        %get3A_198 = arith.constant 0 : index
        %get3A_199 = tpu.vector_load %arg16[%get3A_197, %get3A_198] {strides = array<i32>} : memref<80x144xf32, #tpu.memory_space<vmem>>, vector<1x16xf32>,
        %get3A_200 = vector.shape_cast %get3A_199 : vector<1x16xf32> to vector<16xf32>
        %mul3A_201 = vector.broadcast %squeeze3A : f32 to vector<16xf32>
        %mul3A_202 = arith.mulf %get3A_200, %mul3A_201 : vector<16xf32>
        %swap3A_203 = arith.index_cast %scan3A_171 : i32 to index
        %swap3A_204 = arith.constant 0 : index
        %swap3A_205 = tpu.vector_load %arg16[%swap3A_203, %swap3A_204] {strides = array<i32>} : memref<80x144xf32, #tpu.memory_space<vmem>>, vector<1x16xf32>,
        %swap3A_206 = vector.shape_cast %swap3A_205 : vector<1x16xf32> to vector<16xf32>
        %swap3A_207 = vector.shape_cast %mul3A_202 : vector<16xf32> to vector<1x16xf32>
        tpu.vector_store %arg16[%swap3A_203, %swap3A_204], %swap3A_207 {strides = array<i32>} : memref<80x144xf32, #tpu.memory_space<vmem>>, vector<1x16xf32>,
        %slice3A_208 = vector.extract_strided_slice %exp3A {offsets = [1], sizes = [1], strides = [1]} : vector<16xf32> to vector<1xf32>
        %squeeze3A_209 = vector.extract %slice3A_208[0] : f32 from vector<1xf32>
        %get3A_210 = arith.index_cast %scan3A_171 : i32 to index
        %get3A_211 = arith.constant 16 : index
        %get3A_212 = tpu.vector_load %arg16[%get3A_210, %get3A_211] {strides = array<i32>} : memref<80x144xf32, #tpu.memory_space<vmem>>, vector<1x16xf32>,
        %get3A_213 = vector.shape_cast %get3A_212 : vector<1x16xf32> to vector<16xf32>
        %mul3A_214 = vector.broadcast %squeeze3A_209 : f32 to vector<16xf32>
        %mul3A_215 = arith.mulf %get3A_213, %mul3A_214 : vector<16xf32>
        %swap3A_216 = arith.index_cast %scan3A_171 : i32 to index
        %swap3A_217 = arith.constant 16 : index
        %swap3A_218 = tpu.vector_load %arg16[%swap3A_216, %swap3A_217] {strides = array<i32>} : memref<80x144xf32, #tpu.memory_space<vmem>>, vector<1x16xf32>,
        %swap3A_219 = vector.shape_cast %swap3A_218 : vector<1x16xf32> to vector<16xf32>
        %swap3A_220 = vector.shape_cast %mul3A_215 : vector<16xf32> to vector<1x16xf32>
        tpu.vector_store %arg16[%swap3A_216, %swap3A_217], %swap3A_220 {strides = array<i32>} : memref<80x144xf32, #tpu.memory_space<vmem>>, vector<1x16xf32>,
        %slice3A_221 = vector.extract_strided_slice %exp3A {offsets = [2], sizes = [1], strides = [1]} : vector<16xf32> to vector<1xf32>
        %squeeze3A_222 = vector.extract %slice3A_221[0] : f32 from vector<1xf32>
        %get3A_223 = arith.index_cast %scan3A_171 : i32 to index
        %get3A_224 = arith.constant 32 : index
        %get3A_225 = tpu.vector_load %arg16[%get3A_223, %get3A_224] {strides = array<i32>} : memref<80x144xf32, #tpu.memory_space<vmem>>, vector<1x16xf32>,
        %get3A_226 = vector.shape_cast %get3A_225 : vector<1x16xf32> to vector<16xf32>
        %mul3A_227 = vector.broadcast %squeeze3A_222 : f32 to vector<16xf32>
        %mul3A_228 = arith.mulf %get3A_226, %mul3A_227 : vector<16xf32>
        %swap3A_229 = arith.index_cast %scan3A_171 : i32 to index
        %swap3A_230 = arith.constant 32 : index
        %swap3A_231 = tpu.vector_load %arg16[%swap3A_229, %swap3A_230] {strides = array<i32>} : memref<80x144xf32, #tpu.memory_space<vmem>>, vector<1x16xf32>,
        %swap3A_232 = vector.shape_cast %swap3A_231 : vector<1x16xf32> to vector<16xf32>
        %swap3A_233 = vector.shape_cast %mul3A_228 : vector<16xf32> to vector<1x16xf32>
        tpu.vector_store %arg16[%swap3A_229, %swap3A_230], %swap3A_233 {strides = array<i32>} : memref<80x144xf32, #tpu.memory_space<vmem>>, vector<1x16xf32>,
        %slice3A_234 = vector.extract_strided_slice %exp3A {offsets = [3], sizes = [1], strides = [1]} : vector<16xf32> to vector<1xf32>
        %squeeze3A_235 = vector.extract %slice3A_234[0] : f32 from vector<1xf32>
        %get3A_236 = arith.index_cast %scan3A_171 : i32 to index
        %get3A_237 = arith.constant 48 : index
        %get3A_238 = tpu.vector_load %arg16[%get3A_236, %get3A_237] {strides = array<i32>} : memref<80x144xf32, #tpu.memory_space<vmem>>, vector<1x16xf32>,
        %get3A_239 = vector.shape_cast %get3A_238 : vector<1x16xf32> to vector<16xf32>
        %mul3A_240 = vector.broadcast %squeeze3A_235 : f32 to vector<16xf32>
        %mul3A_241 = arith.mulf %get3A_239, %mul3A_240 : vector<16xf32>
        %swap3A_242 = arith.index_cast %scan3A_171 : i32 to index
        %swap3A_243 = arith.constant 48 : index
        %swap3A_244 = tpu.vector_load %arg16[%swap3A_242, %swap3A_243] {strides = array<i32>} : memref<80x144xf32, #tpu.memory_space<vmem>>, vector<1x16xf32>,
        %swap3A_245 = vector.shape_cast %swap3A_244 : vector<1x16xf32> to vector<16xf32>
        %swap3A_246 = vector.shape_cast %mul3A_241 : vector<16xf32> to vector<1x16xf32>
        tpu.vector_store %arg16[%swap3A_242, %swap3A_243], %swap3A_246 {strides = array<i32>} : memref<80x144xf32, #tpu.memory_space<vmem>>, vector<1x16xf32>,
        %slice3A_247 = vector.extract_strided_slice %exp3A {offsets = [4], sizes = [1], strides = [1]} : vector<16xf32> to vector<1xf32>
        %squeeze3A_248 = vector.extract %slice3A_247[0] : f32 from vector<1xf32>
        %get3A_249 = arith.index_cast %scan3A_171 : i32 to index
        %get3A_250 = arith.constant 64 : index
        %get3A_251 = tpu.vector_load %arg16[%get3A_249, %get3A_250] {strides = array<i32>} : memref<80x144xf32, #tpu.memory_space<vmem>>, vector<1x16xf32>,
        %get3A_252 = vector.shape_cast %get3A_251 : vector<1x16xf32> to vector<16xf32>
        %mul3A_253 = vector.broadcast %squeeze3A_248 : f32 to vector<16xf32>
        %mul3A_254 = arith.mulf %get3A_252, %mul3A_253 : vector<16xf32>
        %swap3A_255 = arith.index_cast %scan3A_171 : i32 to index
        %swap3A_256 = arith.constant 64 : index
        %swap3A_257 = tpu.vector_load %arg16[%swap3A_255, %swap3A_256] {strides = array<i32>} : memref<80x144xf32, #tpu.memory_space<vmem>>, vector<1x16xf32>,
        %swap3A_258 = vector.shape_cast %swap3A_257 : vector<1x16xf32> to vector<16xf32>
        %swap3A_259 = vector.shape_cast %mul3A_254 : vector<16xf32> to vector<1x16xf32>
        tpu.vector_store %arg16[%swap3A_255, %swap3A_256], %swap3A_259 {strides = array<i32>} : memref<80x144xf32, #tpu.memory_space<vmem>>, vector<1x16xf32>,
        %slice3A_260 = vector.extract_strided_slice %exp3A {offsets = [5], sizes = [1], strides = [1]} : vector<16xf32> to vector<1xf32>
        %squeeze3A_261 = vector.extract %slice3A_260[0] : f32 from vector<1xf32>
        %get3A_262 = arith.index_cast %scan3A_171 : i32 to index
        %get3A_263 = arith.constant 80 : index
        %get3A_264 = tpu.vector_load %arg16[%get3A_262, %get3A_263] {strides = array<i32>} : memref<80x144xf32, #tpu.memory_space<vmem>>, vector<1x16xf32>,
        %get3A_265 = vector.shape_cast %get3A_264 : vector<1x16xf32> to vector<16xf32>
        %mul3A_266 = vector.broadcast %squeeze3A_261 : f32 to vector<16xf32>
        %mul3A_267 = arith.mulf %get3A_265, %mul3A_266 : vector<16xf32>
        %swap3A_268 = arith.index_cast %scan3A_171 : i32 to index
        %swap3A_269 = arith.constant 80 : index
        %swap3A_270 = tpu.vector_load %arg16[%swap3A_268, %swap3A_269] {strides = array<i32>} : memref<80x144xf32, #tpu.memory_space<vmem>>, vector<1x16xf32>,
        %swap3A_271 = vector.shape_cast %swap3A_270 : vector<1x16xf32> to vector<16xf32>
        %swap3A_272 = vector.shape_cast %mul3A_267 : vector<16xf32> to vector<1x16xf32>
        tpu.vector_store %arg16[%swap3A_268, %swap3A_269], %swap3A_272 {strides = array<i32>} : memref<80x144xf32, #tpu.memory_space<vmem>>, vector<1x16xf32>,
        %slice3A_273 = vector.extract_strided_slice %exp3A {offsets = [6], sizes = [1], strides = [1]} : vector<16xf32> to vector<1xf32>
        %squeeze3A_274 = vector.extract %slice3A_273[0] : f32 from vector<1xf32>
        %get3A_275 = arith.index_cast %scan3A_171 : i32 to index
        %get3A_276 = arith.constant 96 : index
        %get3A_277 = tpu.vector_load %arg16[%get3A_275, %get3A_276] {strides = array<i32>} : memref<80x144xf32, #tpu.memory_space<vmem>>, vector<1x16xf32>,
        %get3A_278 = vector.shape_cast %get3A_277 : vector<1x16xf32> to vector<16xf32>
        %mul3A_279 = vector.broadcast %squeeze3A_274 : f32 to vector<16xf32>
        %mul3A_280 = arith.mulf %get3A_278, %mul3A_279 : vector<16xf32>
        %swap3A_281 = arith.index_cast %scan3A_171 : i32 to index
        %swap3A_282 = arith.constant 96 : index
        %swap3A_283 = tpu.vector_load %arg16[%swap3A_281, %swap3A_282] {strides = array<i32>} : memref<80x144xf32, #tpu.memory_space<vmem>>, vector<1x16xf32>,
        %swap3A_284 = vector.shape_cast %swap3A_283 : vector<1x16xf32> to vector<16xf32>
        %swap3A_285 = vector.shape_cast %mul3A_280 : vector<16xf32> to vector<1x16xf32>
        tpu.vector_store %arg16[%swap3A_281, %swap3A_282], %swap3A_285 {strides = array<i32>} : memref<80x144xf32, #tpu.memory_space<vmem>>, vector<1x16xf32>,
        %slice3A_286 = vector.extract_strided_slice %exp3A {offsets = [7], sizes = [1], strides = [1]} : vector<16xf32> to vector<1xf32>
        %squeeze3A_287 = vector.extract %slice3A_286[0] : f32 from vector<1xf32>
        %get3A_288 = arith.index_cast %scan3A_171 : i32 to index
        %get3A_289 = arith.constant 112 : index
        %get3A_290 = tpu.vector_load %arg16[%get3A_288, %get3A_289] {strides = array<i32>} : memref<80x144xf32, #tpu.memory_space<vmem>>, vector<1x16xf32>,
        %get3A_291 = vector.shape_cast %get3A_290 : vector<1x16xf32> to vector<16xf32>
        %mul3A_292 = vector.broadcast %squeeze3A_287 : f32 to vector<16xf32>
        %mul3A_293 = arith.mulf %get3A_291, %mul3A_292 : vector<16xf32>
        %swap3A_294 = arith.index_cast %scan3A_171 : i32 to index
        %swap3A_295 = arith.constant 112 : index
        %swap3A_296 = tpu.vector_load %arg16[%swap3A_294, %swap3A_295] {strides = array<i32>} : memref<80x144xf32, #tpu.memory_space<vmem>>, vector<1x16xf32>,
        %swap3A_297 = vector.shape_cast %swap3A_296 : vector<1x16xf32> to vector<16xf32>
        %swap3A_298 = vector.shape_cast %mul3A_293 : vector<16xf32> to vector<1x16xf32>
        tpu.vector_store %arg16[%swap3A_294, %swap3A_295], %swap3A_298 {strides = array<i32>} : memref<80x144xf32, #tpu.memory_space<vmem>>, vector<1x16xf32>,
        %scan3A_299 = arith.constant 0 : i32
        %scan3A_300 = arith.constant 1 : i32
        %scan3A_301 = arith.addi %scan3A_171, %scan3A_300 : i32
        %get3A_302 = arith.index_cast %scan3A_301 : i32 to index
        %get3A_303 = arith.constant 0 : index
        %get3A_304 = tpu.vector_load %arg14[%get3A_302, %get3A_303] {strides = array<i32>} : memref<80x16xf32, #tpu.memory_space<vmem>>, vector<1x16xf32>,
        %get3A_305 = vector.shape_cast %get3A_304 : vector<1x16xf32> to vector<16xf32>
        %get3A_306 = arith.index_cast %scan3A_301 : i32 to index
        %get3A_307 = arith.constant 128 : index
        %get3A_308 = tpu.vector_load %arg16[%get3A_306, %get3A_307] {strides = array<i32>} : memref<80x144xf32, #tpu.memory_space<vmem>>, vector<1x16xf32>,
        %get3A_309 = vector.shape_cast %get3A_308 : vector<1x16xf32> to vector<16xf32>
        %add3A_310 = arith.addf %get3A_305, %get3A_309 : vector<16xf32>
        %get3A_311 = arith.index_cast %scan3A_301 : i32 to index
        %get3A_312 = arith.constant 0 : index
        %get3A_313 = tpu.vector_load %arg8[%get3A_311, %get3A_312] {strides = array<i32>} : memref<80x16xf32, #tpu.memory_space<vmem>>, vector<1x16xf32>,
        %get3A_314 = vector.shape_cast %get3A_313 : vector<1x16xf32> to vector<16xf32>
        %add3A_315 = arith.addf %add3A_310, %get3A_314 : vector<16xf32>
        %ge3A_316 = arith.constant 0.000000e+00 : f32
        %ge3A_317 = vector.broadcast %ge3A_316 : f32 to vector<16xf32>
        %ge3A_318 = arith.cmpf oge, %add3A_315, %ge3A_317 : vector<16xf32>
        %mul3A_319 = arith.constant 0.00999999977 : f32
        %mul3A_320 = vector.broadcast %mul3A_319 : f32 to vector<16xf32>
        %mul3A_321 = arith.mulf %mul3A_320, %add3A_315 : vector<16xf32>
        %select_n3A_322 = arith.select %ge3A_318, %add3A_315, %mul3A_321 : vector<16xi1>, vector<16xf32>
        %min3A_323 = arith.constant 7.000000e+01 : f32
        %min3A_324 = vector.broadcast %min3A_323 : f32 to vector<16xf32>
        %min3A_325 = arith.minimumf %select_n3A_322, %min3A_324 : vector<16xf32>
        %exp3A_326 = math.exp %min3A_325 : vector<16xf32>
        %swap3A_327 = arith.index_cast %scan3A_301 : i32 to index
        %swap3A_328 = arith.constant 128 : index
        %swap3A_329 = tpu.vector_load %arg16[%swap3A_327, %swap3A_328] {strides = array<i32>} : memref<80x144xf32, #tpu.memory_space<vmem>>, vector<1x16xf32>,
        %swap3A_330 = vector.shape_cast %swap3A_329 : vector<1x16xf32> to vector<16xf32>
        %swap3A_331 = vector.shape_cast %exp3A_326 : vector<16xf32> to vector<1x16xf32>
        tpu.vector_store %arg16[%swap3A_327, %swap3A_328], %swap3A_331 {strides = array<i32>} : memref<80x144xf32, #tpu.memory_space<vmem>>, vector<1x16xf32>,
        %slice3A_332 = vector.extract_strided_slice %exp3A_326 {offsets = [0], sizes = [1], strides = [1]} : vector<16xf32> to vector<1xf32>
        %squeeze3A_333 = vector.extract %slice3A_332[0] : f32 from vector<1xf32>
        %get3A_334 = arith.index_cast %scan3A_301 : i32 to index
        %get3A_335 = arith.constant 0 : index
        %get3A_336 = tpu.vector_load %arg16[%get3A_334, %get3A_335] {strides = array<i32>} : memref<80x144xf32, #tpu.memory_space<vmem>>, vector<1x16xf32>,
        %get3A_337 = vector.shape_cast %get3A_336 : vector<1x16xf32> to vector<16xf32>
        %mul3A_338 = vector.broadcast %squeeze3A_333 : f32 to vector<16xf32>
        %mul3A_339 = arith.mulf %get3A_337, %mul3A_338 : vector<16xf32>
        %swap3A_340 = arith.index_cast %scan3A_301 : i32 to index
        %swap3A_341 = arith.constant 0 : index
        %swap3A_342 = tpu.vector_load %arg16[%swap3A_340, %swap3A_341] {strides = array<i32>} : memref<80x144xf32, #tpu.memory_space<vmem>>, vector<1x16xf32>,
        %swap3A_343 = vector.shape_cast %swap3A_342 : vector<1x16xf32> to vector<16xf32>
        %swap3A_344 = vector.shape_cast %mul3A_339 : vector<16xf32> to vector<1x16xf32>
        tpu.vector_store %arg16[%swap3A_340, %swap3A_341], %swap3A_344 {strides = array<i32>} : memref<80x144xf32, #tpu.memory_space<vmem>>, vector<1x16xf32>,
        %slice3A_345 = vector.extract_strided_slice %exp3A_326 {offsets = [1], sizes = [1], strides = [1]} : vector<16xf32> to vector<1xf32>
        %squeeze3A_346 = vector.extract %slice3A_345[0] : f32 from vector<1xf32>
        %get3A_347 = arith.index_cast %scan3A_301 : i32 to index
        %get3A_348 = arith.constant 16 : index
        %get3A_349 = tpu.vector_load %arg16[%get3A_347, %get3A_348] {strides = array<i32>} : memref<80x144xf32, #tpu.memory_space<vmem>>, vector<1x16xf32>,
        %get3A_350 = vector.shape_cast %get3A_349 : vector<1x16xf32> to vector<16xf32>
        %mul3A_351 = vector.broadcast %squeeze3A_346 : f32 to vector<16xf32>
        %mul3A_352 = arith.mulf %get3A_350, %mul3A_351 : vector<16xf32>
        %swap3A_353 = arith.index_cast %scan3A_301 : i32 to index
        %swap3A_354 = arith.constant 16 : index
        %swap3A_355 = tpu.vector_load %arg16[%swap3A_353, %swap3A_354] {strides = array<i32>} : memref<80x144xf32, #tpu.memory_space<vmem>>, vector<1x16xf32>,
        %swap3A_356 = vector.shape_cast %swap3A_355 : vector<1x16xf32> to vector<16xf32>
        %swap3A_357 = vector.shape_cast %mul3A_352 : vector<16xf32> to vector<1x16xf32>
        tpu.vector_store %arg16[%swap3A_353, %swap3A_354], %swap3A_357 {strides = array<i32>} : memref<80x144xf32, #tpu.memory_space<vmem>>, vector<1x16xf32>,
        %slice3A_358 = vector.extract_strided_slice %exp3A_326 {offsets = [2], sizes = [1], strides = [1]} : vector<16xf32> to vector<1xf32>
        %squeeze3A_359 = vector.extract %slice3A_358[0] : f32 from vector<1xf32>
        %get3A_360 = arith.index_cast %scan3A_301 : i32 to index
        %get3A_361 = arith.constant 32 : index
        %get3A_362 = tpu.vector_load %arg16[%get3A_360, %get3A_361] {strides = array<i32>} : memref<80x144xf32, #tpu.memory_space<vmem>>, vector<1x16xf32>,
        %get3A_363 = vector.shape_cast %get3A_362 : vector<1x16xf32> to vector<16xf32>
        %mul3A_364 = vector.broadcast %squeeze3A_359 : f32 to vector<16xf32>
        %mul3A_365 = arith.mulf %get3A_363, %mul3A_364 : vector<16xf32>
        %swap3A_366 = arith.index_cast %scan3A_301 : i32 to index
        %swap3A_367 = arith.constant 32 : index
        %swap3A_368 = tpu.vector_load %arg16[%swap3A_366, %swap3A_367] {strides = array<i32>} : memref<80x144xf32, #tpu.memory_space<vmem>>, vector<1x16xf32>,
        %swap3A_369 = vector.shape_cast %swap3A_368 : vector<1x16xf32> to vector<16xf32>
        %swap3A_370 = vector.shape_cast %mul3A_365 : vector<16xf32> to vector<1x16xf32>
        tpu.vector_store %arg16[%swap3A_366, %swap3A_367], %swap3A_370 {strides = array<i32>} : memref<80x144xf32, #tpu.memory_space<vmem>>, vector<1x16xf32>,
        %slice3A_371 = vector.extract_strided_slice %exp3A_326 {offsets = [3], sizes = [1], strides = [1]} : vector<16xf32> to vector<1xf32>
        %squeeze3A_372 = vector.extract %slice3A_371[0] : f32 from vector<1xf32>
        %get3A_373 = arith.index_cast %scan3A_301 : i32 to index
        %get3A_374 = arith.constant 48 : index
        %get3A_375 = tpu.vector_load %arg16[%get3A_373, %get3A_374] {strides = array<i32>} : memref<80x144xf32, #tpu.memory_space<vmem>>, vector<1x16xf32>,
        %get3A_376 = vector.shape_cast %get3A_375 : vector<1x16xf32> to vector<16xf32>
        %mul3A_377 = vector.broadcast %squeeze3A_372 : f32 to vector<16xf32>
        %mul3A_378 = arith.mulf %get3A_376, %mul3A_377 : vector<16xf32>
        %swap3A_379 = arith.index_cast %scan3A_301 : i32 to index
        %swap3A_380 = arith.constant 48 : index
        %swap3A_381 = tpu.vector_load %arg16[%swap3A_379, %swap3A_380] {strides = array<i32>} : memref<80x144xf32, #tpu.memory_space<vmem>>, vector<1x16xf32>,
        %swap3A_382 = vector.shape_cast %swap3A_381 : vector<1x16xf32> to vector<16xf32>
        %swap3A_383 = vector.shape_cast %mul3A_378 : vector<16xf32> to vector<1x16xf32>
        tpu.vector_store %arg16[%swap3A_379, %swap3A_380], %swap3A_383 {strides = array<i32>} : memref<80x144xf32, #tpu.memory_space<vmem>>, vector<1x16xf32>,
        %slice3A_384 = vector.extract_strided_slice %exp3A_326 {offsets = [4], sizes = [1], strides = [1]} : vector<16xf32> to vector<1xf32>
        %squeeze3A_385 = vector.extract %slice3A_384[0] : f32 from vector<1xf32>
        %get3A_386 = arith.index_cast %scan3A_301 : i32 to index
        %get3A_387 = arith.constant 64 : index
        %get3A_388 = tpu.vector_load %arg16[%get3A_386, %get3A_387] {strides = array<i32>} : memref<80x144xf32, #tpu.memory_space<vmem>>, vector<1x16xf32>,
        %get3A_389 = vector.shape_cast %get3A_388 : vector<1x16xf32> to vector<16xf32>
        %mul3A_390 = vector.broadcast %squeeze3A_385 : f32 to vector<16xf32>
        %mul3A_391 = arith.mulf %get3A_389, %mul3A_390 : vector<16xf32>
        %swap3A_392 = arith.index_cast %scan3A_301 : i32 to index
        %swap3A_393 = arith.constant 64 : index
        %swap3A_394 = tpu.vector_load %arg16[%swap3A_392, %swap3A_393] {strides = array<i32>} : memref<80x144xf32, #tpu.memory_space<vmem>>, vector<1x16xf32>,
        %swap3A_395 = vector.shape_cast %swap3A_394 : vector<1x16xf32> to vector<16xf32>
        %swap3A_396 = vector.shape_cast %mul3A_391 : vector<16xf32> to vector<1x16xf32>
        tpu.vector_store %arg16[%swap3A_392, %swap3A_393], %swap3A_396 {strides = array<i32>} : memref<80x144xf32, #tpu.memory_space<vmem>>, vector<1x16xf32>,
        %slice3A_397 = vector.extract_strided_slice %exp3A_326 {offsets = [5], sizes = [1], strides = [1]} : vector<16xf32> to vector<1xf32>
        %squeeze3A_398 = vector.extract %slice3A_397[0] : f32 from vector<1xf32>
        %get3A_399 = arith.index_cast %scan3A_301 : i32 to index
        %get3A_400 = arith.constant 80 : index
        %get3A_401 = tpu.vector_load %arg16[%get3A_399, %get3A_400] {strides = array<i32>} : memref<80x144xf32, #tpu.memory_space<vmem>>, vector<1x16xf32>,
        %get3A_402 = vector.shape_cast %get3A_401 : vector<1x16xf32> to vector<16xf32>
        %mul3A_403 = vector.broadcast %squeeze3A_398 : f32 to vector<16xf32>
        %mul3A_404 = arith.mulf %get3A_402, %mul3A_403 : vector<16xf32>
        %swap3A_405 = arith.index_cast %scan3A_301 : i32 to index
        %swap3A_406 = arith.constant 80 : index
        %swap3A_407 = tpu.vector_load %arg16[%swap3A_405, %swap3A_406] {strides = array<i32>} : memref<80x144xf32, #tpu.memory_space<vmem>>, vector<1x16xf32>,
        %swap3A_408 = vector.shape_cast %swap3A_407 : vector<1x16xf32> to vector<16xf32>
        %swap3A_409 = vector.shape_cast %mul3A_404 : vector<16xf32> to vector<1x16xf32>
        tpu.vector_store %arg16[%swap3A_405, %swap3A_406], %swap3A_409 {strides = array<i32>} : memref<80x144xf32, #tpu.memory_space<vmem>>, vector<1x16xf32>,
        %slice3A_410 = vector.extract_strided_slice %exp3A_326 {offsets = [6], sizes = [1], strides = [1]} : vector<16xf32> to vector<1xf32>
        %squeeze3A_411 = vector.extract %slice3A_410[0] : f32 from vector<1xf32>
        %get3A_412 = arith.index_cast %scan3A_301 : i32 to index
        %get3A_413 = arith.constant 96 : index
        %get3A_414 = tpu.vector_load %arg16[%get3A_412, %get3A_413] {strides = array<i32>} : memref<80x144xf32, #tpu.memory_space<vmem>>, vector<1x16xf32>,
        %get3A_415 = vector.shape_cast %get3A_414 : vector<1x16xf32> to vector<16xf32>
        %mul3A_416 = vector.broadcast %squeeze3A_411 : f32 to vector<16xf32>
        %mul3A_417 = arith.mulf %get3A_415, %mul3A_416 : vector<16xf32>
        %swap3A_418 = arith.index_cast %scan3A_301 : i32 to index
        %swap3A_419 = arith.constant 96 : index
        %swap3A_420 = tpu.vector_load %arg16[%swap3A_418, %swap3A_419] {strides = array<i32>} : memref<80x144xf32, #tpu.memory_space<vmem>>, vector<1x16xf32>,
        %swap3A_421 = vector.shape_cast %swap3A_420 : vector<1x16xf32> to vector<16xf32>
        %swap3A_422 = vector.shape_cast %mul3A_417 : vector<16xf32> to vector<1x16xf32>
        tpu.vector_store %arg16[%swap3A_418, %swap3A_419], %swap3A_422 {strides = array<i32>} : memref<80x144xf32, #tpu.memory_space<vmem>>, vector<1x16xf32>,
        %slice3A_423 = vector.extract_strided_slice %exp3A_326 {offsets = [7], sizes = [1], strides = [1]} : vector<16xf32> to vector<1xf32>
        %squeeze3A_424 = vector.extract %slice3A_423[0] : f32 from vector<1xf32>
        %get3A_425 = arith.index_cast %scan3A_301 : i32 to index
        %get3A_426 = arith.constant 112 : index
        %get3A_427 = tpu.vector_load %arg16[%get3A_425, %get3A_426] {strides = array<i32>} : memref<80x144xf32, #tpu.memory_space<vmem>>, vector<1x16xf32>,
        %get3A_428 = vector.shape_cast %get3A_427 : vector<1x16xf32> to vector<16xf32>
        %mul3A_429 = vector.broadcast %squeeze3A_424 : f32 to vector<16xf32>
        %mul3A_430 = arith.mulf %get3A_428, %mul3A_429 : vector<16xf32>
        %swap3A_431 = arith.index_cast %scan3A_301 : i32 to index
        %swap3A_432 = arith.constant 112 : index
        %swap3A_433 = tpu.vector_load %arg16[%swap3A_431, %swap3A_432] {strides = array<i32>} : memref<80x144xf32, #tpu.memory_space<vmem>>, vector<1x16xf32>,
        %swap3A_434 = vector.shape_cast %swap3A_433 : vector<1x16xf32> to vector<16xf32>
        %swap3A_435 = vector.shape_cast %mul3A_430 : vector<16xf32> to vector<1x16xf32>
        tpu.vector_store %arg16[%swap3A_431, %swap3A_432], %swap3A_435 {strides = array<i32>} : memref<80x144xf32, #tpu.memory_space<vmem>>, vector<1x16xf32>,
        %scan3A_436 = arith.constant 0 : i32
        %scan3A_437 = arith.constant 2 : i32
        %scan3A_438 = arith.addi %scan3A_171, %scan3A_437 : i32
        %get3A_439 = arith.index_cast %scan3A_438 : i32 to index
        %get3A_440 = arith.constant 0 : index
        %get3A_441 = tpu.vector_load %arg14[%get3A_439, %get3A_440] {strides = array<i32>} : memref<80x16xf32, #tpu.memory_space<vmem>>, vector<1x16xf32>,
        %get3A_442 = vector.shape_cast %get3A_441 : vector<1x16xf32> to vector<16xf32>
        %get3A_443 = arith.index_cast %scan3A_438 : i32 to index
        %get3A_444 = arith.constant 128 : index
        %get3A_445 = tpu.vector_load %arg16[%get3A_443, %get3A_444] {strides = array<i32>} : memref<80x144xf32, #tpu.memory_space<vmem>>, vector<1x16xf32>,
        %get3A_446 = vector.shape_cast %get3A_445 : vector<1x16xf32> to vector<16xf32>
        %add3A_447 = arith.addf %get3A_442, %get3A_446 : vector<16xf32>
        %get3A_448 = arith.index_cast %scan3A_438 : i32 to index
        %get3A_449 = arith.constant 0 : index
        %get3A_450 = tpu.vector_load %arg8[%get3A_448, %get3A_449] {strides = array<i32>} : memref<80x16xf32, #tpu.memory_space<vmem>>, vector<1x16xf32>,
        %get3A_451 = vector.shape_cast %get3A_450 : vector<1x16xf32> to vector<16xf32>
        %add3A_452 = arith.addf %add3A_447, %get3A_451 : vector<16xf32>
        %ge3A_453 = arith.constant 0.000000e+00 : f32
        %ge3A_454 = vector.broadcast %ge3A_453 : f32 to vector<16xf32>
        %ge3A_455 = arith.cmpf oge, %add3A_452, %ge3A_454 : vector<16xf32>
        %mul3A_456 = arith.constant 0.00999999977 : f32
        %mul3A_457 = vector.broadcast %mul3A_456 : f32 to vector<16xf32>
        %mul3A_458 = arith.mulf %mul3A_457, %add3A_452 : vector<16xf32>
        %select_n3A_459 = arith.select %ge3A_455, %add3A_452, %mul3A_458 : vector<16xi1>, vector<16xf32>
        %min3A_460 = arith.constant 7.000000e+01 : f32
        %min3A_461 = vector.broadcast %min3A_460 : f32 to vector<16xf32>
        %min3A_462 = arith.minimumf %select_n3A_459, %min3A_461 : vector<16xf32>
        %exp3A_463 = math.exp %min3A_462 : vector<16xf32>
        %swap3A_464 = arith.index_cast %scan3A_438 : i32 to index
        %swap3A_465 = arith.constant 128 : index
        %swap3A_466 = tpu.vector_load %arg16[%swap3A_464, %swap3A_465] {strides = array<i32>} : memref<80x144xf32, #tpu.memory_space<vmem>>, vector<1x16xf32>,
        %swap3A_467 = vector.shape_cast %swap3A_466 : vector<1x16xf32> to vector<16xf32>
        %swap3A_468 = vector.shape_cast %exp3A_463 : vector<16xf32> to vector<1x16xf32>
        tpu.vector_store %arg16[%swap3A_464, %swap3A_465], %swap3A_468 {strides = array<i32>} : memref<80x144xf32, #tpu.memory_space<vmem>>, vector<1x16xf32>,
        %slice3A_469 = vector.extract_strided_slice %exp3A_463 {offsets = [0], sizes = [1], strides = [1]} : vector<16xf32> to vector<1xf32>
        %squeeze3A_470 = vector.extract %slice3A_469[0] : f32 from vector<1xf32>
        %get3A_471 = arith.index_cast %scan3A_438 : i32 to index
        %get3A_472 = arith.constant 0 : index
        %get3A_473 = tpu.vector_load %arg16[%get3A_471, %get3A_472] {strides = array<i32>} : memref<80x144xf32, #tpu.memory_space<vmem>>, vector<1x16xf32>,
        %get3A_474 = vector.shape_cast %get3A_473 : vector<1x16xf32> to vector<16xf32>
        %mul3A_475 = vector.broadcast %squeeze3A_470 : f32 to vector<16xf32>
        %mul3A_476 = arith.mulf %get3A_474, %mul3A_475 : vector<16xf32>
        %swap3A_477 = arith.index_cast %scan3A_438 : i32 to index
        %swap3A_478 = arith.constant 0 : index
        %swap3A_479 = tpu.vector_load %arg16[%swap3A_477, %swap3A_478] {strides = array<i32>} : memref<80x144xf32, #tpu.memory_space<vmem>>, vector<1x16xf32>,
        %swap3A_480 = vector.shape_cast %swap3A_479 : vector<1x16xf32> to vector<16xf32>
        %swap3A_481 = vector.shape_cast %mul3A_476 : vector<16xf32> to vector<1x16xf32>
        tpu.vector_store %arg16[%swap3A_477, %swap3A_478], %swap3A_481 {strides = array<i32>} : memref<80x144xf32, #tpu.memory_space<vmem>>, vector<1x16xf32>,
        %slice3A_482 = vector.extract_strided_slice %exp3A_463 {offsets = [1], sizes = [1], strides = [1]} : vector<16xf32> to vector<1xf32>
        %squeeze3A_483 = vector.extract %slice3A_482[0] : f32 from vector<1xf32>
        %get3A_484 = arith.index_cast %scan3A_438 : i32 to index
        %get3A_485 = arith.constant 16 : index
        %get3A_486 = tpu.vector_load %arg16[%get3A_484, %get3A_485] {strides = array<i32>} : memref<80x144xf32, #tpu.memory_space<vmem>>, vector<1x16xf32>,
        %get3A_487 = vector.shape_cast %get3A_486 : vector<1x16xf32> to vector<16xf32>
        %mul3A_488 = vector.broadcast %squeeze3A_483 : f32 to vector<16xf32>
        %mul3A_489 = arith.mulf %get3A_487, %mul3A_488 : vector<16xf32>
        %swap3A_490 = arith.index_cast %scan3A_438 : i32 to index
        %swap3A_491 = arith.constant 16 : index
        %swap3A_492 = tpu.vector_load %arg16[%swap3A_490, %swap3A_491] {strides = array<i32>} : memref<80x144xf32, #tpu.memory_space<vmem>>, vector<1x16xf32>,
        %swap3A_493 = vector.shape_cast %swap3A_492 : vector<1x16xf32> to vector<16xf32>
        %swap3A_494 = vector.shape_cast %mul3A_489 : vector<16xf32> to vector<1x16xf32>
        tpu.vector_store %arg16[%swap3A_490, %swap3A_491], %swap3A_494 {strides = array<i32>} : memref<80x144xf32, #tpu.memory_space<vmem>>, vector<1x16xf32>,
        %slice3A_495 = vector.extract_strided_slice %exp3A_463 {offsets = [2], sizes = [1], strides = [1]} : vector<16xf32> to vector<1xf32>
        %squeeze3A_496 = vector.extract %slice3A_495[0] : f32 from vector<1xf32>
        %get3A_497 = arith.index_cast %scan3A_438 : i32 to index
        %get3A_498 = arith.constant 32 : index
        %get3A_499 = tpu.vector_load %arg16[%get3A_497, %get3A_498] {strides = array<i32>} : memref<80x144xf32, #tpu.memory_space<vmem>>, vector<1x16xf32>,
        %get3A_500 = vector.shape_cast %get3A_499 : vector<1x16xf32> to vector<16xf32>
        %mul3A_501 = vector.broadcast %squeeze3A_496 : f32 to vector<16xf32>
        %mul3A_502 = arith.mulf %get3A_500, %mul3A_501 : vector<16xf32>
        %swap3A_503 = arith.index_cast %scan3A_438 : i32 to index
        %swap3A_504 = arith.constant 32 : index
        %swap3A_505 = tpu.vector_load %arg16[%swap3A_503, %swap3A_504] {strides = array<i32>} : memref<80x144xf32, #tpu.memory_space<vmem>>, vector<1x16xf32>,
        %swap3A_506 = vector.shape_cast %swap3A_505 : vector<1x16xf32> to vector<16xf32>
        %swap3A_507 = vector.shape_cast %mul3A_502 : vector<16xf32> to vector<1x16xf32>
        tpu.vector_store %arg16[%swap3A_503, %swap3A_504], %swap3A_507 {strides = array<i32>} : memref<80x144xf32, #tpu.memory_space<vmem>>, vector<1x16xf32>,
        %slice3A_508 = vector.extract_strided_slice %exp3A_463 {offsets = [3], sizes = [1], strides = [1]} : vector<16xf32> to vector<1xf32>
        %squeeze3A_509 = vector.extract %slice3A_508[0] : f32 from vector<1xf32>
        %get3A_510 = arith.index_cast %scan3A_438 : i32 to index
        %get3A_511 = arith.constant 48 : index
        %get3A_512 = tpu.vector_load %arg16[%get3A_510, %get3A_511] {strides = array<i32>} : memref<80x144xf32, #tpu.memory_space<vmem>>, vector<1x16xf32>,
        %get3A_513 = vector.shape_cast %get3A_512 : vector<1x16xf32> to vector<16xf32>
        %mul3A_514 = vector.broadcast %squeeze3A_509 : f32 to vector<16xf32>
        %mul3A_515 = arith.mulf %get3A_513, %mul3A_514 : vector<16xf32>
        %swap3A_516 = arith.index_cast %scan3A_438 : i32 to index
        %swap3A_517 = arith.constant 48 : index
        %swap3A_518 = tpu.vector_load %arg16[%swap3A_516, %swap3A_517] {strides = array<i32>} : memref<80x144xf32, #tpu.memory_space<vmem>>, vector<1x16xf32>,
        %swap3A_519 = vector.shape_cast %swap3A_518 : vector<1x16xf32> to vector<16xf32>
        %swap3A_520 = vector.shape_cast %mul3A_515 : vector<16xf32> to vector<1x16xf32>
        tpu.vector_store %arg16[%swap3A_516, %swap3A_517], %swap3A_520 {strides = array<i32>} : memref<80x144xf32, #tpu.memory_space<vmem>>, vector<1x16xf32>,
        %slice3A_521 = vector.extract_strided_slice %exp3A_463 {offsets = [4], sizes = [1], strides = [1]} : vector<16xf32> to vector<1xf32>
        %squeeze3A_522 = vector.extract %slice3A_521[0] : f32 from vector<1xf32>
        %get3A_523 = arith.index_cast %scan3A_438 : i32 to index
        %get3A_524 = arith.constant 64 : index
        %get3A_525 = tpu.vector_load %arg16[%get3A_523, %get3A_524] {strides = array<i32>} : memref<80x144xf32, #tpu.memory_space<vmem>>, vector<1x16xf32>,
        %get3A_526 = vector.shape_cast %get3A_525 : vector<1x16xf32> to vector<16xf32>
        %mul3A_527 = vector.broadcast %squeeze3A_522 : f32 to vector<16xf32>
        %mul3A_528 = arith.mulf %get3A_526, %mul3A_527 : vector<16xf32>
        %swap3A_529 = arith.index_cast %scan3A_438 : i32 to index
        %swap3A_530 = arith.constant 64 : index
        %swap3A_531 = tpu.vector_load %arg16[%swap3A_529, %swap3A_530] {strides = array<i32>} : memref<80x144xf32, #tpu.memory_space<vmem>>, vector<1x16xf32>,
        %swap3A_532 = vector.shape_cast %swap3A_531 : vector<1x16xf32> to vector<16xf32>
        %swap3A_533 = vector.shape_cast %mul3A_528 : vector<16xf32> to vector<1x16xf32>
        tpu.vector_store %arg16[%swap3A_529, %swap3A_530], %swap3A_533 {strides = array<i32>} : memref<80x144xf32, #tpu.memory_space<vmem>>, vector<1x16xf32>,
        %slice3A_534 = vector.extract_strided_slice %exp3A_463 {offsets = [5], sizes = [1], strides = [1]} : vector<16xf32> to vector<1xf32>
        %squeeze3A_535 = vector.extract %slice3A_534[0] : f32 from vector<1xf32>
        %get3A_536 = arith.index_cast %scan3A_438 : i32 to index
        %get3A_537 = arith.constant 80 : index
        %get3A_538 = tpu.vector_load %arg16[%get3A_536, %get3A_537] {strides = array<i32>} : memref<80x144xf32, #tpu.memory_space<vmem>>, vector<1x16xf32>,
        %get3A_539 = vector.shape_cast %get3A_538 : vector<1x16xf32> to vector<16xf32>
        %mul3A_540 = vector.broadcast %squeeze3A_535 : f32 to vector<16xf32>
        %mul3A_541 = arith.mulf %get3A_539, %mul3A_540 : vector<16xf32>
        %swap3A_542 = arith.index_cast %scan3A_438 : i32 to index
        %swap3A_543 = arith.constant 80 : index
        %swap3A_544 = tpu.vector_load %arg16[%swap3A_542, %swap3A_543] {strides = array<i32>} : memref<80x144xf32, #tpu.memory_space<vmem>>, vector<1x16xf32>,
        %swap3A_545 = vector.shape_cast %swap3A_544 : vector<1x16xf32> to vector<16xf32>
        %swap3A_546 = vector.shape_cast %mul3A_541 : vector<16xf32> to vector<1x16xf32>
        tpu.vector_store %arg16[%swap3A_542, %swap3A_543], %swap3A_546 {strides = array<i32>} : memref<80x144xf32, #tpu.memory_space<vmem>>, vector<1x16xf32>,
        %slice3A_547 = vector.extract_strided_slice %exp3A_463 {offsets = [6], sizes = [1], strides = [1]} : vector<16xf32> to vector<1xf32>
        %squeeze3A_548 = vector.extract %slice3A_547[0] : f32 from vector<1xf32>
        %get3A_549 = arith.index_cast %scan3A_438 : i32 to index
        %get3A_550 = arith.constant 96 : index
        %get3A_551 = tpu.vector_load %arg16[%get3A_549, %get3A_550] {strides = array<i32>} : memref<80x144xf32, #tpu.memory_space<vmem>>, vector<1x16xf32>,
        %get3A_552 = vector.shape_cast %get3A_551 : vector<1x16xf32> to vector<16xf32>
        %mul3A_553 = vector.broadcast %squeeze3A_548 : f32 to vector<16xf32>
        %mul3A_554 = arith.mulf %get3A_552, %mul3A_553 : vector<16xf32>
        %swap3A_555 = arith.index_cast %scan3A_438 : i32 to index
        %swap3A_556 = arith.constant 96 : index
        %swap3A_557 = tpu.vector_load %arg16[%swap3A_555, %swap3A_556] {strides = array<i32>} : memref<80x144xf32, #tpu.memory_space<vmem>>, vector<1x16xf32>,
        %swap3A_558 = vector.shape_cast %swap3A_557 : vector<1x16xf32> to vector<16xf32>
        %swap3A_559 = vector.shape_cast %mul3A_554 : vector<16xf32> to vector<1x16xf32>
        tpu.vector_store %arg16[%swap3A_555, %swap3A_556], %swap3A_559 {strides = array<i32>} : memref<80x144xf32, #tpu.memory_space<vmem>>, vector<1x16xf32>,
        %slice3A_560 = vector.extract_strided_slice %exp3A_463 {offsets = [7], sizes = [1], strides = [1]} : vector<16xf32> to vector<1xf32>
        %squeeze3A_561 = vector.extract %slice3A_560[0] : f32 from vector<1xf32>
        %get3A_562 = arith.index_cast %scan3A_438 : i32 to index
        %get3A_563 = arith.constant 112 : index
        %get3A_564 = tpu.vector_load %arg16[%get3A_562, %get3A_563] {strides = array<i32>} : memref<80x144xf32, #tpu.memory_space<vmem>>, vector<1x16xf32>,
        %get3A_565 = vector.shape_cast %get3A_564 : vector<1x16xf32> to vector<16xf32>
        %mul3A_566 = vector.broadcast %squeeze3A_561 : f32 to vector<16xf32>
        %mul3A_567 = arith.mulf %get3A_565, %mul3A_566 : vector<16xf32>
        %swap3A_568 = arith.index_cast %scan3A_438 : i32 to index
        %swap3A_569 = arith.constant 112 : index
        %swap3A_570 = tpu.vector_load %arg16[%swap3A_568, %swap3A_569] {strides = array<i32>} : memref<80x144xf32, #tpu.memory_space<vmem>>, vector<1x16xf32>,
        %swap3A_571 = vector.shape_cast %swap3A_570 : vector<1x16xf32> to vector<16xf32>
        %swap3A_572 = vector.shape_cast %mul3A_567 : vector<16xf32> to vector<1x16xf32>
        tpu.vector_store %arg16[%swap3A_568, %swap3A_569], %swap3A_572 {strides = array<i32>} : memref<80x144xf32, #tpu.memory_space<vmem>>, vector<1x16xf32>,
        %scan3A_573 = arith.constant 0 : i32
        %scan3A_574 = arith.constant 3 : i32
        %scan3A_575 = arith.addi %scan3A_171, %scan3A_574 : i32
        %get3A_576 = arith.index_cast %scan3A_575 : i32 to index
        %get3A_577 = arith.constant 0 : index
        %get3A_578 = tpu.vector_load %arg14[%get3A_576, %get3A_577] {strides = array<i32>} : memref<80x16xf32, #tpu.memory_space<vmem>>, vector<1x16xf32>,
        %get3A_579 = vector.shape_cast %get3A_578 : vector<1x16xf32> to vector<16xf32>
        %get3A_580 = arith.index_cast %scan3A_575 : i32 to index
        %get3A_581 = arith.constant 128 : index
        %get3A_582 = tpu.vector_load %arg16[%get3A_580, %get3A_581] {strides = array<i32>} : memref<80x144xf32, #tpu.memory_space<vmem>>, vector<1x16xf32>,
        %get3A_583 = vector.shape_cast %get3A_582 : vector<1x16xf32> to vector<16xf32>
        %add3A_584 = arith.addf %get3A_579, %get3A_583 : vector<16xf32>
        %get3A_585 = arith.index_cast %scan3A_575 : i32 to index
        %get3A_586 = arith.constant 0 : index
        %get3A_587 = tpu.vector_load %arg8[%get3A_585, %get3A_586] {strides = array<i32>} : memref<80x16xf32, #tpu.memory_space<vmem>>, vector<1x16xf32>,
        %get3A_588 = vector.shape_cast %get3A_587 : vector<1x16xf32> to vector<16xf32>
        %add3A_589 = arith.addf %add3A_584, %get3A_588 : vector<16xf32>
        %ge3A_590 = arith.constant 0.000000e+00 : f32
        %ge3A_591 = vector.broadcast %ge3A_590 : f32 to vector<16xf32>
        %ge3A_592 = arith.cmpf oge, %add3A_589, %ge3A_591 : vector<16xf32>
        %mul3A_593 = arith.constant 0.00999999977 : f32
        %mul3A_594 = vector.broadcast %mul3A_593 : f32 to vector<16xf32>
        %mul3A_595 = arith.mulf %mul3A_594, %add3A_589 : vector<16xf32>
        %select_n3A_596 = arith.select %ge3A_592, %add3A_589, %mul3A_595 : vector<16xi1>, vector<16xf32>
        %min3A_597 = arith.constant 7.000000e+01 : f32
        %min3A_598 = vector.broadcast %min3A_597 : f32 to vector<16xf32>
        %min3A_599 = arith.minimumf %select_n3A_596, %min3A_598 : vector<16xf32>
        %exp3A_600 = math.exp %min3A_599 : vector<16xf32>
        %swap3A_601 = arith.index_cast %scan3A_575 : i32 to index
        %swap3A_602 = arith.constant 128 : index
        %swap3A_603 = tpu.vector_load %arg16[%swap3A_601, %swap3A_602] {strides = array<i32>} : memref<80x144xf32, #tpu.memory_space<vmem>>, vector<1x16xf32>,
        %swap3A_604 = vector.shape_cast %swap3A_603 : vector<1x16xf32> to vector<16xf32>
        %swap3A_605 = vector.shape_cast %exp3A_600 : vector<16xf32> to vector<1x16xf32>
        tpu.vector_store %arg16[%swap3A_601, %swap3A_602], %swap3A_605 {strides = array<i32>} : memref<80x144xf32, #tpu.memory_space<vmem>>, vector<1x16xf32>,
        %slice3A_606 = vector.extract_strided_slice %exp3A_600 {offsets = [0], sizes = [1], strides = [1]} : vector<16xf32> to vector<1xf32>
        %squeeze3A_607 = vector.extract %slice3A_606[0] : f32 from vector<1xf32>
        %get3A_608 = arith.index_cast %scan3A_575 : i32 to index
        %get3A_609 = arith.constant 0 : index
        %get3A_610 = tpu.vector_load %arg16[%get3A_608, %get3A_609] {strides = array<i32>} : memref<80x144xf32, #tpu.memory_space<vmem>>, vector<1x16xf32>,
        %get3A_611 = vector.shape_cast %get3A_610 : vector<1x16xf32> to vector<16xf32>
        %mul3A_612 = vector.broadcast %squeeze3A_607 : f32 to vector<16xf32>
        %mul3A_613 = arith.mulf %get3A_611, %mul3A_612 : vector<16xf32>
        %swap3A_614 = arith.index_cast %scan3A_575 : i32 to index
        %swap3A_615 = arith.constant 0 : index
        %swap3A_616 = tpu.vector_load %arg16[%swap3A_614, %swap3A_615] {strides = array<i32>} : memref<80x144xf32, #tpu.memory_space<vmem>>, vector<1x16xf32>,
        %swap3A_617 = vector.shape_cast %swap3A_616 : vector<1x16xf32> to vector<16xf32>
        %swap3A_618 = vector.shape_cast %mul3A_613 : vector<16xf32> to vector<1x16xf32>
        tpu.vector_store %arg16[%swap3A_614, %swap3A_615], %swap3A_618 {strides = array<i32>} : memref<80x144xf32, #tpu.memory_space<vmem>>, vector<1x16xf32>,
        %slice3A_619 = vector.extract_strided_slice %exp3A_600 {offsets = [1], sizes = [1], strides = [1]} : vector<16xf32> to vector<1xf32>
        %squeeze3A_620 = vector.extract %slice3A_619[0] : f32 from vector<1xf32>
        %get3A_621 = arith.index_cast %scan3A_575 : i32 to index
        %get3A_622 = arith.constant 16 : index
        %get3A_623 = tpu.vector_load %arg16[%get3A_621, %get3A_622] {strides = array<i32>} : memref<80x144xf32, #tpu.memory_space<vmem>>, vector<1x16xf32>,
        %get3A_624 = vector.shape_cast %get3A_623 : vector<1x16xf32> to vector<16xf32>
        %mul3A_625 = vector.broadcast %squeeze3A_620 : f32 to vector<16xf32>
        %mul3A_626 = arith.mulf %get3A_624, %mul3A_625 : vector<16xf32>
        %swap3A_627 = arith.index_cast %scan3A_575 : i32 to index
        %swap3A_628 = arith.constant 16 : index
        %swap3A_629 = tpu.vector_load %arg16[%swap3A_627, %swap3A_628] {strides = array<i32>} : memref<80x144xf32, #tpu.memory_space<vmem>>, vector<1x16xf32>,
        %swap3A_630 = vector.shape_cast %swap3A_629 : vector<1x16xf32> to vector<16xf32>
        %swap3A_631 = vector.shape_cast %mul3A_626 : vector<16xf32> to vector<1x16xf32>
        tpu.vector_store %arg16[%swap3A_627, %swap3A_628], %swap3A_631 {strides = array<i32>} : memref<80x144xf32, #tpu.memory_space<vmem>>, vector<1x16xf32>,
        %slice3A_632 = vector.extract_strided_slice %exp3A_600 {offsets = [2], sizes = [1], strides = [1]} : vector<16xf32> to vector<1xf32>
        %squeeze3A_633 = vector.extract %slice3A_632[0] : f32 from vector<1xf32>
        %get3A_634 = arith.index_cast %scan3A_575 : i32 to index
        %get3A_635 = arith.constant 32 : index
        %get3A_636 = tpu.vector_load %arg16[%get3A_634, %get3A_635] {strides = array<i32>} : memref<80x144xf32, #tpu.memory_space<vmem>>, vector<1x16xf32>,
        %get3A_637 = vector.shape_cast %get3A_636 : vector<1x16xf32> to vector<16xf32>
        %mul3A_638 = vector.broadcast %squeeze3A_633 : f32 to vector<16xf32>
        %mul3A_639 = arith.mulf %get3A_637, %mul3A_638 : vector<16xf32>
        %swap3A_640 = arith.index_cast %scan3A_575 : i32 to index
        %swap3A_641 = arith.constant 32 : index
        %swap3A_642 = tpu.vector_load %arg16[%swap3A_640, %swap3A_641] {strides = array<i32>} : memref<80x144xf32, #tpu.memory_space<vmem>>, vector<1x16xf32>,
        %swap3A_643 = vector.shape_cast %swap3A_642 : vector<1x16xf32> to vector<16xf32>
        %swap3A_644 = vector.shape_cast %mul3A_639 : vector<16xf32> to vector<1x16xf32>
        tpu.vector_store %arg16[%swap3A_640, %swap3A_641], %swap3A_644 {strides = array<i32>} : memref<80x144xf32, #tpu.memory_space<vmem>>, vector<1x16xf32>,
        %slice3A_645 = vector.extract_strided_slice %exp3A_600 {offsets = [3], sizes = [1], strides = [1]} : vector<16xf32> to vector<1xf32>
        %squeeze3A_646 = vector.extract %slice3A_645[0] : f32 from vector<1xf32>
        %get3A_647 = arith.index_cast %scan3A_575 : i32 to index
        %get3A_648 = arith.constant 48 : index
        %get3A_649 = tpu.vector_load %arg16[%get3A_647, %get3A_648] {strides = array<i32>} : memref<80x144xf32, #tpu.memory_space<vmem>>, vector<1x16xf32>,
        %get3A_650 = vector.shape_cast %get3A_649 : vector<1x16xf32> to vector<16xf32>
        %mul3A_651 = vector.broadcast %squeeze3A_646 : f32 to vector<16xf32>
        %mul3A_652 = arith.mulf %get3A_650, %mul3A_651 : vector<16xf32>
        %swap3A_653 = arith.index_cast %scan3A_575 : i32 to index
        %swap3A_654 = arith.constant 48 : index
        %swap3A_655 = tpu.vector_load %arg16[%swap3A_653, %swap3A_654] {strides = array<i32>} : memref<80x144xf32, #tpu.memory_space<vmem>>, vector<1x16xf32>,
        %swap3A_656 = vector.shape_cast %swap3A_655 : vector<1x16xf32> to vector<16xf32>
        %swap3A_657 = vector.shape_cast %mul3A_652 : vector<16xf32> to vector<1x16xf32>
        tpu.vector_store %arg16[%swap3A_653, %swap3A_654], %swap3A_657 {strides = array<i32>} : memref<80x144xf32, #tpu.memory_space<vmem>>, vector<1x16xf32>,
        %slice3A_658 = vector.extract_strided_slice %exp3A_600 {offsets = [4], sizes = [1], strides = [1]} : vector<16xf32> to vector<1xf32>
        %squeeze3A_659 = vector.extract %slice3A_658[0] : f32 from vector<1xf32>
        %get3A_660 = arith.index_cast %scan3A_575 : i32 to index
        %get3A_661 = arith.constant 64 : index
        %get3A_662 = tpu.vector_load %arg16[%get3A_660, %get3A_661] {strides = array<i32>} : memref<80x144xf32, #tpu.memory_space<vmem>>, vector<1x16xf32>,
        %get3A_663 = vector.shape_cast %get3A_662 : vector<1x16xf32> to vector<16xf32>
        %mul3A_664 = vector.broadcast %squeeze3A_659 : f32 to vector<16xf32>
        %mul3A_665 = arith.mulf %get3A_663, %mul3A_664 : vector<16xf32>
        %swap3A_666 = arith.index_cast %scan3A_575 : i32 to index
        %swap3A_667 = arith.constant 64 : index
        %swap3A_668 = tpu.vector_load %arg16[%swap3A_666, %swap3A_667] {strides = array<i32>} : memref<80x144xf32, #tpu.memory_space<vmem>>, vector<1x16xf32>,
        %swap3A_669 = vector.shape_cast %swap3A_668 : vector<1x16xf32> to vector<16xf32>
        %swap3A_670 = vector.shape_cast %mul3A_665 : vector<16xf32> to vector<1x16xf32>
        tpu.vector_store %arg16[%swap3A_666, %swap3A_667], %swap3A_670 {strides = array<i32>} : memref<80x144xf32, #tpu.memory_space<vmem>>, vector<1x16xf32>,
        %slice3A_671 = vector.extract_strided_slice %exp3A_600 {offsets = [5], sizes = [1], strides = [1]} : vector<16xf32> to vector<1xf32>
        %squeeze3A_672 = vector.extract %slice3A_671[0] : f32 from vector<1xf32>
        %get3A_673 = arith.index_cast %scan3A_575 : i32 to index
        %get3A_674 = arith.constant 80 : index
        %get3A_675 = tpu.vector_load %arg16[%get3A_673, %get3A_674] {strides = array<i32>} : memref<80x144xf32, #tpu.memory_space<vmem>>, vector<1x16xf32>,
        %get3A_676 = vector.shape_cast %get3A_675 : vector<1x16xf32> to vector<16xf32>
        %mul3A_677 = vector.broadcast %squeeze3A_672 : f32 to vector<16xf32>
        %mul3A_678 = arith.mulf %get3A_676, %mul3A_677 : vector<16xf32>
        %swap3A_679 = arith.index_cast %scan3A_575 : i32 to index
        %swap3A_680 = arith.constant 80 : index
        %swap3A_681 = tpu.vector_load %arg16[%swap3A_679, %swap3A_680] {strides = array<i32>} : memref<80x144xf32, #tpu.memory_space<vmem>>, vector<1x16xf32>,
        %swap3A_682 = vector.shape_cast %swap3A_681 : vector<1x16xf32> to vector<16xf32>
        %swap3A_683 = vector.shape_cast %mul3A_678 : vector<16xf32> to vector<1x16xf32>
        tpu.vector_store %arg16[%swap3A_679, %swap3A_680], %swap3A_683 {strides = array<i32>} : memref<80x144xf32, #tpu.memory_space<vmem>>, vector<1x16xf32>,
        %slice3A_684 = vector.extract_strided_slice %exp3A_600 {offsets = [6], sizes = [1], strides = [1]} : vector<16xf32> to vector<1xf32>
        %squeeze3A_685 = vector.extract %slice3A_684[0] : f32 from vector<1xf32>
        %get3A_686 = arith.index_cast %scan3A_575 : i32 to index
        %get3A_687 = arith.constant 96 : index
        %get3A_688 = tpu.vector_load %arg16[%get3A_686, %get3A_687] {strides = array<i32>} : memref<80x144xf32, #tpu.memory_space<vmem>>, vector<1x16xf32>,
        %get3A_689 = vector.shape_cast %get3A_688 : vector<1x16xf32> to vector<16xf32>
        %mul3A_690 = vector.broadcast %squeeze3A_685 : f32 to vector<16xf32>
        %mul3A_691 = arith.mulf %get3A_689, %mul3A_690 : vector<16xf32>
        %swap3A_692 = arith.index_cast %scan3A_575 : i32 to index
        %swap3A_693 = arith.constant 96 : index
        %swap3A_694 = tpu.vector_load %arg16[%swap3A_692, %swap3A_693] {strides = array<i32>} : memref<80x144xf32, #tpu.memory_space<vmem>>, vector<1x16xf32>,
        %swap3A_695 = vector.shape_cast %swap3A_694 : vector<1x16xf32> to vector<16xf32>
        %swap3A_696 = vector.shape_cast %mul3A_691 : vector<16xf32> to vector<1x16xf32>
        tpu.vector_store %arg16[%swap3A_692, %swap3A_693], %swap3A_696 {strides = array<i32>} : memref<80x144xf32, #tpu.memory_space<vmem>>, vector<1x16xf32>,
        %slice3A_697 = vector.extract_strided_slice %exp3A_600 {offsets = [7], sizes = [1], strides = [1]} : vector<16xf32> to vector<1xf32>
        %squeeze3A_698 = vector.extract %slice3A_697[0] : f32 from vector<1xf32>
        %get3A_699 = arith.index_cast %scan3A_575 : i32 to index
        %get3A_700 = arith.constant 112 : index
        %get3A_701 = tpu.vector_load %arg16[%get3A_699, %get3A_700] {strides = array<i32>} : memref<80x144xf32, #tpu.memory_space<vmem>>, vector<1x16xf32>,
        %get3A_702 = vector.shape_cast %get3A_701 : vector<1x16xf32> to vector<16xf32>
        %mul3A_703 = vector.broadcast %squeeze3A_698 : f32 to vector<16xf32>
        %mul3A_704 = arith.mulf %get3A_702, %mul3A_703 : vector<16xf32>
        %swap3A_705 = arith.index_cast %scan3A_575 : i32 to index
        %swap3A_706 = arith.constant 112 : index
        %swap3A_707 = tpu.vector_load %arg16[%swap3A_705, %swap3A_706] {strides = array<i32>} : memref<80x144xf32, #tpu.memory_space<vmem>>, vector<1x16xf32>,
        %swap3A_708 = vector.shape_cast %swap3A_707 : vector<1x16xf32> to vector<16xf32>
        %swap3A_709 = vector.shape_cast %mul3A_704 : vector<16xf32> to vector<1x16xf32>
        tpu.vector_store %arg16[%swap3A_705, %swap3A_706], %swap3A_709 {strides = array<i32>} : memref<80x144xf32, #tpu.memory_space<vmem>>, vector<1x16xf32>,
        %scan3A_710 = arith.constant 0 : i32
        scf.yield %scan3A_710 : i32
      }
      %scan3A_122 = arith.constant 80 : i32
      "tpu.region"() ({
        %run_scoped3A = tpu.sem_alloc : memref<!tpu.dma_semaphore, #tpu.memory_space<semaphore_mem>>
        %dma_start3A_171 = arith.constant 0 : i32
        %dma_start3A_172 = arith.constant 0 : i32
        %dma_start3A_173 = tpu.memref_slice %arg18[%dma_start3A_171, %dma_start3A_172] : memref<10240x144xf32, #tpu.memory_space<vmem_shared>> -> memref<10240x144xf32, #tpu.memory_space<vmem_shared>>
        tpu.enqueue_indirect_dma source(%arg16 : memref<80x144xf32, #tpu.memory_space<vmem>>) target(%dma_start3A_173 : memref<10240x144xf32, #tpu.memory_space<vmem_shared>>) offsets(%arg10 : memref<80xi32, #tpu.memory_space<vmem>>) semaphore(%run_scoped3A : memref<!tpu.dma_semaphore, #tpu.memory_space<semaphore_mem>>) {add = true}
        %dma_wait3A_174 = arith.constant 0 : i32
        %dma_wait3A_175 = arith.constant 0 : i32
        %dma_wait3A_176 = tpu.memref_slice %arg18[%dma_wait3A_174, %dma_wait3A_175] : memref<10240x144xf32, #tpu.memory_space<vmem_shared>> -> memref<10240x144xf32, #tpu.memory_space<vmem_shared>>
        tpu.wait_indirect_dma semaphore(%run_scoped3A : memref<!tpu.dma_semaphore, #tpu.memory_space<semaphore_mem>>) src(%arg16 : memref<80x144xf32, #tpu.memory_space<vmem>>) dst(%dma_wait3A_176 : memref<10240x144xf32, #tpu.memory_space<vmem_shared>>)
        tpu.yield
      }) : () -> ()
      %add3A_123 = arith.constant 2 : i32
      %add3A_124 = arith.addi %mul3A_90, %add3A_123 : i32
      %lt3A = arith.constant 125 : i32
      %lt3A_125 = arith.cmpi slt, %add3A_124, %lt3A : i32
      %convert_element_type3A = arith.extui %lt3A_125 : i1 to i32
      %cond3A = arith.constant 0 : i32
      %cond3A_126 = arith.cmpi ne, %convert_element_type3A, %cond3A : i32
      scf.if %cond3A_126 {
        %add3A_171 = arith.constant 2 : i32
        %add3A_172 = arith.addi %mul3A_90, %add3A_171 : i32
        %mul3A_173 = arith.constant 80 : i32
        %mul3A_174 = arith.muli %add3A_172, %mul3A_173 : i32
        %add3A_175 = arith.addi %mul3A_2, %mul3A_174 : i32
        %dma_start3A_176 = tpu.memref_slice %arg2[%add3A_175] : memref<320000xi32, #tpu.memory_space<hbm>> -> memref<80xi32, #tpu.memory_space<hbm>>
        %dma_start3A_177 = tpu.memref_slice %arg2[%add3A_175] : memref<320000xi32, #tpu.memory_space<hbm>> -> memref<80xi32, #tpu.memory_space<hbm>>
        tpu.enqueue_dma source(%dma_start3A_177 : memref<80xi32, #tpu.memory_space<hbm>>) target(%arg10 : memref<80xi32, #tpu.memory_space<vmem>>) target_semaphore(%arg19 : memref<!tpu.dma_semaphore, #tpu.memory_space<semaphore_mem>>)
        %dma_start3A_178 = tpu.memref_slice %arg3[%add3A_175] : memref<320000xi32, #tpu.memory_space<hbm>> -> memref<80xi32, #tpu.memory_space<hbm>>
        %dma_start3A_179 = tpu.memref_slice %arg3[%add3A_175] : memref<320000xi32, #tpu.memory_space<hbm>> -> memref<80xi32, #tpu.memory_space<hbm>>
        tpu.enqueue_dma source(%dma_start3A_179 : memref<80xi32, #tpu.memory_space<hbm>>) target(%arg12 : memref<80xi32, #tpu.memory_space<vmem>>) target_semaphore(%arg19 : memref<!tpu.dma_semaphore, #tpu.memory_space<semaphore_mem>>)
        %dma_start3A_180 = arith.constant 0 : i32
        %dma_start3A_181 = tpu.memref_slice %arg4[%add3A_175, %dma_start3A_180] : memref<320000x16xf32, #tpu.memory_space<hbm>> -> memref<80x16xf32, #tpu.memory_space<hbm>>
        %dma_start3A_182 = arith.constant 0 : i32
        %dma_start3A_183 = tpu.memref_slice %arg4[%add3A_175, %dma_start3A_182] : memref<320000x16xf32, #tpu.memory_space<hbm>> -> memref<80x16xf32, #tpu.memory_space<hbm>>
        tpu.enqueue_dma source(%dma_start3A_183 : memref<80x16xf32, #tpu.memory_space<hbm>>) target(%arg8 : memref<80x16xf32, #tpu.memory_space<vmem>>) target_semaphore(%arg19 : memref<!tpu.dma_semaphore, #tpu.memory_space<semaphore_mem>>)
      } else {
      }
      %mul3A_127 = arith.constant 2 : i32
      %mul3A_128 = arith.muli %mul3A_127, %scan3A_87 : i32
      %add3A_129 = arith.constant 1 : i32
      %add3A_130 = arith.addi %mul3A_128, %add3A_129 : i32
      %dma_wait3A_131 = arith.constant 0 : i32
      %dma_wait3A_132 = arith.constant 0 : i32
      %dma_wait3A_133 = tpu.memref_slice %arg5[%dma_wait3A_131, %dma_wait3A_132] : memref<10000x16xf32, #tpu.memory_space<hbm>> -> memref<10000x16xf32, #tpu.memory_space<hbm>>
      tpu.wait_indirect_dma semaphore(%arg20 : memref<!tpu.dma_semaphore, #tpu.memory_space<semaphore_mem>>) src(%dma_wait3A_133 : memref<10000x16xf32, #tpu.memory_space<hbm>>) dst(%arg15 : memref<80x16xf32, #tpu.memory_space<vmem>>)
      %dma_wait3A_134 = arith.constant 0 : i32
      %dma_wait3A_135 = arith.constant 0 : i32
      %dma_wait3A_136 = tpu.memref_slice %arg6[%dma_wait3A_134, %dma_wait3A_135] : memref<10000x144xf32, #tpu.memory_space<hbm>> -> memref<10000x144xf32, #tpu.memory_space<hbm>>
      tpu.wait_indirect_dma semaphore(%arg20 : memref<!tpu.dma_semaphore, #tpu.memory_space<semaphore_mem>>) src(%dma_wait3A_136 : memref<10000x144xf32, #tpu.memory_space<hbm>>) dst(%arg17 : memref<80x144xf32, #tpu.memory_space<vmem>>)
      %add3A_137 = arith.constant 1 : i32
      %add3A_138 = arith.addi %add3A_130, %add3A_137 : i32
      %mul3A_139 = arith.constant 80 : i32
      %mul3A_140 = arith.muli %add3A_138, %mul3A_139 : i32
      %add3A_141 = arith.addi %mul3A_2, %mul3A_140 : i32
      %dma_wait3A_142 = tpu.memref_slice %arg2[%add3A_141] : memref<320000xi32, #tpu.memory_space<hbm>> -> memref<80xi32, #tpu.memory_space<hbm>>
      %dma_wait3A_143 = tpu.memref_slice %arg2[%add3A_141] : memref<320000xi32, #tpu.memory_space<hbm>> -> memref<80xi32, #tpu.memory_space<hbm>>
      tpu.wait_dma2 semaphore(%arg19 : memref<!tpu.dma_semaphore, #tpu.memory_space<semaphore_mem>>) src(%dma_wait3A_143 : memref<80xi32, #tpu.memory_space<hbm>>) dst(%arg10 : memref<80xi32, #tpu.memory_space<vmem>>)
      %dma_wait3A_144 = tpu.memref_slice %arg3[%add3A_141] : memref<320000xi32, #tpu.memory_space<hbm>> -> memref<80xi32, #tpu.memory_space<hbm>>
      %dma_wait3A_145 = tpu.memref_slice %arg3[%add3A_141] : memref<320000xi32, #tpu.memory_space<hbm>> -> memref<80xi32, #tpu.memory_space<hbm>>
      tpu.wait_dma2 semaphore(%arg19 : memref<!tpu.dma_semaphore, #tpu.memory_space<semaphore_mem>>) src(%dma_wait3A_145 : memref<80xi32, #tpu.memory_space<hbm>>) dst(%arg12 : memref<80xi32, #tpu.memory_space<vmem>>)
      %dma_wait3A_146 = arith.constant 0 : i32
      %dma_wait3A_147 = tpu.memref_slice %arg4[%add3A_141, %dma_wait3A_146] : memref<320000x16xf32, #tpu.memory_space<hbm>> -> memref<80x16xf32, #tpu.memory_space<hbm>>
      %dma_wait3A_148 = arith.constant 0 : i32
      %dma_wait3A_149 = tpu.memref_slice %arg4[%add3A_141, %dma_wait3A_148] : memref<320000x16xf32, #tpu.memory_space<hbm>> -> memref<80x16xf32, #tpu.memory_space<hbm>>
      tpu.wait_dma2 semaphore(%arg19 : memref<!tpu.dma_semaphore, #tpu.memory_space<semaphore_mem>>) src(%dma_wait3A_149 : memref<80x16xf32, #tpu.memory_space<hbm>>) dst(%arg8 : memref<80x16xf32, #tpu.memory_space<vmem>>)
      %dma_start3A_150 = arith.constant 0 : i32
      %dma_start3A_151 = arith.constant 0 : i32
      %dma_start3A_152 = tpu.memref_slice %arg5[%dma_start3A_150, %dma_start3A_151] : memref<10000x16xf32, #tpu.memory_space<hbm>> -> memref<10000x16xf32, #tpu.memory_space<hbm>>
      tpu.enqueue_indirect_dma source(%dma_start3A_152 : memref<10000x16xf32, #tpu.memory_space<hbm>>) target(%arg14 : memref<80x16xf32, #tpu.memory_space<vmem>>) offsets(%arg10 : memref<80xi32, #tpu.memory_space<vmem>>) semaphore(%arg20 : memref<!tpu.dma_semaphore, #tpu.memory_space<semaphore_mem>>)
      %dma_start3A_153 = arith.constant 0 : i32
      %dma_start3A_154 = arith.constant 0 : i32
      %dma_start3A_155 = tpu.memref_slice %arg6[%dma_start3A_153, %dma_start3A_154] : memref<10000x144xf32, #tpu.memory_space<hbm>> -> memref<10000x144xf32, #tpu.memory_space<hbm>>
      tpu.enqueue_indirect_dma source(%dma_start3A_155 : memref<10000x144xf32, #tpu.memory_space<hbm>>) target(%arg16 : memref<80x144xf32, #tpu.memory_space<vmem>>) offsets(%arg12 : memref<80xi32, #tpu.memory_space<vmem>>) semaphore(%arg20 : memref<!tpu.dma_semaphore, #tpu.memory_space<semaphore_mem>>)
      %scan3A_156 = arith.constant 0 : i32
      %scan3A_157 = arith.constant 0 : i32
      %scan3A_158 = arith.constant 80 : i32
      %scan3A_159 = arith.addi %scan3A_157, %scan3A_158 : i32
      %scan3A_160 = arith.constant 4 : i32
      %scan3A_161 = scf.for %scan3A_171 = %scan3A_157 to %scan3A_159 step %scan3A_160 iter_args(%scan3A_172 = %scan3A_156) -> (i32)  : i32 {
        %get3A = arith.index_cast %scan3A_171 : i32 to index
        %get3A_173 = arith.constant 0 : index
        %get3A_174 = tpu.vector_load %arg15[%get3A, %get3A_173] {strides = array<i32>} : memref<80x16xf32, #tpu.memory_space<vmem>>, vector<1x16xf32>,
        %get3A_175 = vector.shape_cast %get3A_174 : vector<1x16xf32> to vector<16xf32>
        %get3A_176 = arith.index_cast %scan3A_171 : i32 to index
        %get3A_177 = arith.constant 128 : index
        %get3A_178 = tpu.vector_load %arg17[%get3A_176, %get3A_177] {strides = array<i32>} : memref<80x144xf32, #tpu.memory_space<vmem>>, vector<1x16xf32>,
        %get3A_179 = vector.shape_cast %get3A_178 : vector<1x16xf32> to vector<16xf32>
        %add3A_180 = arith.addf %get3A_175, %get3A_179 : vector<16xf32>
        %get3A_181 = arith.index_cast %scan3A_171 : i32 to index
        %get3A_182 = arith.constant 0 : index
        %get3A_183 = tpu.vector_load %arg9[%get3A_181, %get3A_182] {strides = array<i32>} : memref<80x16xf32, #tpu.memory_space<vmem>>, vector<1x16xf32>,
        %get3A_184 = vector.shape_cast %get3A_183 : vector<1x16xf32> to vector<16xf32>
        %add3A_185 = arith.addf %add3A_180, %get3A_184 : vector<16xf32>
        %ge3A = arith.constant 0.000000e+00 : f32
        %ge3A_186 = vector.broadcast %ge3A : f32 to vector<16xf32>
        %ge3A_187 = arith.cmpf oge, %add3A_185, %ge3A_186 : vector<16xf32>
        %mul3A_188 = arith.constant 0.00999999977 : f32
        %mul3A_189 = vector.broadcast %mul3A_188 : f32 to vector<16xf32>
        %mul3A_190 = arith.mulf %mul3A_189, %add3A_185 : vector<16xf32>
        %select_n3A = arith.select %ge3A_187, %add3A_185, %mul3A_190 : vector<16xi1>, vector<16xf32>
        %min3A = arith.constant 7.000000e+01 : f32
        %min3A_191 = vector.broadcast %min3A : f32 to vector<16xf32>
        %min3A_192 = arith.minimumf %select_n3A, %min3A_191 : vector<16xf32>
        %exp3A = math.exp %min3A_192 : vector<16xf32>
        %swap3A = arith.index_cast %scan3A_171 : i32 to index
        %swap3A_193 = arith.constant 128 : index
        %swap3A_194 = tpu.vector_load %arg17[%swap3A, %swap3A_193] {strides = array<i32>} : memref<80x144xf32, #tpu.memory_space<vmem>>, vector<1x16xf32>,
        %swap3A_195 = vector.shape_cast %swap3A_194 : vector<1x16xf32> to vector<16xf32>
        %swap3A_196 = vector.shape_cast %exp3A : vector<16xf32> to vector<1x16xf32>
        tpu.vector_store %arg17[%swap3A, %swap3A_193], %swap3A_196 {strides = array<i32>} : memref<80x144xf32, #tpu.memory_space<vmem>>, vector<1x16xf32>,
        %slice3A = vector.extract_strided_slice %exp3A {offsets = [0], sizes = [1], strides = [1]} : vector<16xf32> to vector<1xf32>
        %squeeze3A = vector.extract %slice3A[0] : f32 from vector<1xf32>
        %get3A_197 = arith.index_cast %scan3A_171 : i32 to index
        %get3A_198 = arith.constant 0 : index
        %get3A_199 = tpu.vector_load %arg17[%get3A_197, %get3A_198] {strides = array<i32>} : memref<80x144xf32, #tpu.memory_space<vmem>>, vector<1x16xf32>,
        %get3A_200 = vector.shape_cast %get3A_199 : vector<1x16xf32> to vector<16xf32>
        %mul3A_201 = vector.broadcast %squeeze3A : f32 to vector<16xf32>
        %mul3A_202 = arith.mulf %get3A_200, %mul3A_201 : vector<16xf32>
        %swap3A_203 = arith.index_cast %scan3A_171 : i32 to index
        %swap3A_204 = arith.constant 0 : index
        %swap3A_205 = tpu.vector_load %arg17[%swap3A_203, %swap3A_204] {strides = array<i32>} : memref<80x144xf32, #tpu.memory_space<vmem>>, vector<1x16xf32>,
        %swap3A_206 = vector.shape_cast %swap3A_205 : vector<1x16xf32> to vector<16xf32>
        %swap3A_207 = vector.shape_cast %mul3A_202 : vector<16xf32> to vector<1x16xf32>
        tpu.vector_store %arg17[%swap3A_203, %swap3A_204], %swap3A_207 {strides = array<i32>} : memref<80x144xf32, #tpu.memory_space<vmem>>, vector<1x16xf32>,
        %slice3A_208 = vector.extract_strided_slice %exp3A {offsets = [1], sizes = [1], strides = [1]} : vector<16xf32> to vector<1xf32>
        %squeeze3A_209 = vector.extract %slice3A_208[0] : f32 from vector<1xf32>
        %get3A_210 = arith.index_cast %scan3A_171 : i32 to index
        %get3A_211 = arith.constant 16 : index
        %get3A_212 = tpu.vector_load %arg17[%get3A_210, %get3A_211] {strides = array<i32>} : memref<80x144xf32, #tpu.memory_space<vmem>>, vector<1x16xf32>,
        %get3A_213 = vector.shape_cast %get3A_212 : vector<1x16xf32> to vector<16xf32>
        %mul3A_214 = vector.broadcast %squeeze3A_209 : f32 to vector<16xf32>
        %mul3A_215 = arith.mulf %get3A_213, %mul3A_214 : vector<16xf32>
        %swap3A_216 = arith.index_cast %scan3A_171 : i32 to index
        %swap3A_217 = arith.constant 16 : index
        %swap3A_218 = tpu.vector_load %arg17[%swap3A_216, %swap3A_217] {strides = array<i32>} : memref<80x144xf32, #tpu.memory_space<vmem>>, vector<1x16xf32>,
        %swap3A_219 = vector.shape_cast %swap3A_218 : vector<1x16xf32> to vector<16xf32>
        %swap3A_220 = vector.shape_cast %mul3A_215 : vector<16xf32> to vector<1x16xf32>
        tpu.vector_store %arg17[%swap3A_216, %swap3A_217], %swap3A_220 {strides = array<i32>} : memref<80x144xf32, #tpu.memory_space<vmem>>, vector<1x16xf32>,
        %slice3A_221 = vector.extract_strided_slice %exp3A {offsets = [2], sizes = [1], strides = [1]} : vector<16xf32> to vector<1xf32>
        %squeeze3A_222 = vector.extract %slice3A_221[0] : f32 from vector<1xf32>
        %get3A_223 = arith.index_cast %scan3A_171 : i32 to index
        %get3A_224 = arith.constant 32 : index
        %get3A_225 = tpu.vector_load %arg17[%get3A_223, %get3A_224] {strides = array<i32>} : memref<80x144xf32, #tpu.memory_space<vmem>>, vector<1x16xf32>,
        %get3A_226 = vector.shape_cast %get3A_225 : vector<1x16xf32> to vector<16xf32>
        %mul3A_227 = vector.broadcast %squeeze3A_222 : f32 to vector<16xf32>
        %mul3A_228 = arith.mulf %get3A_226, %mul3A_227 : vector<16xf32>
        %swap3A_229 = arith.index_cast %scan3A_171 : i32 to index
        %swap3A_230 = arith.constant 32 : index
        %swap3A_231 = tpu.vector_load %arg17[%swap3A_229, %swap3A_230] {strides = array<i32>} : memref<80x144xf32, #tpu.memory_space<vmem>>, vector<1x16xf32>,
        %swap3A_232 = vector.shape_cast %swap3A_231 : vector<1x16xf32> to vector<16xf32>
        %swap3A_233 = vector.shape_cast %mul3A_228 : vector<16xf32> to vector<1x16xf32>
        tpu.vector_store %arg17[%swap3A_229, %swap3A_230], %swap3A_233 {strides = array<i32>} : memref<80x144xf32, #tpu.memory_space<vmem>>, vector<1x16xf32>,
        %slice3A_234 = vector.extract_strided_slice %exp3A {offsets = [3], sizes = [1], strides = [1]} : vector<16xf32> to vector<1xf32>
        %squeeze3A_235 = vector.extract %slice3A_234[0] : f32 from vector<1xf32>
        %get3A_236 = arith.index_cast %scan3A_171 : i32 to index
        %get3A_237 = arith.constant 48 : index
        %get3A_238 = tpu.vector_load %arg17[%get3A_236, %get3A_237] {strides = array<i32>} : memref<80x144xf32, #tpu.memory_space<vmem>>, vector<1x16xf32>,
        %get3A_239 = vector.shape_cast %get3A_238 : vector<1x16xf32> to vector<16xf32>
        %mul3A_240 = vector.broadcast %squeeze3A_235 : f32 to vector<16xf32>
        %mul3A_241 = arith.mulf %get3A_239, %mul3A_240 : vector<16xf32>
        %swap3A_242 = arith.index_cast %scan3A_171 : i32 to index
        %swap3A_243 = arith.constant 48 : index
        %swap3A_244 = tpu.vector_load %arg17[%swap3A_242, %swap3A_243] {strides = array<i32>} : memref<80x144xf32, #tpu.memory_space<vmem>>, vector<1x16xf32>,
        %swap3A_245 = vector.shape_cast %swap3A_244 : vector<1x16xf32> to vector<16xf32>
        %swap3A_246 = vector.shape_cast %mul3A_241 : vector<16xf32> to vector<1x16xf32>
        tpu.vector_store %arg17[%swap3A_242, %swap3A_243], %swap3A_246 {strides = array<i32>} : memref<80x144xf32, #tpu.memory_space<vmem>>, vector<1x16xf32>,
        %slice3A_247 = vector.extract_strided_slice %exp3A {offsets = [4], sizes = [1], strides = [1]} : vector<16xf32> to vector<1xf32>
        %squeeze3A_248 = vector.extract %slice3A_247[0] : f32 from vector<1xf32>
        %get3A_249 = arith.index_cast %scan3A_171 : i32 to index
        %get3A_250 = arith.constant 64 : index
        %get3A_251 = tpu.vector_load %arg17[%get3A_249, %get3A_250] {strides = array<i32>} : memref<80x144xf32, #tpu.memory_space<vmem>>, vector<1x16xf32>,
        %get3A_252 = vector.shape_cast %get3A_251 : vector<1x16xf32> to vector<16xf32>
        %mul3A_253 = vector.broadcast %squeeze3A_248 : f32 to vector<16xf32>
        %mul3A_254 = arith.mulf %get3A_252, %mul3A_253 : vector<16xf32>
        %swap3A_255 = arith.index_cast %scan3A_171 : i32 to index
        %swap3A_256 = arith.constant 64 : index
        %swap3A_257 = tpu.vector_load %arg17[%swap3A_255, %swap3A_256] {strides = array<i32>} : memref<80x144xf32, #tpu.memory_space<vmem>>, vector<1x16xf32>,
        %swap3A_258 = vector.shape_cast %swap3A_257 : vector<1x16xf32> to vector<16xf32>
        %swap3A_259 = vector.shape_cast %mul3A_254 : vector<16xf32> to vector<1x16xf32>
        tpu.vector_store %arg17[%swap3A_255, %swap3A_256], %swap3A_259 {strides = array<i32>} : memref<80x144xf32, #tpu.memory_space<vmem>>, vector<1x16xf32>,
        %slice3A_260 = vector.extract_strided_slice %exp3A {offsets = [5], sizes = [1], strides = [1]} : vector<16xf32> to vector<1xf32>
        %squeeze3A_261 = vector.extract %slice3A_260[0] : f32 from vector<1xf32>
        %get3A_262 = arith.index_cast %scan3A_171 : i32 to index
        %get3A_263 = arith.constant 80 : index
        %get3A_264 = tpu.vector_load %arg17[%get3A_262, %get3A_263] {strides = array<i32>} : memref<80x144xf32, #tpu.memory_space<vmem>>, vector<1x16xf32>,
        %get3A_265 = vector.shape_cast %get3A_264 : vector<1x16xf32> to vector<16xf32>
        %mul3A_266 = vector.broadcast %squeeze3A_261 : f32 to vector<16xf32>
        %mul3A_267 = arith.mulf %get3A_265, %mul3A_266 : vector<16xf32>
        %swap3A_268 = arith.index_cast %scan3A_171 : i32 to index
        %swap3A_269 = arith.constant 80 : index
        %swap3A_270 = tpu.vector_load %arg17[%swap3A_268, %swap3A_269] {strides = array<i32>} : memref<80x144xf32, #tpu.memory_space<vmem>>, vector<1x16xf32>,
        %swap3A_271 = vector.shape_cast %swap3A_270 : vector<1x16xf32> to vector<16xf32>
        %swap3A_272 = vector.shape_cast %mul3A_267 : vector<16xf32> to vector<1x16xf32>
        tpu.vector_store %arg17[%swap3A_268, %swap3A_269], %swap3A_272 {strides = array<i32>} : memref<80x144xf32, #tpu.memory_space<vmem>>, vector<1x16xf32>,
        %slice3A_273 = vector.extract_strided_slice %exp3A {offsets = [6], sizes = [1], strides = [1]} : vector<16xf32> to vector<1xf32>
        %squeeze3A_274 = vector.extract %slice3A_273[0] : f32 from vector<1xf32>
        %get3A_275 = arith.index_cast %scan3A_171 : i32 to index
        %get3A_276 = arith.constant 96 : index
        %get3A_277 = tpu.vector_load %arg17[%get3A_275, %get3A_276] {strides = array<i32>} : memref<80x144xf32, #tpu.memory_space<vmem>>, vector<1x16xf32>,
        %get3A_278 = vector.shape_cast %get3A_277 : vector<1x16xf32> to vector<16xf32>
        %mul3A_279 = vector.broadcast %squeeze3A_274 : f32 to vector<16xf32>
        %mul3A_280 = arith.mulf %get3A_278, %mul3A_279 : vector<16xf32>
        %swap3A_281 = arith.index_cast %scan3A_171 : i32 to index
        %swap3A_282 = arith.constant 96 : index
        %swap3A_283 = tpu.vector_load %arg17[%swap3A_281, %swap3A_282] {strides = array<i32>} : memref<80x144xf32, #tpu.memory_space<vmem>>, vector<1x16xf32>,
        %swap3A_284 = vector.shape_cast %swap3A_283 : vector<1x16xf32> to vector<16xf32>
        %swap3A_285 = vector.shape_cast %mul3A_280 : vector<16xf32> to vector<1x16xf32>
        tpu.vector_store %arg17[%swap3A_281, %swap3A_282], %swap3A_285 {strides = array<i32>} : memref<80x144xf32, #tpu.memory_space<vmem>>, vector<1x16xf32>,
        %slice3A_286 = vector.extract_strided_slice %exp3A {offsets = [7], sizes = [1], strides = [1]} : vector<16xf32> to vector<1xf32>
        %squeeze3A_287 = vector.extract %slice3A_286[0] : f32 from vector<1xf32>
        %get3A_288 = arith.index_cast %scan3A_171 : i32 to index
        %get3A_289 = arith.constant 112 : index
        %get3A_290 = tpu.vector_load %arg17[%get3A_288, %get3A_289] {strides = array<i32>} : memref<80x144xf32, #tpu.memory_space<vmem>>, vector<1x16xf32>,
        %get3A_291 = vector.shape_cast %get3A_290 : vector<1x16xf32> to vector<16xf32>
        %mul3A_292 = vector.broadcast %squeeze3A_287 : f32 to vector<16xf32>
        %mul3A_293 = arith.mulf %get3A_291, %mul3A_292 : vector<16xf32>
        %swap3A_294 = arith.index_cast %scan3A_171 : i32 to index
        %swap3A_295 = arith.constant 112 : index
        %swap3A_296 = tpu.vector_load %arg17[%swap3A_294, %swap3A_295] {strides = array<i32>} : memref<80x144xf32, #tpu.memory_space<vmem>>, vector<1x16xf32>,
        %swap3A_297 = vector.shape_cast %swap3A_296 : vector<1x16xf32> to vector<16xf32>
        %swap3A_298 = vector.shape_cast %mul3A_293 : vector<16xf32> to vector<1x16xf32>
        tpu.vector_store %arg17[%swap3A_294, %swap3A_295], %swap3A_298 {strides = array<i32>} : memref<80x144xf32, #tpu.memory_space<vmem>>, vector<1x16xf32>,
        %scan3A_299 = arith.constant 0 : i32
        %scan3A_300 = arith.constant 1 : i32
        %scan3A_301 = arith.addi %scan3A_171, %scan3A_300 : i32
        %get3A_302 = arith.index_cast %scan3A_301 : i32 to index
        %get3A_303 = arith.constant 0 : index
        %get3A_304 = tpu.vector_load %arg15[%get3A_302, %get3A_303] {strides = array<i32>} : memref<80x16xf32, #tpu.memory_space<vmem>>, vector<1x16xf32>,
        %get3A_305 = vector.shape_cast %get3A_304 : vector<1x16xf32> to vector<16xf32>
        %get3A_306 = arith.index_cast %scan3A_301 : i32 to index
        %get3A_307 = arith.constant 128 : index
        %get3A_308 = tpu.vector_load %arg17[%get3A_306, %get3A_307] {strides = array<i32>} : memref<80x144xf32, #tpu.memory_space<vmem>>, vector<1x16xf32>,
        %get3A_309 = vector.shape_cast %get3A_308 : vector<1x16xf32> to vector<16xf32>
        %add3A_310 = arith.addf %get3A_305, %get3A_309 : vector<16xf32>
        %get3A_311 = arith.index_cast %scan3A_301 : i32 to index
        %get3A_312 = arith.constant 0 : index
        %get3A_313 = tpu.vector_load %arg9[%get3A_311, %get3A_312] {strides = array<i32>} : memref<80x16xf32, #tpu.memory_space<vmem>>, vector<1x16xf32>,
        %get3A_314 = vector.shape_cast %get3A_313 : vector<1x16xf32> to vector<16xf32>
        %add3A_315 = arith.addf %add3A_310, %get3A_314 : vector<16xf32>
        %ge3A_316 = arith.constant 0.000000e+00 : f32
        %ge3A_317 = vector.broadcast %ge3A_316 : f32 to vector<16xf32>
        %ge3A_318 = arith.cmpf oge, %add3A_315, %ge3A_317 : vector<16xf32>
        %mul3A_319 = arith.constant 0.00999999977 : f32
        %mul3A_320 = vector.broadcast %mul3A_319 : f32 to vector<16xf32>
        %mul3A_321 = arith.mulf %mul3A_320, %add3A_315 : vector<16xf32>
        %select_n3A_322 = arith.select %ge3A_318, %add3A_315, %mul3A_321 : vector<16xi1>, vector<16xf32>
        %min3A_323 = arith.constant 7.000000e+01 : f32
        %min3A_324 = vector.broadcast %min3A_323 : f32 to vector<16xf32>
        %min3A_325 = arith.minimumf %select_n3A_322, %min3A_324 : vector<16xf32>
        %exp3A_326 = math.exp %min3A_325 : vector<16xf32>
        %swap3A_327 = arith.index_cast %scan3A_301 : i32 to index
        %swap3A_328 = arith.constant 128 : index
        %swap3A_329 = tpu.vector_load %arg17[%swap3A_327, %swap3A_328] {strides = array<i32>} : memref<80x144xf32, #tpu.memory_space<vmem>>, vector<1x16xf32>,
        %swap3A_330 = vector.shape_cast %swap3A_329 : vector<1x16xf32> to vector<16xf32>
        %swap3A_331 = vector.shape_cast %exp3A_326 : vector<16xf32> to vector<1x16xf32>
        tpu.vector_store %arg17[%swap3A_327, %swap3A_328], %swap3A_331 {strides = array<i32>} : memref<80x144xf32, #tpu.memory_space<vmem>>, vector<1x16xf32>,
        %slice3A_332 = vector.extract_strided_slice %exp3A_326 {offsets = [0], sizes = [1], strides = [1]} : vector<16xf32> to vector<1xf32>
        %squeeze3A_333 = vector.extract %slice3A_332[0] : f32 from vector<1xf32>
        %get3A_334 = arith.index_cast %scan3A_301 : i32 to index
        %get3A_335 = arith.constant 0 : index
        %get3A_336 = tpu.vector_load %arg17[%get3A_334, %get3A_335] {strides = array<i32>} : memref<80x144xf32, #tpu.memory_space<vmem>>, vector<1x16xf32>,
        %get3A_337 = vector.shape_cast %get3A_336 : vector<1x16xf32> to vector<16xf32>
        %mul3A_338 = vector.broadcast %squeeze3A_333 : f32 to vector<16xf32>
        %mul3A_339 = arith.mulf %get3A_337, %mul3A_338 : vector<16xf32>
        %swap3A_340 = arith.index_cast %scan3A_301 : i32 to index
        %swap3A_341 = arith.constant 0 : index
        %swap3A_342 = tpu.vector_load %arg17[%swap3A_340, %swap3A_341] {strides = array<i32>} : memref<80x144xf32, #tpu.memory_space<vmem>>, vector<1x16xf32>,
        %swap3A_343 = vector.shape_cast %swap3A_342 : vector<1x16xf32> to vector<16xf32>
        %swap3A_344 = vector.shape_cast %mul3A_339 : vector<16xf32> to vector<1x16xf32>
        tpu.vector_store %arg17[%swap3A_340, %swap3A_341], %swap3A_344 {strides = array<i32>} : memref<80x144xf32, #tpu.memory_space<vmem>>, vector<1x16xf32>,
        %slice3A_345 = vector.extract_strided_slice %exp3A_326 {offsets = [1], sizes = [1], strides = [1]} : vector<16xf32> to vector<1xf32>
        %squeeze3A_346 = vector.extract %slice3A_345[0] : f32 from vector<1xf32>
        %get3A_347 = arith.index_cast %scan3A_301 : i32 to index
        %get3A_348 = arith.constant 16 : index
        %get3A_349 = tpu.vector_load %arg17[%get3A_347, %get3A_348] {strides = array<i32>} : memref<80x144xf32, #tpu.memory_space<vmem>>, vector<1x16xf32>,
        %get3A_350 = vector.shape_cast %get3A_349 : vector<1x16xf32> to vector<16xf32>
        %mul3A_351 = vector.broadcast %squeeze3A_346 : f32 to vector<16xf32>
        %mul3A_352 = arith.mulf %get3A_350, %mul3A_351 : vector<16xf32>
        %swap3A_353 = arith.index_cast %scan3A_301 : i32 to index
        %swap3A_354 = arith.constant 16 : index
        %swap3A_355 = tpu.vector_load %arg17[%swap3A_353, %swap3A_354] {strides = array<i32>} : memref<80x144xf32, #tpu.memory_space<vmem>>, vector<1x16xf32>,
        %swap3A_356 = vector.shape_cast %swap3A_355 : vector<1x16xf32> to vector<16xf32>
        %swap3A_357 = vector.shape_cast %mul3A_352 : vector<16xf32> to vector<1x16xf32>
        tpu.vector_store %arg17[%swap3A_353, %swap3A_354], %swap3A_357 {strides = array<i32>} : memref<80x144xf32, #tpu.memory_space<vmem>>, vector<1x16xf32>,
        %slice3A_358 = vector.extract_strided_slice %exp3A_326 {offsets = [2], sizes = [1], strides = [1]} : vector<16xf32> to vector<1xf32>
        %squeeze3A_359 = vector.extract %slice3A_358[0] : f32 from vector<1xf32>
        %get3A_360 = arith.index_cast %scan3A_301 : i32 to index
        %get3A_361 = arith.constant 32 : index
        %get3A_362 = tpu.vector_load %arg17[%get3A_360, %get3A_361] {strides = array<i32>} : memref<80x144xf32, #tpu.memory_space<vmem>>, vector<1x16xf32>,
        %get3A_363 = vector.shape_cast %get3A_362 : vector<1x16xf32> to vector<16xf32>
        %mul3A_364 = vector.broadcast %squeeze3A_359 : f32 to vector<16xf32>
        %mul3A_365 = arith.mulf %get3A_363, %mul3A_364 : vector<16xf32>
        %swap3A_366 = arith.index_cast %scan3A_301 : i32 to index
        %swap3A_367 = arith.constant 32 : index
        %swap3A_368 = tpu.vector_load %arg17[%swap3A_366, %swap3A_367] {strides = array<i32>} : memref<80x144xf32, #tpu.memory_space<vmem>>, vector<1x16xf32>,
        %swap3A_369 = vector.shape_cast %swap3A_368 : vector<1x16xf32> to vector<16xf32>
        %swap3A_370 = vector.shape_cast %mul3A_365 : vector<16xf32> to vector<1x16xf32>
        tpu.vector_store %arg17[%swap3A_366, %swap3A_367], %swap3A_370 {strides = array<i32>} : memref<80x144xf32, #tpu.memory_space<vmem>>, vector<1x16xf32>,
        %slice3A_371 = vector.extract_strided_slice %exp3A_326 {offsets = [3], sizes = [1], strides = [1]} : vector<16xf32> to vector<1xf32>
        %squeeze3A_372 = vector.extract %slice3A_371[0] : f32 from vector<1xf32>
        %get3A_373 = arith.index_cast %scan3A_301 : i32 to index
        %get3A_374 = arith.constant 48 : index
        %get3A_375 = tpu.vector_load %arg17[%get3A_373, %get3A_374] {strides = array<i32>} : memref<80x144xf32, #tpu.memory_space<vmem>>, vector<1x16xf32>,
        %get3A_376 = vector.shape_cast %get3A_375 : vector<1x16xf32> to vector<16xf32>
        %mul3A_377 = vector.broadcast %squeeze3A_372 : f32 to vector<16xf32>
        %mul3A_378 = arith.mulf %get3A_376, %mul3A_377 : vector<16xf32>
        %swap3A_379 = arith.index_cast %scan3A_301 : i32 to index
        %swap3A_380 = arith.constant 48 : index
        %swap3A_381 = tpu.vector_load %arg17[%swap3A_379, %swap3A_380] {strides = array<i32>} : memref<80x144xf32, #tpu.memory_space<vmem>>, vector<1x16xf32>,
        %swap3A_382 = vector.shape_cast %swap3A_381 : vector<1x16xf32> to vector<16xf32>
        %swap3A_383 = vector.shape_cast %mul3A_378 : vector<16xf32> to vector<1x16xf32>
        tpu.vector_store %arg17[%swap3A_379, %swap3A_380], %swap3A_383 {strides = array<i32>} : memref<80x144xf32, #tpu.memory_space<vmem>>, vector<1x16xf32>,
        %slice3A_384 = vector.extract_strided_slice %exp3A_326 {offsets = [4], sizes = [1], strides = [1]} : vector<16xf32> to vector<1xf32>
        %squeeze3A_385 = vector.extract %slice3A_384[0] : f32 from vector<1xf32>
        %get3A_386 = arith.index_cast %scan3A_301 : i32 to index
        %get3A_387 = arith.constant 64 : index
        %get3A_388 = tpu.vector_load %arg17[%get3A_386, %get3A_387] {strides = array<i32>} : memref<80x144xf32, #tpu.memory_space<vmem>>, vector<1x16xf32>,
        %get3A_389 = vector.shape_cast %get3A_388 : vector<1x16xf32> to vector<16xf32>
        %mul3A_390 = vector.broadcast %squeeze3A_385 : f32 to vector<16xf32>
        %mul3A_391 = arith.mulf %get3A_389, %mul3A_390 : vector<16xf32>
        %swap3A_392 = arith.index_cast %scan3A_301 : i32 to index
        %swap3A_393 = arith.constant 64 : index
        %swap3A_394 = tpu.vector_load %arg17[%swap3A_392, %swap3A_393] {strides = array<i32>} : memref<80x144xf32, #tpu.memory_space<vmem>>, vector<1x16xf32>,
        %swap3A_395 = vector.shape_cast %swap3A_394 : vector<1x16xf32> to vector<16xf32>
        %swap3A_396 = vector.shape_cast %mul3A_391 : vector<16xf32> to vector<1x16xf32>
        tpu.vector_store %arg17[%swap3A_392, %swap3A_393], %swap3A_396 {strides = array<i32>} : memref<80x144xf32, #tpu.memory_space<vmem>>, vector<1x16xf32>,
        %slice3A_397 = vector.extract_strided_slice %exp3A_326 {offsets = [5], sizes = [1], strides = [1]} : vector<16xf32> to vector<1xf32>
        %squeeze3A_398 = vector.extract %slice3A_397[0] : f32 from vector<1xf32>
        %get3A_399 = arith.index_cast %scan3A_301 : i32 to index
        %get3A_400 = arith.constant 80 : index
        %get3A_401 = tpu.vector_load %arg17[%get3A_399, %get3A_400] {strides = array<i32>} : memref<80x144xf32, #tpu.memory_space<vmem>>, vector<1x16xf32>,
        %get3A_402 = vector.shape_cast %get3A_401 : vector<1x16xf32> to vector<16xf32>
        %mul3A_403 = vector.broadcast %squeeze3A_398 : f32 to vector<16xf32>
        %mul3A_404 = arith.mulf %get3A_402, %mul3A_403 : vector<16xf32>
        %swap3A_405 = arith.index_cast %scan3A_301 : i32 to index
        %swap3A_406 = arith.constant 80 : index
        %swap3A_407 = tpu.vector_load %arg17[%swap3A_405, %swap3A_406] {strides = array<i32>} : memref<80x144xf32, #tpu.memory_space<vmem>>, vector<1x16xf32>,
        %swap3A_408 = vector.shape_cast %swap3A_407 : vector<1x16xf32> to vector<16xf32>
        %swap3A_409 = vector.shape_cast %mul3A_404 : vector<16xf32> to vector<1x16xf32>
        tpu.vector_store %arg17[%swap3A_405, %swap3A_406], %swap3A_409 {strides = array<i32>} : memref<80x144xf32, #tpu.memory_space<vmem>>, vector<1x16xf32>,
        %slice3A_410 = vector.extract_strided_slice %exp3A_326 {offsets = [6], sizes = [1], strides = [1]} : vector<16xf32> to vector<1xf32>
        %squeeze3A_411 = vector.extract %slice3A_410[0] : f32 from vector<1xf32>
        %get3A_412 = arith.index_cast %scan3A_301 : i32 to index
        %get3A_413 = arith.constant 96 : index
        %get3A_414 = tpu.vector_load %arg17[%get3A_412, %get3A_413] {strides = array<i32>} : memref<80x144xf32, #tpu.memory_space<vmem>>, vector<1x16xf32>,
        %get3A_415 = vector.shape_cast %get3A_414 : vector<1x16xf32> to vector<16xf32>
        %mul3A_416 = vector.broadcast %squeeze3A_411 : f32 to vector<16xf32>
        %mul3A_417 = arith.mulf %get3A_415, %mul3A_416 : vector<16xf32>
        %swap3A_418 = arith.index_cast %scan3A_301 : i32 to index
        %swap3A_419 = arith.constant 96 : index
        %swap3A_420 = tpu.vector_load %arg17[%swap3A_418, %swap3A_419] {strides = array<i32>} : memref<80x144xf32, #tpu.memory_space<vmem>>, vector<1x16xf32>,
        %swap3A_421 = vector.shape_cast %swap3A_420 : vector<1x16xf32> to vector<16xf32>
        %swap3A_422 = vector.shape_cast %mul3A_417 : vector<16xf32> to vector<1x16xf32>
        tpu.vector_store %arg17[%swap3A_418, %swap3A_419], %swap3A_422 {strides = array<i32>} : memref<80x144xf32, #tpu.memory_space<vmem>>, vector<1x16xf32>,
        %slice3A_423 = vector.extract_strided_slice %exp3A_326 {offsets = [7], sizes = [1], strides = [1]} : vector<16xf32> to vector<1xf32>
        %squeeze3A_424 = vector.extract %slice3A_423[0] : f32 from vector<1xf32>
        %get3A_425 = arith.index_cast %scan3A_301 : i32 to index
        %get3A_426 = arith.constant 112 : index
        %get3A_427 = tpu.vector_load %arg17[%get3A_425, %get3A_426] {strides = array<i32>} : memref<80x144xf32, #tpu.memory_space<vmem>>, vector<1x16xf32>,
        %get3A_428 = vector.shape_cast %get3A_427 : vector<1x16xf32> to vector<16xf32>
        %mul3A_429 = vector.broadcast %squeeze3A_424 : f32 to vector<16xf32>
        %mul3A_430 = arith.mulf %get3A_428, %mul3A_429 : vector<16xf32>
        %swap3A_431 = arith.index_cast %scan3A_301 : i32 to index
        %swap3A_432 = arith.constant 112 : index
        %swap3A_433 = tpu.vector_load %arg17[%swap3A_431, %swap3A_432] {strides = array<i32>} : memref<80x144xf32, #tpu.memory_space<vmem>>, vector<1x16xf32>,
        %swap3A_434 = vector.shape_cast %swap3A_433 : vector<1x16xf32> to vector<16xf32>
        %swap3A_435 = vector.shape_cast %mul3A_430 : vector<16xf32> to vector<1x16xf32>
        tpu.vector_store %arg17[%swap3A_431, %swap3A_432], %swap3A_435 {strides = array<i32>} : memref<80x144xf32, #tpu.memory_space<vmem>>, vector<1x16xf32>,
        %scan3A_436 = arith.constant 0 : i32
        %scan3A_437 = arith.constant 2 : i32
        %scan3A_438 = arith.addi %scan3A_171, %scan3A_437 : i32
        %get3A_439 = arith.index_cast %scan3A_438 : i32 to index
        %get3A_440 = arith.constant 0 : index
        %get3A_441 = tpu.vector_load %arg15[%get3A_439, %get3A_440] {strides = array<i32>} : memref<80x16xf32, #tpu.memory_space<vmem>>, vector<1x16xf32>,
        %get3A_442 = vector.shape_cast %get3A_441 : vector<1x16xf32> to vector<16xf32>
        %get3A_443 = arith.index_cast %scan3A_438 : i32 to index
        %get3A_444 = arith.constant 128 : index
        %get3A_445 = tpu.vector_load %arg17[%get3A_443, %get3A_444] {strides = array<i32>} : memref<80x144xf32, #tpu.memory_space<vmem>>, vector<1x16xf32>,
        %get3A_446 = vector.shape_cast %get3A_445 : vector<1x16xf32> to vector<16xf32>
        %add3A_447 = arith.addf %get3A_442, %get3A_446 : vector<16xf32>
        %get3A_448 = arith.index_cast %scan3A_438 : i32 to index
        %get3A_449 = arith.constant 0 : index
        %get3A_450 = tpu.vector_load %arg9[%get3A_448, %get3A_449] {strides = array<i32>} : memref<80x16xf32, #tpu.memory_space<vmem>>, vector<1x16xf32>,
        %get3A_451 = vector.shape_cast %get3A_450 : vector<1x16xf32> to vector<16xf32>
        %add3A_452 = arith.addf %add3A_447, %get3A_451 : vector<16xf32>
        %ge3A_453 = arith.constant 0.000000e+00 : f32
        %ge3A_454 = vector.broadcast %ge3A_453 : f32 to vector<16xf32>
        %ge3A_455 = arith.cmpf oge, %add3A_452, %ge3A_454 : vector<16xf32>
        %mul3A_456 = arith.constant 0.00999999977 : f32
        %mul3A_457 = vector.broadcast %mul3A_456 : f32 to vector<16xf32>
        %mul3A_458 = arith.mulf %mul3A_457, %add3A_452 : vector<16xf32>
        %select_n3A_459 = arith.select %ge3A_455, %add3A_452, %mul3A_458 : vector<16xi1>, vector<16xf32>
        %min3A_460 = arith.constant 7.000000e+01 : f32
        %min3A_461 = vector.broadcast %min3A_460 : f32 to vector<16xf32>
        %min3A_462 = arith.minimumf %select_n3A_459, %min3A_461 : vector<16xf32>
        %exp3A_463 = math.exp %min3A_462 : vector<16xf32>
        %swap3A_464 = arith.index_cast %scan3A_438 : i32 to index
        %swap3A_465 = arith.constant 128 : index
        %swap3A_466 = tpu.vector_load %arg17[%swap3A_464, %swap3A_465] {strides = array<i32>} : memref<80x144xf32, #tpu.memory_space<vmem>>, vector<1x16xf32>,
        %swap3A_467 = vector.shape_cast %swap3A_466 : vector<1x16xf32> to vector<16xf32>
        %swap3A_468 = vector.shape_cast %exp3A_463 : vector<16xf32> to vector<1x16xf32>
        tpu.vector_store %arg17[%swap3A_464, %swap3A_465], %swap3A_468 {strides = array<i32>} : memref<80x144xf32, #tpu.memory_space<vmem>>, vector<1x16xf32>,
        %slice3A_469 = vector.extract_strided_slice %exp3A_463 {offsets = [0], sizes = [1], strides = [1]} : vector<16xf32> to vector<1xf32>
        %squeeze3A_470 = vector.extract %slice3A_469[0] : f32 from vector<1xf32>
        %get3A_471 = arith.index_cast %scan3A_438 : i32 to index
        %get3A_472 = arith.constant 0 : index
        %get3A_473 = tpu.vector_load %arg17[%get3A_471, %get3A_472] {strides = array<i32>} : memref<80x144xf32, #tpu.memory_space<vmem>>, vector<1x16xf32>,
        %get3A_474 = vector.shape_cast %get3A_473 : vector<1x16xf32> to vector<16xf32>
        %mul3A_475 = vector.broadcast %squeeze3A_470 : f32 to vector<16xf32>
        %mul3A_476 = arith.mulf %get3A_474, %mul3A_475 : vector<16xf32>
        %swap3A_477 = arith.index_cast %scan3A_438 : i32 to index
        %swap3A_478 = arith.constant 0 : index
        %swap3A_479 = tpu.vector_load %arg17[%swap3A_477, %swap3A_478] {strides = array<i32>} : memref<80x144xf32, #tpu.memory_space<vmem>>, vector<1x16xf32>,
        %swap3A_480 = vector.shape_cast %swap3A_479 : vector<1x16xf32> to vector<16xf32>
        %swap3A_481 = vector.shape_cast %mul3A_476 : vector<16xf32> to vector<1x16xf32>
        tpu.vector_store %arg17[%swap3A_477, %swap3A_478], %swap3A_481 {strides = array<i32>} : memref<80x144xf32, #tpu.memory_space<vmem>>, vector<1x16xf32>,
        %slice3A_482 = vector.extract_strided_slice %exp3A_463 {offsets = [1], sizes = [1], strides = [1]} : vector<16xf32> to vector<1xf32>
        %squeeze3A_483 = vector.extract %slice3A_482[0] : f32 from vector<1xf32>
        %get3A_484 = arith.index_cast %scan3A_438 : i32 to index
        %get3A_485 = arith.constant 16 : index
        %get3A_486 = tpu.vector_load %arg17[%get3A_484, %get3A_485] {strides = array<i32>} : memref<80x144xf32, #tpu.memory_space<vmem>>, vector<1x16xf32>,
        %get3A_487 = vector.shape_cast %get3A_486 : vector<1x16xf32> to vector<16xf32>
        %mul3A_488 = vector.broadcast %squeeze3A_483 : f32 to vector<16xf32>
        %mul3A_489 = arith.mulf %get3A_487, %mul3A_488 : vector<16xf32>
        %swap3A_490 = arith.index_cast %scan3A_438 : i32 to index
        %swap3A_491 = arith.constant 16 : index
        %swap3A_492 = tpu.vector_load %arg17[%swap3A_490, %swap3A_491] {strides = array<i32>} : memref<80x144xf32, #tpu.memory_space<vmem>>, vector<1x16xf32>,
        %swap3A_493 = vector.shape_cast %swap3A_492 : vector<1x16xf32> to vector<16xf32>
        %swap3A_494 = vector.shape_cast %mul3A_489 : vector<16xf32> to vector<1x16xf32>
        tpu.vector_store %arg17[%swap3A_490, %swap3A_491], %swap3A_494 {strides = array<i32>} : memref<80x144xf32, #tpu.memory_space<vmem>>, vector<1x16xf32>,
        %slice3A_495 = vector.extract_strided_slice %exp3A_463 {offsets = [2], sizes = [1], strides = [1]} : vector<16xf32> to vector<1xf32>
        %squeeze3A_496 = vector.extract %slice3A_495[0] : f32 from vector<1xf32>
        %get3A_497 = arith.index_cast %scan3A_438 : i32 to index
        %get3A_498 = arith.constant 32 : index
        %get3A_499 = tpu.vector_load %arg17[%get3A_497, %get3A_498] {strides = array<i32>} : memref<80x144xf32, #tpu.memory_space<vmem>>, vector<1x16xf32>,
        %get3A_500 = vector.shape_cast %get3A_499 : vector<1x16xf32> to vector<16xf32>
        %mul3A_501 = vector.broadcast %squeeze3A_496 : f32 to vector<16xf32>
        %mul3A_502 = arith.mulf %get3A_500, %mul3A_501 : vector<16xf32>
        %swap3A_503 = arith.index_cast %scan3A_438 : i32 to index
        %swap3A_504 = arith.constant 32 : index
        %swap3A_505 = tpu.vector_load %arg17[%swap3A_503, %swap3A_504] {strides = array<i32>} : memref<80x144xf32, #tpu.memory_space<vmem>>, vector<1x16xf32>,
        %swap3A_506 = vector.shape_cast %swap3A_505 : vector<1x16xf32> to vector<16xf32>
        %swap3A_507 = vector.shape_cast %mul3A_502 : vector<16xf32> to vector<1x16xf32>
        tpu.vector_store %arg17[%swap3A_503, %swap3A_504], %swap3A_507 {strides = array<i32>} : memref<80x144xf32, #tpu.memory_space<vmem>>, vector<1x16xf32>,
        %slice3A_508 = vector.extract_strided_slice %exp3A_463 {offsets = [3], sizes = [1], strides = [1]} : vector<16xf32> to vector<1xf32>
        %squeeze3A_509 = vector.extract %slice3A_508[0] : f32 from vector<1xf32>
        %get3A_510 = arith.index_cast %scan3A_438 : i32 to index
        %get3A_511 = arith.constant 48 : index
        %get3A_512 = tpu.vector_load %arg17[%get3A_510, %get3A_511] {strides = array<i32>} : memref<80x144xf32, #tpu.memory_space<vmem>>, vector<1x16xf32>,
        %get3A_513 = vector.shape_cast %get3A_512 : vector<1x16xf32> to vector<16xf32>
        %mul3A_514 = vector.broadcast %squeeze3A_509 : f32 to vector<16xf32>
        %mul3A_515 = arith.mulf %get3A_513, %mul3A_514 : vector<16xf32>
        %swap3A_516 = arith.index_cast %scan3A_438 : i32 to index
        %swap3A_517 = arith.constant 48 : index
        %swap3A_518 = tpu.vector_load %arg17[%swap3A_516, %swap3A_517] {strides = array<i32>} : memref<80x144xf32, #tpu.memory_space<vmem>>, vector<1x16xf32>,
        %swap3A_519 = vector.shape_cast %swap3A_518 : vector<1x16xf32> to vector<16xf32>
        %swap3A_520 = vector.shape_cast %mul3A_515 : vector<16xf32> to vector<1x16xf32>
        tpu.vector_store %arg17[%swap3A_516, %swap3A_517], %swap3A_520 {strides = array<i32>} : memref<80x144xf32, #tpu.memory_space<vmem>>, vector<1x16xf32>,
        %slice3A_521 = vector.extract_strided_slice %exp3A_463 {offsets = [4], sizes = [1], strides = [1]} : vector<16xf32> to vector<1xf32>
        %squeeze3A_522 = vector.extract %slice3A_521[0] : f32 from vector<1xf32>
        %get3A_523 = arith.index_cast %scan3A_438 : i32 to index
        %get3A_524 = arith.constant 64 : index
        %get3A_525 = tpu.vector_load %arg17[%get3A_523, %get3A_524] {strides = array<i32>} : memref<80x144xf32, #tpu.memory_space<vmem>>, vector<1x16xf32>,
        %get3A_526 = vector.shape_cast %get3A_525 : vector<1x16xf32> to vector<16xf32>
        %mul3A_527 = vector.broadcast %squeeze3A_522 : f32 to vector<16xf32>
        %mul3A_528 = arith.mulf %get3A_526, %mul3A_527 : vector<16xf32>
        %swap3A_529 = arith.index_cast %scan3A_438 : i32 to index
        %swap3A_530 = arith.constant 64 : index
        %swap3A_531 = tpu.vector_load %arg17[%swap3A_529, %swap3A_530] {strides = array<i32>} : memref<80x144xf32, #tpu.memory_space<vmem>>, vector<1x16xf32>,
        %swap3A_532 = vector.shape_cast %swap3A_531 : vector<1x16xf32> to vector<16xf32>
        %swap3A_533 = vector.shape_cast %mul3A_528 : vector<16xf32> to vector<1x16xf32>
        tpu.vector_store %arg17[%swap3A_529, %swap3A_530], %swap3A_533 {strides = array<i32>} : memref<80x144xf32, #tpu.memory_space<vmem>>, vector<1x16xf32>,
        %slice3A_534 = vector.extract_strided_slice %exp3A_463 {offsets = [5], sizes = [1], strides = [1]} : vector<16xf32> to vector<1xf32>
        %squeeze3A_535 = vector.extract %slice3A_534[0] : f32 from vector<1xf32>
        %get3A_536 = arith.index_cast %scan3A_438 : i32 to index
        %get3A_537 = arith.constant 80 : index
        %get3A_538 = tpu.vector_load %arg17[%get3A_536, %get3A_537] {strides = array<i32>} : memref<80x144xf32, #tpu.memory_space<vmem>>, vector<1x16xf32>,
        %get3A_539 = vector.shape_cast %get3A_538 : vector<1x16xf32> to vector<16xf32>
        %mul3A_540 = vector.broadcast %squeeze3A_535 : f32 to vector<16xf32>
        %mul3A_541 = arith.mulf %get3A_539, %mul3A_540 : vector<16xf32>
        %swap3A_542 = arith.index_cast %scan3A_438 : i32 to index
        %swap3A_543 = arith.constant 80 : index
        %swap3A_544 = tpu.vector_load %arg17[%swap3A_542, %swap3A_543] {strides = array<i32>} : memref<80x144xf32, #tpu.memory_space<vmem>>, vector<1x16xf32>,
        %swap3A_545 = vector.shape_cast %swap3A_544 : vector<1x16xf32> to vector<16xf32>
        %swap3A_546 = vector.shape_cast %mul3A_541 : vector<16xf32> to vector<1x16xf32>
        tpu.vector_store %arg17[%swap3A_542, %swap3A_543], %swap3A_546 {strides = array<i32>} : memref<80x144xf32, #tpu.memory_space<vmem>>, vector<1x16xf32>,
        %slice3A_547 = vector.extract_strided_slice %exp3A_463 {offsets = [6], sizes = [1], strides = [1]} : vector<16xf32> to vector<1xf32>
        %squeeze3A_548 = vector.extract %slice3A_547[0] : f32 from vector<1xf32>
        %get3A_549 = arith.index_cast %scan3A_438 : i32 to index
        %get3A_550 = arith.constant 96 : index
        %get3A_551 = tpu.vector_load %arg17[%get3A_549, %get3A_550] {strides = array<i32>} : memref<80x144xf32, #tpu.memory_space<vmem>>, vector<1x16xf32>,
        %get3A_552 = vector.shape_cast %get3A_551 : vector<1x16xf32> to vector<16xf32>
        %mul3A_553 = vector.broadcast %squeeze3A_548 : f32 to vector<16xf32>
        %mul3A_554 = arith.mulf %get3A_552, %mul3A_553 : vector<16xf32>
        %swap3A_555 = arith.index_cast %scan3A_438 : i32 to index
        %swap3A_556 = arith.constant 96 : index
        %swap3A_557 = tpu.vector_load %arg17[%swap3A_555, %swap3A_556] {strides = array<i32>} : memref<80x144xf32, #tpu.memory_space<vmem>>, vector<1x16xf32>,
        %swap3A_558 = vector.shape_cast %swap3A_557 : vector<1x16xf32> to vector<16xf32>
        %swap3A_559 = vector.shape_cast %mul3A_554 : vector<16xf32> to vector<1x16xf32>
        tpu.vector_store %arg17[%swap3A_555, %swap3A_556], %swap3A_559 {strides = array<i32>} : memref<80x144xf32, #tpu.memory_space<vmem>>, vector<1x16xf32>,
        %slice3A_560 = vector.extract_strided_slice %exp3A_463 {offsets = [7], sizes = [1], strides = [1]} : vector<16xf32> to vector<1xf32>
        %squeeze3A_561 = vector.extract %slice3A_560[0] : f32 from vector<1xf32>
        %get3A_562 = arith.index_cast %scan3A_438 : i32 to index
        %get3A_563 = arith.constant 112 : index
        %get3A_564 = tpu.vector_load %arg17[%get3A_562, %get3A_563] {strides = array<i32>} : memref<80x144xf32, #tpu.memory_space<vmem>>, vector<1x16xf32>,
        %get3A_565 = vector.shape_cast %get3A_564 : vector<1x16xf32> to vector<16xf32>
        %mul3A_566 = vector.broadcast %squeeze3A_561 : f32 to vector<16xf32>
        %mul3A_567 = arith.mulf %get3A_565, %mul3A_566 : vector<16xf32>
        %swap3A_568 = arith.index_cast %scan3A_438 : i32 to index
        %swap3A_569 = arith.constant 112 : index
        %swap3A_570 = tpu.vector_load %arg17[%swap3A_568, %swap3A_569] {strides = array<i32>} : memref<80x144xf32, #tpu.memory_space<vmem>>, vector<1x16xf32>,
        %swap3A_571 = vector.shape_cast %swap3A_570 : vector<1x16xf32> to vector<16xf32>
        %swap3A_572 = vector.shape_cast %mul3A_567 : vector<16xf32> to vector<1x16xf32>
        tpu.vector_store %arg17[%swap3A_568, %swap3A_569], %swap3A_572 {strides = array<i32>} : memref<80x144xf32, #tpu.memory_space<vmem>>, vector<1x16xf32>,
        %scan3A_573 = arith.constant 0 : i32
        %scan3A_574 = arith.constant 3 : i32
        %scan3A_575 = arith.addi %scan3A_171, %scan3A_574 : i32
        %get3A_576 = arith.index_cast %scan3A_575 : i32 to index
        %get3A_577 = arith.constant 0 : index
        %get3A_578 = tpu.vector_load %arg15[%get3A_576, %get3A_577] {strides = array<i32>} : memref<80x16xf32, #tpu.memory_space<vmem>>, vector<1x16xf32>,
        %get3A_579 = vector.shape_cast %get3A_578 : vector<1x16xf32> to vector<16xf32>
        %get3A_580 = arith.index_cast %scan3A_575 : i32 to index
        %get3A_581 = arith.constant 128 : index
        %get3A_582 = tpu.vector_load %arg17[%get3A_580, %get3A_581] {strides = array<i32>} : memref<80x144xf32, #tpu.memory_space<vmem>>, vector<1x16xf32>,
        %get3A_583 = vector.shape_cast %get3A_582 : vector<1x16xf32> to vector<16xf32>
        %add3A_584 = arith.addf %get3A_579, %get3A_583 : vector<16xf32>
        %get3A_585 = arith.index_cast %scan3A_575 : i32 to index
        %get3A_586 = arith.constant 0 : index
        %get3A_587 = tpu.vector_load %arg9[%get3A_585, %get3A_586] {strides = array<i32>} : memref<80x16xf32, #tpu.memory_space<vmem>>, vector<1x16xf32>,
        %get3A_588 = vector.shape_cast %get3A_587 : vector<1x16xf32> to vector<16xf32>
        %add3A_589 = arith.addf %add3A_584, %get3A_588 : vector<16xf32>
        %ge3A_590 = arith.constant 0.000000e+00 : f32
        %ge3A_591 = vector.broadcast %ge3A_590 : f32 to vector<16xf32>
        %ge3A_592 = arith.cmpf oge, %add3A_589, %ge3A_591 : vector<16xf32>
        %mul3A_593 = arith.constant 0.00999999977 : f32
        %mul3A_594 = vector.broadcast %mul3A_593 : f32 to vector<16xf32>
        %mul3A_595 = arith.mulf %mul3A_594, %add3A_589 : vector<16xf32>
        %select_n3A_596 = arith.select %ge3A_592, %add3A_589, %mul3A_595 : vector<16xi1>, vector<16xf32>
        %min3A_597 = arith.constant 7.000000e+01 : f32
        %min3A_598 = vector.broadcast %min3A_597 : f32 to vector<16xf32>
        %min3A_599 = arith.minimumf %select_n3A_596, %min3A_598 : vector<16xf32>
        %exp3A_600 = math.exp %min3A_599 : vector<16xf32>
        %swap3A_601 = arith.index_cast %scan3A_575 : i32 to index
        %swap3A_602 = arith.constant 128 : index
        %swap3A_603 = tpu.vector_load %arg17[%swap3A_601, %swap3A_602] {strides = array<i32>} : memref<80x144xf32, #tpu.memory_space<vmem>>, vector<1x16xf32>,
        %swap3A_604 = vector.shape_cast %swap3A_603 : vector<1x16xf32> to vector<16xf32>
        %swap3A_605 = vector.shape_cast %exp3A_600 : vector<16xf32> to vector<1x16xf32>
        tpu.vector_store %arg17[%swap3A_601, %swap3A_602], %swap3A_605 {strides = array<i32>} : memref<80x144xf32, #tpu.memory_space<vmem>>, vector<1x16xf32>,
        %slice3A_606 = vector.extract_strided_slice %exp3A_600 {offsets = [0], sizes = [1], strides = [1]} : vector<16xf32> to vector<1xf32>
        %squeeze3A_607 = vector.extract %slice3A_606[0] : f32 from vector<1xf32>
        %get3A_608 = arith.index_cast %scan3A_575 : i32 to index
        %get3A_609 = arith.constant 0 : index
        %get3A_610 = tpu.vector_load %arg17[%get3A_608, %get3A_609] {strides = array<i32>} : memref<80x144xf32, #tpu.memory_space<vmem>>, vector<1x16xf32>,
        %get3A_611 = vector.shape_cast %get3A_610 : vector<1x16xf32> to vector<16xf32>
        %mul3A_612 = vector.broadcast %squeeze3A_607 : f32 to vector<16xf32>
        %mul3A_613 = arith.mulf %get3A_611, %mul3A_612 : vector<16xf32>
        %swap3A_614 = arith.index_cast %scan3A_575 : i32 to index
        %swap3A_615 = arith.constant 0 : index
        %swap3A_616 = tpu.vector_load %arg17[%swap3A_614, %swap3A_615] {strides = array<i32>} : memref<80x144xf32, #tpu.memory_space<vmem>>, vector<1x16xf32>,
        %swap3A_617 = vector.shape_cast %swap3A_616 : vector<1x16xf32> to vector<16xf32>
        %swap3A_618 = vector.shape_cast %mul3A_613 : vector<16xf32> to vector<1x16xf32>
        tpu.vector_store %arg17[%swap3A_614, %swap3A_615], %swap3A_618 {strides = array<i32>} : memref<80x144xf32, #tpu.memory_space<vmem>>, vector<1x16xf32>,
        %slice3A_619 = vector.extract_strided_slice %exp3A_600 {offsets = [1], sizes = [1], strides = [1]} : vector<16xf32> to vector<1xf32>
        %squeeze3A_620 = vector.extract %slice3A_619[0] : f32 from vector<1xf32>
        %get3A_621 = arith.index_cast %scan3A_575 : i32 to index
        %get3A_622 = arith.constant 16 : index
        %get3A_623 = tpu.vector_load %arg17[%get3A_621, %get3A_622] {strides = array<i32>} : memref<80x144xf32, #tpu.memory_space<vmem>>, vector<1x16xf32>,
        %get3A_624 = vector.shape_cast %get3A_623 : vector<1x16xf32> to vector<16xf32>
        %mul3A_625 = vector.broadcast %squeeze3A_620 : f32 to vector<16xf32>
        %mul3A_626 = arith.mulf %get3A_624, %mul3A_625 : vector<16xf32>
        %swap3A_627 = arith.index_cast %scan3A_575 : i32 to index
        %swap3A_628 = arith.constant 16 : index
        %swap3A_629 = tpu.vector_load %arg17[%swap3A_627, %swap3A_628] {strides = array<i32>} : memref<80x144xf32, #tpu.memory_space<vmem>>, vector<1x16xf32>,
        %swap3A_630 = vector.shape_cast %swap3A_629 : vector<1x16xf32> to vector<16xf32>
        %swap3A_631 = vector.shape_cast %mul3A_626 : vector<16xf32> to vector<1x16xf32>
        tpu.vector_store %arg17[%swap3A_627, %swap3A_628], %swap3A_631 {strides = array<i32>} : memref<80x144xf32, #tpu.memory_space<vmem>>, vector<1x16xf32>,
        %slice3A_632 = vector.extract_strided_slice %exp3A_600 {offsets = [2], sizes = [1], strides = [1]} : vector<16xf32> to vector<1xf32>
        %squeeze3A_633 = vector.extract %slice3A_632[0] : f32 from vector<1xf32>
        %get3A_634 = arith.index_cast %scan3A_575 : i32 to index
        %get3A_635 = arith.constant 32 : index
        %get3A_636 = tpu.vector_load %arg17[%get3A_634, %get3A_635] {strides = array<i32>} : memref<80x144xf32, #tpu.memory_space<vmem>>, vector<1x16xf32>,
        %get3A_637 = vector.shape_cast %get3A_636 : vector<1x16xf32> to vector<16xf32>
        %mul3A_638 = vector.broadcast %squeeze3A_633 : f32 to vector<16xf32>
        %mul3A_639 = arith.mulf %get3A_637, %mul3A_638 : vector<16xf32>
        %swap3A_640 = arith.index_cast %scan3A_575 : i32 to index
        %swap3A_641 = arith.constant 32 : index
        %swap3A_642 = tpu.vector_load %arg17[%swap3A_640, %swap3A_641] {strides = array<i32>} : memref<80x144xf32, #tpu.memory_space<vmem>>, vector<1x16xf32>,
        %swap3A_643 = vector.shape_cast %swap3A_642 : vector<1x16xf32> to vector<16xf32>
        %swap3A_644 = vector.shape_cast %mul3A_639 : vector<16xf32> to vector<1x16xf32>
        tpu.vector_store %arg17[%swap3A_640, %swap3A_641], %swap3A_644 {strides = array<i32>} : memref<80x144xf32, #tpu.memory_space<vmem>>, vector<1x16xf32>,
        %slice3A_645 = vector.extract_strided_slice %exp3A_600 {offsets = [3], sizes = [1], strides = [1]} : vector<16xf32> to vector<1xf32>
        %squeeze3A_646 = vector.extract %slice3A_645[0] : f32 from vector<1xf32>
        %get3A_647 = arith.index_cast %scan3A_575 : i32 to index
        %get3A_648 = arith.constant 48 : index
        %get3A_649 = tpu.vector_load %arg17[%get3A_647, %get3A_648] {strides = array<i32>} : memref<80x144xf32, #tpu.memory_space<vmem>>, vector<1x16xf32>,
        %get3A_650 = vector.shape_cast %get3A_649 : vector<1x16xf32> to vector<16xf32>
        %mul3A_651 = vector.broadcast %squeeze3A_646 : f32 to vector<16xf32>
        %mul3A_652 = arith.mulf %get3A_650, %mul3A_651 : vector<16xf32>
        %swap3A_653 = arith.index_cast %scan3A_575 : i32 to index
        %swap3A_654 = arith.constant 48 : index
        %swap3A_655 = tpu.vector_load %arg17[%swap3A_653, %swap3A_654] {strides = array<i32>} : memref<80x144xf32, #tpu.memory_space<vmem>>, vector<1x16xf32>,
        %swap3A_656 = vector.shape_cast %swap3A_655 : vector<1x16xf32> to vector<16xf32>
        %swap3A_657 = vector.shape_cast %mul3A_652 : vector<16xf32> to vector<1x16xf32>
        tpu.vector_store %arg17[%swap3A_653, %swap3A_654], %swap3A_657 {strides = array<i32>} : memref<80x144xf32, #tpu.memory_space<vmem>>, vector<1x16xf32>,
        %slice3A_658 = vector.extract_strided_slice %exp3A_600 {offsets = [4], sizes = [1], strides = [1]} : vector<16xf32> to vector<1xf32>
        %squeeze3A_659 = vector.extract %slice3A_658[0] : f32 from vector<1xf32>
        %get3A_660 = arith.index_cast %scan3A_575 : i32 to index
        %get3A_661 = arith.constant 64 : index
        %get3A_662 = tpu.vector_load %arg17[%get3A_660, %get3A_661] {strides = array<i32>} : memref<80x144xf32, #tpu.memory_space<vmem>>, vector<1x16xf32>,
        %get3A_663 = vector.shape_cast %get3A_662 : vector<1x16xf32> to vector<16xf32>
        %mul3A_664 = vector.broadcast %squeeze3A_659 : f32 to vector<16xf32>
        %mul3A_665 = arith.mulf %get3A_663, %mul3A_664 : vector<16xf32>
        %swap3A_666 = arith.index_cast %scan3A_575 : i32 to index
        %swap3A_667 = arith.constant 64 : index
        %swap3A_668 = tpu.vector_load %arg17[%swap3A_666, %swap3A_667] {strides = array<i32>} : memref<80x144xf32, #tpu.memory_space<vmem>>, vector<1x16xf32>,
        %swap3A_669 = vector.shape_cast %swap3A_668 : vector<1x16xf32> to vector<16xf32>
        %swap3A_670 = vector.shape_cast %mul3A_665 : vector<16xf32> to vector<1x16xf32>
        tpu.vector_store %arg17[%swap3A_666, %swap3A_667], %swap3A_670 {strides = array<i32>} : memref<80x144xf32, #tpu.memory_space<vmem>>, vector<1x16xf32>,
        %slice3A_671 = vector.extract_strided_slice %exp3A_600 {offsets = [5], sizes = [1], strides = [1]} : vector<16xf32> to vector<1xf32>
        %squeeze3A_672 = vector.extract %slice3A_671[0] : f32 from vector<1xf32>
        %get3A_673 = arith.index_cast %scan3A_575 : i32 to index
        %get3A_674 = arith.constant 80 : index
        %get3A_675 = tpu.vector_load %arg17[%get3A_673, %get3A_674] {strides = array<i32>} : memref<80x144xf32, #tpu.memory_space<vmem>>, vector<1x16xf32>,
        %get3A_676 = vector.shape_cast %get3A_675 : vector<1x16xf32> to vector<16xf32>
        %mul3A_677 = vector.broadcast %squeeze3A_672 : f32 to vector<16xf32>
        %mul3A_678 = arith.mulf %get3A_676, %mul3A_677 : vector<16xf32>
        %swap3A_679 = arith.index_cast %scan3A_575 : i32 to index
        %swap3A_680 = arith.constant 80 : index
        %swap3A_681 = tpu.vector_load %arg17[%swap3A_679, %swap3A_680] {strides = array<i32>} : memref<80x144xf32, #tpu.memory_space<vmem>>, vector<1x16xf32>,
        %swap3A_682 = vector.shape_cast %swap3A_681 : vector<1x16xf32> to vector<16xf32>
        %swap3A_683 = vector.shape_cast %mul3A_678 : vector<16xf32> to vector<1x16xf32>
        tpu.vector_store %arg17[%swap3A_679, %swap3A_680], %swap3A_683 {strides = array<i32>} : memref<80x144xf32, #tpu.memory_space<vmem>>, vector<1x16xf32>,
        %slice3A_684 = vector.extract_strided_slice %exp3A_600 {offsets = [6], sizes = [1], strides = [1]} : vector<16xf32> to vector<1xf32>
        %squeeze3A_685 = vector.extract %slice3A_684[0] : f32 from vector<1xf32>
        %get3A_686 = arith.index_cast %scan3A_575 : i32 to index
        %get3A_687 = arith.constant 96 : index
        %get3A_688 = tpu.vector_load %arg17[%get3A_686, %get3A_687] {strides = array<i32>} : memref<80x144xf32, #tpu.memory_space<vmem>>, vector<1x16xf32>,
        %get3A_689 = vector.shape_cast %get3A_688 : vector<1x16xf32> to vector<16xf32>
        %mul3A_690 = vector.broadcast %squeeze3A_685 : f32 to vector<16xf32>
        %mul3A_691 = arith.mulf %get3A_689, %mul3A_690 : vector<16xf32>
        %swap3A_692 = arith.index_cast %scan3A_575 : i32 to index
        %swap3A_693 = arith.constant 96 : index
        %swap3A_694 = tpu.vector_load %arg17[%swap3A_692, %swap3A_693] {strides = array<i32>} : memref<80x144xf32, #tpu.memory_space<vmem>>, vector<1x16xf32>,
        %swap3A_695 = vector.shape_cast %swap3A_694 : vector<1x16xf32> to vector<16xf32>
        %swap3A_696 = vector.shape_cast %mul3A_691 : vector<16xf32> to vector<1x16xf32>
        tpu.vector_store %arg17[%swap3A_692, %swap3A_693], %swap3A_696 {strides = array<i32>} : memref<80x144xf32, #tpu.memory_space<vmem>>, vector<1x16xf32>,
        %slice3A_697 = vector.extract_strided_slice %exp3A_600 {offsets = [7], sizes = [1], strides = [1]} : vector<16xf32> to vector<1xf32>
        %squeeze3A_698 = vector.extract %slice3A_697[0] : f32 from vector<1xf32>
        %get3A_699 = arith.index_cast %scan3A_575 : i32 to index
        %get3A_700 = arith.constant 112 : index
        %get3A_701 = tpu.vector_load %arg17[%get3A_699, %get3A_700] {strides = array<i32>} : memref<80x144xf32, #tpu.memory_space<vmem>>, vector<1x16xf32>,
        %get3A_702 = vector.shape_cast %get3A_701 : vector<1x16xf32> to vector<16xf32>
        %mul3A_703 = vector.broadcast %squeeze3A_698 : f32 to vector<16xf32>
        %mul3A_704 = arith.mulf %get3A_702, %mul3A_703 : vector<16xf32>
        %swap3A_705 = arith.index_cast %scan3A_575 : i32 to index
        %swap3A_706 = arith.constant 112 : index
        %swap3A_707 = tpu.vector_load %arg17[%swap3A_705, %swap3A_706] {strides = array<i32>} : memref<80x144xf32, #tpu.memory_space<vmem>>, vector<1x16xf32>,
        %swap3A_708 = vector.shape_cast %swap3A_707 : vector<1x16xf32> to vector<16xf32>
        %swap3A_709 = vector.shape_cast %mul3A_704 : vector<16xf32> to vector<1x16xf32>
        tpu.vector_store %arg17[%swap3A_705, %swap3A_706], %swap3A_709 {strides = array<i32>} : memref<80x144xf32, #tpu.memory_space<vmem>>, vector<1x16xf32>,
        %scan3A_710 = arith.constant 0 : i32
        scf.yield %scan3A_710 : i32
      }
      %scan3A_162 = arith.constant 80 : i32
      "tpu.region"() ({
        %run_scoped3A = tpu.sem_alloc : memref<!tpu.dma_semaphore, #tpu.memory_space<semaphore_mem>>
        %dma_start3A_171 = arith.constant 0 : i32
        %dma_start3A_172 = arith.constant 0 : i32
        %dma_start3A_173 = tpu.memref_slice %arg18[%dma_start3A_171, %dma_start3A_172] : memref<10240x144xf32, #tpu.memory_space<vmem_shared>> -> memref<10240x144xf32, #tpu.memory_space<vmem_shared>>
        tpu.enqueue_indirect_dma source(%arg17 : memref<80x144xf32, #tpu.memory_space<vmem>>) target(%dma_start3A_173 : memref<10240x144xf32, #tpu.memory_space<vmem_shared>>) offsets(%arg11 : memref<80xi32, #tpu.memory_space<vmem>>) semaphore(%run_scoped3A : memref<!tpu.dma_semaphore, #tpu.memory_space<semaphore_mem>>) {add = true}
        %dma_wait3A_174 = arith.constant 0 : i32
        %dma_wait3A_175 = arith.constant 0 : i32
        %dma_wait3A_176 = tpu.memref_slice %arg18[%dma_wait3A_174, %dma_wait3A_175] : memref<10240x144xf32, #tpu.memory_space<vmem_shared>> -> memref<10240x144xf32, #tpu.memory_space<vmem_shared>>
        tpu.wait_indirect_dma semaphore(%run_scoped3A : memref<!tpu.dma_semaphore, #tpu.memory_space<semaphore_mem>>) src(%arg17 : memref<80x144xf32, #tpu.memory_space<vmem>>) dst(%dma_wait3A_176 : memref<10240x144xf32, #tpu.memory_space<vmem_shared>>)
        tpu.yield
      }) : () -> ()
      %add3A_163 = arith.constant 2 : i32
      %add3A_164 = arith.addi %add3A_130, %add3A_163 : i32
      %lt3A_165 = arith.constant 125 : i32
      %lt3A_166 = arith.cmpi slt, %add3A_164, %lt3A_165 : i32
      %convert_element_type3A_167 = arith.extui %lt3A_166 : i1 to i32
      %cond3A_168 = arith.constant 0 : i32
      %cond3A_169 = arith.cmpi ne, %convert_element_type3A_167, %cond3A_168 : i32
      scf.if %cond3A_169 {
        %add3A_171 = arith.constant 2 : i32
        %add3A_172 = arith.addi %add3A_130, %add3A_171 : i32
        %mul3A_173 = arith.constant 80 : i32
        %mul3A_174 = arith.muli %add3A_172, %mul3A_173 : i32
        %add3A_175 = arith.addi %mul3A_2, %mul3A_174 : i32
        %dma_start3A_176 = tpu.memref_slice %arg2[%add3A_175] : memref<320000xi32, #tpu.memory_space<hbm>> -> memref<80xi32, #tpu.memory_space<hbm>>
        %dma_start3A_177 = tpu.memref_slice %arg2[%add3A_175] : memref<320000xi32, #tpu.memory_space<hbm>> -> memref<80xi32, #tpu.memory_space<hbm>>
        tpu.enqueue_dma source(%dma_start3A_177 : memref<80xi32, #tpu.memory_space<hbm>>) target(%arg11 : memref<80xi32, #tpu.memory_space<vmem>>) target_semaphore(%arg19 : memref<!tpu.dma_semaphore, #tpu.memory_space<semaphore_mem>>)
        %dma_start3A_178 = tpu.memref_slice %arg3[%add3A_175] : memref<320000xi32, #tpu.memory_space<hbm>> -> memref<80xi32, #tpu.memory_space<hbm>>
        %dma_start3A_179 = tpu.memref_slice %arg3[%add3A_175] : memref<320000xi32, #tpu.memory_space<hbm>> -> memref<80xi32, #tpu.memory_space<hbm>>
        tpu.enqueue_dma source(%dma_start3A_179 : memref<80xi32, #tpu.memory_space<hbm>>) target(%arg13 : memref<80xi32, #tpu.memory_space<vmem>>) target_semaphore(%arg19 : memref<!tpu.dma_semaphore, #tpu.memory_space<semaphore_mem>>)
        %dma_start3A_180 = arith.constant 0 : i32
        %dma_start3A_181 = tpu.memref_slice %arg4[%add3A_175, %dma_start3A_180] : memref<320000x16xf32, #tpu.memory_space<hbm>> -> memref<80x16xf32, #tpu.memory_space<hbm>>
        %dma_start3A_182 = arith.constant 0 : i32
        %dma_start3A_183 = tpu.memref_slice %arg4[%add3A_175, %dma_start3A_182] : memref<320000x16xf32, #tpu.memory_space<hbm>> -> memref<80x16xf32, #tpu.memory_space<hbm>>
        tpu.enqueue_dma source(%dma_start3A_183 : memref<80x16xf32, #tpu.memory_space<hbm>>) target(%arg9 : memref<80x16xf32, #tpu.memory_space<vmem>>) target_semaphore(%arg19 : memref<!tpu.dma_semaphore, #tpu.memory_space<semaphore_mem>>)
      } else {
      }
      %scan3A_170 = arith.constant 0 : i32
      scf.yield %scan3A_170 : i32
    }
    %scan3A_68 = arith.constant 62 : i32
    %dma_wait3A_69 = arith.constant 0 : i32
    %dma_wait3A_70 = arith.constant 0 : i32
    %dma_wait3A_71 = tpu.memref_slice %arg5[%dma_wait3A_69, %dma_wait3A_70] : memref<10000x16xf32, #tpu.memory_space<hbm>> -> memref<10000x16xf32, #tpu.memory_space<hbm>>
    tpu.wait_indirect_dma semaphore(%arg20 : memref<!tpu.dma_semaphore, #tpu.memory_space<semaphore_mem>>) src(%dma_wait3A_71 : memref<10000x16xf32, #tpu.memory_space<hbm>>) dst(%arg14 : memref<80x16xf32, #tpu.memory_space<vmem>>)
    %dma_wait3A_72 = arith.constant 0 : i32
    %dma_wait3A_73 = arith.constant 0 : i32
    %dma_wait3A_74 = tpu.memref_slice %arg6[%dma_wait3A_72, %dma_wait3A_73] : memref<10000x144xf32, #tpu.memory_space<hbm>> -> memref<10000x144xf32, #tpu.memory_space<hbm>>
    tpu.wait_indirect_dma semaphore(%arg20 : memref<!tpu.dma_semaphore, #tpu.memory_space<semaphore_mem>>) src(%dma_wait3A_74 : memref<10000x144xf32, #tpu.memory_space<hbm>>) dst(%arg16 : memref<80x144xf32, #tpu.memory_space<vmem>>)
    %scan3A_75 = arith.constant 0 : i32
    %scan3A_76 = arith.constant 0 : i32
    %scan3A_77 = arith.constant 80 : i32
    %scan3A_78 = arith.addi %scan3A_76, %scan3A_77 : i32
    %scan3A_79 = arith.constant 4 : i32
    %scan3A_80 = scf.for %scan3A_87 = %scan3A_76 to %scan3A_78 step %scan3A_79 iter_args(%scan3A_88 = %scan3A_75) -> (i32)  : i32 {
      %get3A = arith.index_cast %scan3A_87 : i32 to index
      %get3A_89 = arith.constant 0 : index
      %get3A_90 = tpu.vector_load %arg14[%get3A, %get3A_89] {strides = array<i32>} : memref<80x16xf32, #tpu.memory_space<vmem>>, vector<1x16xf32>,
      %get3A_91 = vector.shape_cast %get3A_90 : vector<1x16xf32> to vector<16xf32>
      %get3A_92 = arith.index_cast %scan3A_87 : i32 to index
      %get3A_93 = arith.constant 128 : index
      %get3A_94 = tpu.vector_load %arg16[%get3A_92, %get3A_93] {strides = array<i32>} : memref<80x144xf32, #tpu.memory_space<vmem>>, vector<1x16xf32>,
      %get3A_95 = vector.shape_cast %get3A_94 : vector<1x16xf32> to vector<16xf32>
      %add3A_96 = arith.addf %get3A_91, %get3A_95 : vector<16xf32>
      %get3A_97 = arith.index_cast %scan3A_87 : i32 to index
      %get3A_98 = arith.constant 0 : index
      %get3A_99 = tpu.vector_load %arg8[%get3A_97, %get3A_98] {strides = array<i32>} : memref<80x16xf32, #tpu.memory_space<vmem>>, vector<1x16xf32>,
      %get3A_100 = vector.shape_cast %get3A_99 : vector<1x16xf32> to vector<16xf32>
      %add3A_101 = arith.addf %add3A_96, %get3A_100 : vector<16xf32>
      %ge3A = arith.constant 0.000000e+00 : f32
      %ge3A_102 = vector.broadcast %ge3A : f32 to vector<16xf32>
      %ge3A_103 = arith.cmpf oge, %add3A_101, %ge3A_102 : vector<16xf32>
      %mul3A_104 = arith.constant 0.00999999977 : f32
      %mul3A_105 = vector.broadcast %mul3A_104 : f32 to vector<16xf32>
      %mul3A_106 = arith.mulf %mul3A_105, %add3A_101 : vector<16xf32>
      %select_n3A = arith.select %ge3A_103, %add3A_101, %mul3A_106 : vector<16xi1>, vector<16xf32>
      %min3A = arith.constant 7.000000e+01 : f32
      %min3A_107 = vector.broadcast %min3A : f32 to vector<16xf32>
      %min3A_108 = arith.minimumf %select_n3A, %min3A_107 : vector<16xf32>
      %exp3A = math.exp %min3A_108 : vector<16xf32>
      %swap3A = arith.index_cast %scan3A_87 : i32 to index
      %swap3A_109 = arith.constant 128 : index
      %swap3A_110 = tpu.vector_load %arg16[%swap3A, %swap3A_109] {strides = array<i32>} : memref<80x144xf32, #tpu.memory_space<vmem>>, vector<1x16xf32>,
      %swap3A_111 = vector.shape_cast %swap3A_110 : vector<1x16xf32> to vector<16xf32>
      %swap3A_112 = vector.shape_cast %exp3A : vector<16xf32> to vector<1x16xf32>
      tpu.vector_store %arg16[%swap3A, %swap3A_109], %swap3A_112 {strides = array<i32>} : memref<80x144xf32, #tpu.memory_space<vmem>>, vector<1x16xf32>,
      %slice3A = vector.extract_strided_slice %exp3A {offsets = [0], sizes = [1], strides = [1]} : vector<16xf32> to vector<1xf32>
      %squeeze3A = vector.extract %slice3A[0] : f32 from vector<1xf32>
      %get3A_113 = arith.index_cast %scan3A_87 : i32 to index
      %get3A_114 = arith.constant 0 : index
      %get3A_115 = tpu.vector_load %arg16[%get3A_113, %get3A_114] {strides = array<i32>} : memref<80x144xf32, #tpu.memory_space<vmem>>, vector<1x16xf32>,
      %get3A_116 = vector.shape_cast %get3A_115 : vector<1x16xf32> to vector<16xf32>
      %mul3A_117 = vector.broadcast %squeeze3A : f32 to vector<16xf32>
      %mul3A_118 = arith.mulf %get3A_116, %mul3A_117 : vector<16xf32>
      %swap3A_119 = arith.index_cast %scan3A_87 : i32 to index
      %swap3A_120 = arith.constant 0 : index
      %swap3A_121 = tpu.vector_load %arg16[%swap3A_119, %swap3A_120] {strides = array<i32>} : memref<80x144xf32, #tpu.memory_space<vmem>>, vector<1x16xf32>,
      %swap3A_122 = vector.shape_cast %swap3A_121 : vector<1x16xf32> to vector<16xf32>
      %swap3A_123 = vector.shape_cast %mul3A_118 : vector<16xf32> to vector<1x16xf32>
      tpu.vector_store %arg16[%swap3A_119, %swap3A_120], %swap3A_123 {strides = array<i32>} : memref<80x144xf32, #tpu.memory_space<vmem>>, vector<1x16xf32>,
      %slice3A_124 = vector.extract_strided_slice %exp3A {offsets = [1], sizes = [1], strides = [1]} : vector<16xf32> to vector<1xf32>
      %squeeze3A_125 = vector.extract %slice3A_124[0] : f32 from vector<1xf32>
      %get3A_126 = arith.index_cast %scan3A_87 : i32 to index
      %get3A_127 = arith.constant 16 : index
      %get3A_128 = tpu.vector_load %arg16[%get3A_126, %get3A_127] {strides = array<i32>} : memref<80x144xf32, #tpu.memory_space<vmem>>, vector<1x16xf32>,
      %get3A_129 = vector.shape_cast %get3A_128 : vector<1x16xf32> to vector<16xf32>
      %mul3A_130 = vector.broadcast %squeeze3A_125 : f32 to vector<16xf32>
      %mul3A_131 = arith.mulf %get3A_129, %mul3A_130 : vector<16xf32>
      %swap3A_132 = arith.index_cast %scan3A_87 : i32 to index
      %swap3A_133 = arith.constant 16 : index
      %swap3A_134 = tpu.vector_load %arg16[%swap3A_132, %swap3A_133] {strides = array<i32>} : memref<80x144xf32, #tpu.memory_space<vmem>>, vector<1x16xf32>,
      %swap3A_135 = vector.shape_cast %swap3A_134 : vector<1x16xf32> to vector<16xf32>
      %swap3A_136 = vector.shape_cast %mul3A_131 : vector<16xf32> to vector<1x16xf32>
      tpu.vector_store %arg16[%swap3A_132, %swap3A_133], %swap3A_136 {strides = array<i32>} : memref<80x144xf32, #tpu.memory_space<vmem>>, vector<1x16xf32>,
      %slice3A_137 = vector.extract_strided_slice %exp3A {offsets = [2], sizes = [1], strides = [1]} : vector<16xf32> to vector<1xf32>
      %squeeze3A_138 = vector.extract %slice3A_137[0] : f32 from vector<1xf32>
      %get3A_139 = arith.index_cast %scan3A_87 : i32 to index
      %get3A_140 = arith.constant 32 : index
      %get3A_141 = tpu.vector_load %arg16[%get3A_139, %get3A_140] {strides = array<i32>} : memref<80x144xf32, #tpu.memory_space<vmem>>, vector<1x16xf32>,
      %get3A_142 = vector.shape_cast %get3A_141 : vector<1x16xf32> to vector<16xf32>
      %mul3A_143 = vector.broadcast %squeeze3A_138 : f32 to vector<16xf32>
      %mul3A_144 = arith.mulf %get3A_142, %mul3A_143 : vector<16xf32>
      %swap3A_145 = arith.index_cast %scan3A_87 : i32 to index
      %swap3A_146 = arith.constant 32 : index
      %swap3A_147 = tpu.vector_load %arg16[%swap3A_145, %swap3A_146] {strides = array<i32>} : memref<80x144xf32, #tpu.memory_space<vmem>>, vector<1x16xf32>,
      %swap3A_148 = vector.shape_cast %swap3A_147 : vector<1x16xf32> to vector<16xf32>
      %swap3A_149 = vector.shape_cast %mul3A_144 : vector<16xf32> to vector<1x16xf32>
      tpu.vector_store %arg16[%swap3A_145, %swap3A_146], %swap3A_149 {strides = array<i32>} : memref<80x144xf32, #tpu.memory_space<vmem>>, vector<1x16xf32>,
      %slice3A_150 = vector.extract_strided_slice %exp3A {offsets = [3], sizes = [1], strides = [1]} : vector<16xf32> to vector<1xf32>
      %squeeze3A_151 = vector.extract %slice3A_150[0] : f32 from vector<1xf32>
      %get3A_152 = arith.index_cast %scan3A_87 : i32 to index
      %get3A_153 = arith.constant 48 : index
      %get3A_154 = tpu.vector_load %arg16[%get3A_152, %get3A_153] {strides = array<i32>} : memref<80x144xf32, #tpu.memory_space<vmem>>, vector<1x16xf32>,
      %get3A_155 = vector.shape_cast %get3A_154 : vector<1x16xf32> to vector<16xf32>
      %mul3A_156 = vector.broadcast %squeeze3A_151 : f32 to vector<16xf32>
      %mul3A_157 = arith.mulf %get3A_155, %mul3A_156 : vector<16xf32>
      %swap3A_158 = arith.index_cast %scan3A_87 : i32 to index
      %swap3A_159 = arith.constant 48 : index
      %swap3A_160 = tpu.vector_load %arg16[%swap3A_158, %swap3A_159] {strides = array<i32>} : memref<80x144xf32, #tpu.memory_space<vmem>>, vector<1x16xf32>,
      %swap3A_161 = vector.shape_cast %swap3A_160 : vector<1x16xf32> to vector<16xf32>
      %swap3A_162 = vector.shape_cast %mul3A_157 : vector<16xf32> to vector<1x16xf32>
      tpu.vector_store %arg16[%swap3A_158, %swap3A_159], %swap3A_162 {strides = array<i32>} : memref<80x144xf32, #tpu.memory_space<vmem>>, vector<1x16xf32>,
      %slice3A_163 = vector.extract_strided_slice %exp3A {offsets = [4], sizes = [1], strides = [1]} : vector<16xf32> to vector<1xf32>
      %squeeze3A_164 = vector.extract %slice3A_163[0] : f32 from vector<1xf32>
      %get3A_165 = arith.index_cast %scan3A_87 : i32 to index
      %get3A_166 = arith.constant 64 : index
      %get3A_167 = tpu.vector_load %arg16[%get3A_165, %get3A_166] {strides = array<i32>} : memref<80x144xf32, #tpu.memory_space<vmem>>, vector<1x16xf32>,
      %get3A_168 = vector.shape_cast %get3A_167 : vector<1x16xf32> to vector<16xf32>
      %mul3A_169 = vector.broadcast %squeeze3A_164 : f32 to vector<16xf32>
      %mul3A_170 = arith.mulf %get3A_168, %mul3A_169 : vector<16xf32>
      %swap3A_171 = arith.index_cast %scan3A_87 : i32 to index
      %swap3A_172 = arith.constant 64 : index
      %swap3A_173 = tpu.vector_load %arg16[%swap3A_171, %swap3A_172] {strides = array<i32>} : memref<80x144xf32, #tpu.memory_space<vmem>>, vector<1x16xf32>,
      %swap3A_174 = vector.shape_cast %swap3A_173 : vector<1x16xf32> to vector<16xf32>
      %swap3A_175 = vector.shape_cast %mul3A_170 : vector<16xf32> to vector<1x16xf32>
      tpu.vector_store %arg16[%swap3A_171, %swap3A_172], %swap3A_175 {strides = array<i32>} : memref<80x144xf32, #tpu.memory_space<vmem>>, vector<1x16xf32>,
      %slice3A_176 = vector.extract_strided_slice %exp3A {offsets = [5], sizes = [1], strides = [1]} : vector<16xf32> to vector<1xf32>
      %squeeze3A_177 = vector.extract %slice3A_176[0] : f32 from vector<1xf32>
      %get3A_178 = arith.index_cast %scan3A_87 : i32 to index
      %get3A_179 = arith.constant 80 : index
      %get3A_180 = tpu.vector_load %arg16[%get3A_178, %get3A_179] {strides = array<i32>} : memref<80x144xf32, #tpu.memory_space<vmem>>, vector<1x16xf32>,
      %get3A_181 = vector.shape_cast %get3A_180 : vector<1x16xf32> to vector<16xf32>
      %mul3A_182 = vector.broadcast %squeeze3A_177 : f32 to vector<16xf32>
      %mul3A_183 = arith.mulf %get3A_181, %mul3A_182 : vector<16xf32>
      %swap3A_184 = arith.index_cast %scan3A_87 : i32 to index
      %swap3A_185 = arith.constant 80 : index
      %swap3A_186 = tpu.vector_load %arg16[%swap3A_184, %swap3A_185] {strides = array<i32>} : memref<80x144xf32, #tpu.memory_space<vmem>>, vector<1x16xf32>,
      %swap3A_187 = vector.shape_cast %swap3A_186 : vector<1x16xf32> to vector<16xf32>
      %swap3A_188 = vector.shape_cast %mul3A_183 : vector<16xf32> to vector<1x16xf32>
      tpu.vector_store %arg16[%swap3A_184, %swap3A_185], %swap3A_188 {strides = array<i32>} : memref<80x144xf32, #tpu.memory_space<vmem>>, vector<1x16xf32>,
      %slice3A_189 = vector.extract_strided_slice %exp3A {offsets = [6], sizes = [1], strides = [1]} : vector<16xf32> to vector<1xf32>
      %squeeze3A_190 = vector.extract %slice3A_189[0] : f32 from vector<1xf32>
      %get3A_191 = arith.index_cast %scan3A_87 : i32 to index
      %get3A_192 = arith.constant 96 : index
      %get3A_193 = tpu.vector_load %arg16[%get3A_191, %get3A_192] {strides = array<i32>} : memref<80x144xf32, #tpu.memory_space<vmem>>, vector<1x16xf32>,
      %get3A_194 = vector.shape_cast %get3A_193 : vector<1x16xf32> to vector<16xf32>
      %mul3A_195 = vector.broadcast %squeeze3A_190 : f32 to vector<16xf32>
      %mul3A_196 = arith.mulf %get3A_194, %mul3A_195 : vector<16xf32>
      %swap3A_197 = arith.index_cast %scan3A_87 : i32 to index
      %swap3A_198 = arith.constant 96 : index
      %swap3A_199 = tpu.vector_load %arg16[%swap3A_197, %swap3A_198] {strides = array<i32>} : memref<80x144xf32, #tpu.memory_space<vmem>>, vector<1x16xf32>,
      %swap3A_200 = vector.shape_cast %swap3A_199 : vector<1x16xf32> to vector<16xf32>
      %swap3A_201 = vector.shape_cast %mul3A_196 : vector<16xf32> to vector<1x16xf32>
      tpu.vector_store %arg16[%swap3A_197, %swap3A_198], %swap3A_201 {strides = array<i32>} : memref<80x144xf32, #tpu.memory_space<vmem>>, vector<1x16xf32>,
      %slice3A_202 = vector.extract_strided_slice %exp3A {offsets = [7], sizes = [1], strides = [1]} : vector<16xf32> to vector<1xf32>
      %squeeze3A_203 = vector.extract %slice3A_202[0] : f32 from vector<1xf32>
      %get3A_204 = arith.index_cast %scan3A_87 : i32 to index
      %get3A_205 = arith.constant 112 : index
      %get3A_206 = tpu.vector_load %arg16[%get3A_204, %get3A_205] {strides = array<i32>} : memref<80x144xf32, #tpu.memory_space<vmem>>, vector<1x16xf32>,
      %get3A_207 = vector.shape_cast %get3A_206 : vector<1x16xf32> to vector<16xf32>
      %mul3A_208 = vector.broadcast %squeeze3A_203 : f32 to vector<16xf32>
      %mul3A_209 = arith.mulf %get3A_207, %mul3A_208 : vector<16xf32>
      %swap3A_210 = arith.index_cast %scan3A_87 : i32 to index
      %swap3A_211 = arith.constant 112 : index
      %swap3A_212 = tpu.vector_load %arg16[%swap3A_210, %swap3A_211] {strides = array<i32>} : memref<80x144xf32, #tpu.memory_space<vmem>>, vector<1x16xf32>,
      %swap3A_213 = vector.shape_cast %swap3A_212 : vector<1x16xf32> to vector<16xf32>
      %swap3A_214 = vector.shape_cast %mul3A_209 : vector<16xf32> to vector<1x16xf32>
      tpu.vector_store %arg16[%swap3A_210, %swap3A_211], %swap3A_214 {strides = array<i32>} : memref<80x144xf32, #tpu.memory_space<vmem>>, vector<1x16xf32>,
      %scan3A_215 = arith.constant 0 : i32
      %scan3A_216 = arith.constant 1 : i32
      %scan3A_217 = arith.addi %scan3A_87, %scan3A_216 : i32
      %get3A_218 = arith.index_cast %scan3A_217 : i32 to index
      %get3A_219 = arith.constant 0 : index
      %get3A_220 = tpu.vector_load %arg14[%get3A_218, %get3A_219] {strides = array<i32>} : memref<80x16xf32, #tpu.memory_space<vmem>>, vector<1x16xf32>,
      %get3A_221 = vector.shape_cast %get3A_220 : vector<1x16xf32> to vector<16xf32>
      %get3A_222 = arith.index_cast %scan3A_217 : i32 to index
      %get3A_223 = arith.constant 128 : index
      %get3A_224 = tpu.vector_load %arg16[%get3A_222, %get3A_223] {strides = array<i32>} : memref<80x144xf32, #tpu.memory_space<vmem>>, vector<1x16xf32>,
      %get3A_225 = vector.shape_cast %get3A_224 : vector<1x16xf32> to vector<16xf32>
      %add3A_226 = arith.addf %get3A_221, %get3A_225 : vector<16xf32>
      %get3A_227 = arith.index_cast %scan3A_217 : i32 to index
      %get3A_228 = arith.constant 0 : index
      %get3A_229 = tpu.vector_load %arg8[%get3A_227, %get3A_228] {strides = array<i32>} : memref<80x16xf32, #tpu.memory_space<vmem>>, vector<1x16xf32>,
      %get3A_230 = vector.shape_cast %get3A_229 : vector<1x16xf32> to vector<16xf32>
      %add3A_231 = arith.addf %add3A_226, %get3A_230 : vector<16xf32>
      %ge3A_232 = arith.constant 0.000000e+00 : f32
      %ge3A_233 = vector.broadcast %ge3A_232 : f32 to vector<16xf32>
      %ge3A_234 = arith.cmpf oge, %add3A_231, %ge3A_233 : vector<16xf32>
      %mul3A_235 = arith.constant 0.00999999977 : f32
      %mul3A_236 = vector.broadcast %mul3A_235 : f32 to vector<16xf32>
      %mul3A_237 = arith.mulf %mul3A_236, %add3A_231 : vector<16xf32>
      %select_n3A_238 = arith.select %ge3A_234, %add3A_231, %mul3A_237 : vector<16xi1>, vector<16xf32>
      %min3A_239 = arith.constant 7.000000e+01 : f32
      %min3A_240 = vector.broadcast %min3A_239 : f32 to vector<16xf32>
      %min3A_241 = arith.minimumf %select_n3A_238, %min3A_240 : vector<16xf32>
      %exp3A_242 = math.exp %min3A_241 : vector<16xf32>
      %swap3A_243 = arith.index_cast %scan3A_217 : i32 to index
      %swap3A_244 = arith.constant 128 : index
      %swap3A_245 = tpu.vector_load %arg16[%swap3A_243, %swap3A_244] {strides = array<i32>} : memref<80x144xf32, #tpu.memory_space<vmem>>, vector<1x16xf32>,
      %swap3A_246 = vector.shape_cast %swap3A_245 : vector<1x16xf32> to vector<16xf32>
      %swap3A_247 = vector.shape_cast %exp3A_242 : vector<16xf32> to vector<1x16xf32>
      tpu.vector_store %arg16[%swap3A_243, %swap3A_244], %swap3A_247 {strides = array<i32>} : memref<80x144xf32, #tpu.memory_space<vmem>>, vector<1x16xf32>,
      %slice3A_248 = vector.extract_strided_slice %exp3A_242 {offsets = [0], sizes = [1], strides = [1]} : vector<16xf32> to vector<1xf32>
      %squeeze3A_249 = vector.extract %slice3A_248[0] : f32 from vector<1xf32>
      %get3A_250 = arith.index_cast %scan3A_217 : i32 to index
      %get3A_251 = arith.constant 0 : index
      %get3A_252 = tpu.vector_load %arg16[%get3A_250, %get3A_251] {strides = array<i32>} : memref<80x144xf32, #tpu.memory_space<vmem>>, vector<1x16xf32>,
      %get3A_253 = vector.shape_cast %get3A_252 : vector<1x16xf32> to vector<16xf32>
      %mul3A_254 = vector.broadcast %squeeze3A_249 : f32 to vector<16xf32>
      %mul3A_255 = arith.mulf %get3A_253, %mul3A_254 : vector<16xf32>
      %swap3A_256 = arith.index_cast %scan3A_217 : i32 to index
      %swap3A_257 = arith.constant 0 : index
      %swap3A_258 = tpu.vector_load %arg16[%swap3A_256, %swap3A_257] {strides = array<i32>} : memref<80x144xf32, #tpu.memory_space<vmem>>, vector<1x16xf32>,
      %swap3A_259 = vector.shape_cast %swap3A_258 : vector<1x16xf32> to vector<16xf32>
      %swap3A_260 = vector.shape_cast %mul3A_255 : vector<16xf32> to vector<1x16xf32>
      tpu.vector_store %arg16[%swap3A_256, %swap3A_257], %swap3A_260 {strides = array<i32>} : memref<80x144xf32, #tpu.memory_space<vmem>>, vector<1x16xf32>,
      %slice3A_261 = vector.extract_strided_slice %exp3A_242 {offsets = [1], sizes = [1], strides = [1]} : vector<16xf32> to vector<1xf32>
      %squeeze3A_262 = vector.extract %slice3A_261[0] : f32 from vector<1xf32>
      %get3A_263 = arith.index_cast %scan3A_217 : i32 to index
      %get3A_264 = arith.constant 16 : index
      %get3A_265 = tpu.vector_load %arg16[%get3A_263, %get3A_264] {strides = array<i32>} : memref<80x144xf32, #tpu.memory_space<vmem>>, vector<1x16xf32>,
      %get3A_266 = vector.shape_cast %get3A_265 : vector<1x16xf32> to vector<16xf32>
      %mul3A_267 = vector.broadcast %squeeze3A_262 : f32 to vector<16xf32>
      %mul3A_268 = arith.mulf %get3A_266, %mul3A_267 : vector<16xf32>
      %swap3A_269 = arith.index_cast %scan3A_217 : i32 to index
      %swap3A_270 = arith.constant 16 : index
      %swap3A_271 = tpu.vector_load %arg16[%swap3A_269, %swap3A_270] {strides = array<i32>} : memref<80x144xf32, #tpu.memory_space<vmem>>, vector<1x16xf32>,
      %swap3A_272 = vector.shape_cast %swap3A_271 : vector<1x16xf32> to vector<16xf32>
      %swap3A_273 = vector.shape_cast %mul3A_268 : vector<16xf32> to vector<1x16xf32>
      tpu.vector_store %arg16[%swap3A_269, %swap3A_270], %swap3A_273 {strides = array<i32>} : memref<80x144xf32, #tpu.memory_space<vmem>>, vector<1x16xf32>,
      %slice3A_274 = vector.extract_strided_slice %exp3A_242 {offsets = [2], sizes = [1], strides = [1]} : vector<16xf32> to vector<1xf32>
      %squeeze3A_275 = vector.extract %slice3A_274[0] : f32 from vector<1xf32>
      %get3A_276 = arith.index_cast %scan3A_217 : i32 to index
      %get3A_277 = arith.constant 32 : index
      %get3A_278 = tpu.vector_load %arg16[%get3A_276, %get3A_277] {strides = array<i32>} : memref<80x144xf32, #tpu.memory_space<vmem>>, vector<1x16xf32>,
      %get3A_279 = vector.shape_cast %get3A_278 : vector<1x16xf32> to vector<16xf32>
      %mul3A_280 = vector.broadcast %squeeze3A_275 : f32 to vector<16xf32>
      %mul3A_281 = arith.mulf %get3A_279, %mul3A_280 : vector<16xf32>
      %swap3A_282 = arith.index_cast %scan3A_217 : i32 to index
      %swap3A_283 = arith.constant 32 : index
      %swap3A_284 = tpu.vector_load %arg16[%swap3A_282, %swap3A_283] {strides = array<i32>} : memref<80x144xf32, #tpu.memory_space<vmem>>, vector<1x16xf32>,
      %swap3A_285 = vector.shape_cast %swap3A_284 : vector<1x16xf32> to vector<16xf32>
      %swap3A_286 = vector.shape_cast %mul3A_281 : vector<16xf32> to vector<1x16xf32>
      tpu.vector_store %arg16[%swap3A_282, %swap3A_283], %swap3A_286 {strides = array<i32>} : memref<80x144xf32, #tpu.memory_space<vmem>>, vector<1x16xf32>,
      %slice3A_287 = vector.extract_strided_slice %exp3A_242 {offsets = [3], sizes = [1], strides = [1]} : vector<16xf32> to vector<1xf32>
      %squeeze3A_288 = vector.extract %slice3A_287[0] : f32 from vector<1xf32>
      %get3A_289 = arith.index_cast %scan3A_217 : i32 to index
      %get3A_290 = arith.constant 48 : index
      %get3A_291 = tpu.vector_load %arg16[%get3A_289, %get3A_290] {strides = array<i32>} : memref<80x144xf32, #tpu.memory_space<vmem>>, vector<1x16xf32>,
      %get3A_292 = vector.shape_cast %get3A_291 : vector<1x16xf32> to vector<16xf32>
      %mul3A_293 = vector.broadcast %squeeze3A_288 : f32 to vector<16xf32>
      %mul3A_294 = arith.mulf %get3A_292, %mul3A_293 : vector<16xf32>
      %swap3A_295 = arith.index_cast %scan3A_217 : i32 to index
      %swap3A_296 = arith.constant 48 : index
      %swap3A_297 = tpu.vector_load %arg16[%swap3A_295, %swap3A_296] {strides = array<i32>} : memref<80x144xf32, #tpu.memory_space<vmem>>, vector<1x16xf32>,
      %swap3A_298 = vector.shape_cast %swap3A_297 : vector<1x16xf32> to vector<16xf32>
      %swap3A_299 = vector.shape_cast %mul3A_294 : vector<16xf32> to vector<1x16xf32>
      tpu.vector_store %arg16[%swap3A_295, %swap3A_296], %swap3A_299 {strides = array<i32>} : memref<80x144xf32, #tpu.memory_space<vmem>>, vector<1x16xf32>,
      %slice3A_300 = vector.extract_strided_slice %exp3A_242 {offsets = [4], sizes = [1], strides = [1]} : vector<16xf32> to vector<1xf32>
      %squeeze3A_301 = vector.extract %slice3A_300[0] : f32 from vector<1xf32>
      %get3A_302 = arith.index_cast %scan3A_217 : i32 to index
      %get3A_303 = arith.constant 64 : index
      %get3A_304 = tpu.vector_load %arg16[%get3A_302, %get3A_303] {strides = array<i32>} : memref<80x144xf32, #tpu.memory_space<vmem>>, vector<1x16xf32>,
      %get3A_305 = vector.shape_cast %get3A_304 : vector<1x16xf32> to vector<16xf32>
      %mul3A_306 = vector.broadcast %squeeze3A_301 : f32 to vector<16xf32>
      %mul3A_307 = arith.mulf %get3A_305, %mul3A_306 : vector<16xf32>
      %swap3A_308 = arith.index_cast %scan3A_217 : i32 to index
      %swap3A_309 = arith.constant 64 : index
      %swap3A_310 = tpu.vector_load %arg16[%swap3A_308, %swap3A_309] {strides = array<i32>} : memref<80x144xf32, #tpu.memory_space<vmem>>, vector<1x16xf32>,
      %swap3A_311 = vector.shape_cast %swap3A_310 : vector<1x16xf32> to vector<16xf32>
      %swap3A_312 = vector.shape_cast %mul3A_307 : vector<16xf32> to vector<1x16xf32>
      tpu.vector_store %arg16[%swap3A_308, %swap3A_309], %swap3A_312 {strides = array<i32>} : memref<80x144xf32, #tpu.memory_space<vmem>>, vector<1x16xf32>,
      %slice3A_313 = vector.extract_strided_slice %exp3A_242 {offsets = [5], sizes = [1], strides = [1]} : vector<16xf32> to vector<1xf32>
      %squeeze3A_314 = vector.extract %slice3A_313[0] : f32 from vector<1xf32>
      %get3A_315 = arith.index_cast %scan3A_217 : i32 to index
      %get3A_316 = arith.constant 80 : index
      %get3A_317 = tpu.vector_load %arg16[%get3A_315, %get3A_316] {strides = array<i32>} : memref<80x144xf32, #tpu.memory_space<vmem>>, vector<1x16xf32>,
      %get3A_318 = vector.shape_cast %get3A_317 : vector<1x16xf32> to vector<16xf32>
      %mul3A_319 = vector.broadcast %squeeze3A_314 : f32 to vector<16xf32>
      %mul3A_320 = arith.mulf %get3A_318, %mul3A_319 : vector<16xf32>
      %swap3A_321 = arith.index_cast %scan3A_217 : i32 to index
      %swap3A_322 = arith.constant 80 : index
      %swap3A_323 = tpu.vector_load %arg16[%swap3A_321, %swap3A_322] {strides = array<i32>} : memref<80x144xf32, #tpu.memory_space<vmem>>, vector<1x16xf32>,
      %swap3A_324 = vector.shape_cast %swap3A_323 : vector<1x16xf32> to vector<16xf32>
      %swap3A_325 = vector.shape_cast %mul3A_320 : vector<16xf32> to vector<1x16xf32>
      tpu.vector_store %arg16[%swap3A_321, %swap3A_322], %swap3A_325 {strides = array<i32>} : memref<80x144xf32, #tpu.memory_space<vmem>>, vector<1x16xf32>,
      %slice3A_326 = vector.extract_strided_slice %exp3A_242 {offsets = [6], sizes = [1], strides = [1]} : vector<16xf32> to vector<1xf32>
      %squeeze3A_327 = vector.extract %slice3A_326[0] : f32 from vector<1xf32>
      %get3A_328 = arith.index_cast %scan3A_217 : i32 to index
      %get3A_329 = arith.constant 96 : index
      %get3A_330 = tpu.vector_load %arg16[%get3A_328, %get3A_329] {strides = array<i32>} : memref<80x144xf32, #tpu.memory_space<vmem>>, vector<1x16xf32>,
      %get3A_331 = vector.shape_cast %get3A_330 : vector<1x16xf32> to vector<16xf32>
      %mul3A_332 = vector.broadcast %squeeze3A_327 : f32 to vector<16xf32>
      %mul3A_333 = arith.mulf %get3A_331, %mul3A_332 : vector<16xf32>
      %swap3A_334 = arith.index_cast %scan3A_217 : i32 to index
      %swap3A_335 = arith.constant 96 : index
      %swap3A_336 = tpu.vector_load %arg16[%swap3A_334, %swap3A_335] {strides = array<i32>} : memref<80x144xf32, #tpu.memory_space<vmem>>, vector<1x16xf32>,
      %swap3A_337 = vector.shape_cast %swap3A_336 : vector<1x16xf32> to vector<16xf32>
      %swap3A_338 = vector.shape_cast %mul3A_333 : vector<16xf32> to vector<1x16xf32>
      tpu.vector_store %arg16[%swap3A_334, %swap3A_335], %swap3A_338 {strides = array<i32>} : memref<80x144xf32, #tpu.memory_space<vmem>>, vector<1x16xf32>,
      %slice3A_339 = vector.extract_strided_slice %exp3A_242 {offsets = [7], sizes = [1], strides = [1]} : vector<16xf32> to vector<1xf32>
      %squeeze3A_340 = vector.extract %slice3A_339[0] : f32 from vector<1xf32>
      %get3A_341 = arith.index_cast %scan3A_217 : i32 to index
      %get3A_342 = arith.constant 112 : index
      %get3A_343 = tpu.vector_load %arg16[%get3A_341, %get3A_342] {strides = array<i32>} : memref<80x144xf32, #tpu.memory_space<vmem>>, vector<1x16xf32>,
      %get3A_344 = vector.shape_cast %get3A_343 : vector<1x16xf32> to vector<16xf32>
      %mul3A_345 = vector.broadcast %squeeze3A_340 : f32 to vector<16xf32>
      %mul3A_346 = arith.mulf %get3A_344, %mul3A_345 : vector<16xf32>
      %swap3A_347 = arith.index_cast %scan3A_217 : i32 to index
      %swap3A_348 = arith.constant 112 : index
      %swap3A_349 = tpu.vector_load %arg16[%swap3A_347, %swap3A_348] {strides = array<i32>} : memref<80x144xf32, #tpu.memory_space<vmem>>, vector<1x16xf32>,
      %swap3A_350 = vector.shape_cast %swap3A_349 : vector<1x16xf32> to vector<16xf32>
      %swap3A_351 = vector.shape_cast %mul3A_346 : vector<16xf32> to vector<1x16xf32>
      tpu.vector_store %arg16[%swap3A_347, %swap3A_348], %swap3A_351 {strides = array<i32>} : memref<80x144xf32, #tpu.memory_space<vmem>>, vector<1x16xf32>,
      %scan3A_352 = arith.constant 0 : i32
      %scan3A_353 = arith.constant 2 : i32
      %scan3A_354 = arith.addi %scan3A_87, %scan3A_353 : i32
      %get3A_355 = arith.index_cast %scan3A_354 : i32 to index
      %get3A_356 = arith.constant 0 : index
      %get3A_357 = tpu.vector_load %arg14[%get3A_355, %get3A_356] {strides = array<i32>} : memref<80x16xf32, #tpu.memory_space<vmem>>, vector<1x16xf32>,
      %get3A_358 = vector.shape_cast %get3A_357 : vector<1x16xf32> to vector<16xf32>
      %get3A_359 = arith.index_cast %scan3A_354 : i32 to index
      %get3A_360 = arith.constant 128 : index
      %get3A_361 = tpu.vector_load %arg16[%get3A_359, %get3A_360] {strides = array<i32>} : memref<80x144xf32, #tpu.memory_space<vmem>>, vector<1x16xf32>,
      %get3A_362 = vector.shape_cast %get3A_361 : vector<1x16xf32> to vector<16xf32>
      %add3A_363 = arith.addf %get3A_358, %get3A_362 : vector<16xf32>
      %get3A_364 = arith.index_cast %scan3A_354 : i32 to index
      %get3A_365 = arith.constant 0 : index
      %get3A_366 = tpu.vector_load %arg8[%get3A_364, %get3A_365] {strides = array<i32>} : memref<80x16xf32, #tpu.memory_space<vmem>>, vector<1x16xf32>,
      %get3A_367 = vector.shape_cast %get3A_366 : vector<1x16xf32> to vector<16xf32>
      %add3A_368 = arith.addf %add3A_363, %get3A_367 : vector<16xf32>
      %ge3A_369 = arith.constant 0.000000e+00 : f32
      %ge3A_370 = vector.broadcast %ge3A_369 : f32 to vector<16xf32>
      %ge3A_371 = arith.cmpf oge, %add3A_368, %ge3A_370 : vector<16xf32>
      %mul3A_372 = arith.constant 0.00999999977 : f32
      %mul3A_373 = vector.broadcast %mul3A_372 : f32 to vector<16xf32>
      %mul3A_374 = arith.mulf %mul3A_373, %add3A_368 : vector<16xf32>
      %select_n3A_375 = arith.select %ge3A_371, %add3A_368, %mul3A_374 : vector<16xi1>, vector<16xf32>
      %min3A_376 = arith.constant 7.000000e+01 : f32
      %min3A_377 = vector.broadcast %min3A_376 : f32 to vector<16xf32>
      %min3A_378 = arith.minimumf %select_n3A_375, %min3A_377 : vector<16xf32>
      %exp3A_379 = math.exp %min3A_378 : vector<16xf32>
      %swap3A_380 = arith.index_cast %scan3A_354 : i32 to index
      %swap3A_381 = arith.constant 128 : index
      %swap3A_382 = tpu.vector_load %arg16[%swap3A_380, %swap3A_381] {strides = array<i32>} : memref<80x144xf32, #tpu.memory_space<vmem>>, vector<1x16xf32>,
      %swap3A_383 = vector.shape_cast %swap3A_382 : vector<1x16xf32> to vector<16xf32>
      %swap3A_384 = vector.shape_cast %exp3A_379 : vector<16xf32> to vector<1x16xf32>
      tpu.vector_store %arg16[%swap3A_380, %swap3A_381], %swap3A_384 {strides = array<i32>} : memref<80x144xf32, #tpu.memory_space<vmem>>, vector<1x16xf32>,
      %slice3A_385 = vector.extract_strided_slice %exp3A_379 {offsets = [0], sizes = [1], strides = [1]} : vector<16xf32> to vector<1xf32>
      %squeeze3A_386 = vector.extract %slice3A_385[0] : f32 from vector<1xf32>
      %get3A_387 = arith.index_cast %scan3A_354 : i32 to index
      %get3A_388 = arith.constant 0 : index
      %get3A_389 = tpu.vector_load %arg16[%get3A_387, %get3A_388] {strides = array<i32>} : memref<80x144xf32, #tpu.memory_space<vmem>>, vector<1x16xf32>,
      %get3A_390 = vector.shape_cast %get3A_389 : vector<1x16xf32> to vector<16xf32>
      %mul3A_391 = vector.broadcast %squeeze3A_386 : f32 to vector<16xf32>
      %mul3A_392 = arith.mulf %get3A_390, %mul3A_391 : vector<16xf32>
      %swap3A_393 = arith.index_cast %scan3A_354 : i32 to index
      %swap3A_394 = arith.constant 0 : index
      %swap3A_395 = tpu.vector_load %arg16[%swap3A_393, %swap3A_394] {strides = array<i32>} : memref<80x144xf32, #tpu.memory_space<vmem>>, vector<1x16xf32>,
      %swap3A_396 = vector.shape_cast %swap3A_395 : vector<1x16xf32> to vector<16xf32>
      %swap3A_397 = vector.shape_cast %mul3A_392 : vector<16xf32> to vector<1x16xf32>
      tpu.vector_store %arg16[%swap3A_393, %swap3A_394], %swap3A_397 {strides = array<i32>} : memref<80x144xf32, #tpu.memory_space<vmem>>, vector<1x16xf32>,
      %slice3A_398 = vector.extract_strided_slice %exp3A_379 {offsets = [1], sizes = [1], strides = [1]} : vector<16xf32> to vector<1xf32>
      %squeeze3A_399 = vector.extract %slice3A_398[0] : f32 from vector<1xf32>
      %get3A_400 = arith.index_cast %scan3A_354 : i32 to index
      %get3A_401 = arith.constant 16 : index
      %get3A_402 = tpu.vector_load %arg16[%get3A_400, %get3A_401] {strides = array<i32>} : memref<80x144xf32, #tpu.memory_space<vmem>>, vector<1x16xf32>,
      %get3A_403 = vector.shape_cast %get3A_402 : vector<1x16xf32> to vector<16xf32>
      %mul3A_404 = vector.broadcast %squeeze3A_399 : f32 to vector<16xf32>
      %mul3A_405 = arith.mulf %get3A_403, %mul3A_404 : vector<16xf32>
      %swap3A_406 = arith.index_cast %scan3A_354 : i32 to index
      %swap3A_407 = arith.constant 16 : index
      %swap3A_408 = tpu.vector_load %arg16[%swap3A_406, %swap3A_407] {strides = array<i32>} : memref<80x144xf32, #tpu.memory_space<vmem>>, vector<1x16xf32>,
      %swap3A_409 = vector.shape_cast %swap3A_408 : vector<1x16xf32> to vector<16xf32>
      %swap3A_410 = vector.shape_cast %mul3A_405 : vector<16xf32> to vector<1x16xf32>
      tpu.vector_store %arg16[%swap3A_406, %swap3A_407], %swap3A_410 {strides = array<i32>} : memref<80x144xf32, #tpu.memory_space<vmem>>, vector<1x16xf32>,
      %slice3A_411 = vector.extract_strided_slice %exp3A_379 {offsets = [2], sizes = [1], strides = [1]} : vector<16xf32> to vector<1xf32>
      %squeeze3A_412 = vector.extract %slice3A_411[0] : f32 from vector<1xf32>
      %get3A_413 = arith.index_cast %scan3A_354 : i32 to index
      %get3A_414 = arith.constant 32 : index
      %get3A_415 = tpu.vector_load %arg16[%get3A_413, %get3A_414] {strides = array<i32>} : memref<80x144xf32, #tpu.memory_space<vmem>>, vector<1x16xf32>,
      %get3A_416 = vector.shape_cast %get3A_415 : vector<1x16xf32> to vector<16xf32>
      %mul3A_417 = vector.broadcast %squeeze3A_412 : f32 to vector<16xf32>
      %mul3A_418 = arith.mulf %get3A_416, %mul3A_417 : vector<16xf32>
      %swap3A_419 = arith.index_cast %scan3A_354 : i32 to index
      %swap3A_420 = arith.constant 32 : index
      %swap3A_421 = tpu.vector_load %arg16[%swap3A_419, %swap3A_420] {strides = array<i32>} : memref<80x144xf32, #tpu.memory_space<vmem>>, vector<1x16xf32>,
      %swap3A_422 = vector.shape_cast %swap3A_421 : vector<1x16xf32> to vector<16xf32>
      %swap3A_423 = vector.shape_cast %mul3A_418 : vector<16xf32> to vector<1x16xf32>
      tpu.vector_store %arg16[%swap3A_419, %swap3A_420], %swap3A_423 {strides = array<i32>} : memref<80x144xf32, #tpu.memory_space<vmem>>, vector<1x16xf32>,
      %slice3A_424 = vector.extract_strided_slice %exp3A_379 {offsets = [3], sizes = [1], strides = [1]} : vector<16xf32> to vector<1xf32>
      %squeeze3A_425 = vector.extract %slice3A_424[0] : f32 from vector<1xf32>
      %get3A_426 = arith.index_cast %scan3A_354 : i32 to index
      %get3A_427 = arith.constant 48 : index
      %get3A_428 = tpu.vector_load %arg16[%get3A_426, %get3A_427] {strides = array<i32>} : memref<80x144xf32, #tpu.memory_space<vmem>>, vector<1x16xf32>,
      %get3A_429 = vector.shape_cast %get3A_428 : vector<1x16xf32> to vector<16xf32>
      %mul3A_430 = vector.broadcast %squeeze3A_425 : f32 to vector<16xf32>
      %mul3A_431 = arith.mulf %get3A_429, %mul3A_430 : vector<16xf32>
      %swap3A_432 = arith.index_cast %scan3A_354 : i32 to index
      %swap3A_433 = arith.constant 48 : index
      %swap3A_434 = tpu.vector_load %arg16[%swap3A_432, %swap3A_433] {strides = array<i32>} : memref<80x144xf32, #tpu.memory_space<vmem>>, vector<1x16xf32>,
      %swap3A_435 = vector.shape_cast %swap3A_434 : vector<1x16xf32> to vector<16xf32>
      %swap3A_436 = vector.shape_cast %mul3A_431 : vector<16xf32> to vector<1x16xf32>
      tpu.vector_store %arg16[%swap3A_432, %swap3A_433], %swap3A_436 {strides = array<i32>} : memref<80x144xf32, #tpu.memory_space<vmem>>, vector<1x16xf32>,
      %slice3A_437 = vector.extract_strided_slice %exp3A_379 {offsets = [4], sizes = [1], strides = [1]} : vector<16xf32> to vector<1xf32>
      %squeeze3A_438 = vector.extract %slice3A_437[0] : f32 from vector<1xf32>
      %get3A_439 = arith.index_cast %scan3A_354 : i32 to index
      %get3A_440 = arith.constant 64 : index
      %get3A_441 = tpu.vector_load %arg16[%get3A_439, %get3A_440] {strides = array<i32>} : memref<80x144xf32, #tpu.memory_space<vmem>>, vector<1x16xf32>,
      %get3A_442 = vector.shape_cast %get3A_441 : vector<1x16xf32> to vector<16xf32>
      %mul3A_443 = vector.broadcast %squeeze3A_438 : f32 to vector<16xf32>
      %mul3A_444 = arith.mulf %get3A_442, %mul3A_443 : vector<16xf32>
      %swap3A_445 = arith.index_cast %scan3A_354 : i32 to index
      %swap3A_446 = arith.constant 64 : index
      %swap3A_447 = tpu.vector_load %arg16[%swap3A_445, %swap3A_446] {strides = array<i32>} : memref<80x144xf32, #tpu.memory_space<vmem>>, vector<1x16xf32>,
      %swap3A_448 = vector.shape_cast %swap3A_447 : vector<1x16xf32> to vector<16xf32>
      %swap3A_449 = vector.shape_cast %mul3A_444 : vector<16xf32> to vector<1x16xf32>
      tpu.vector_store %arg16[%swap3A_445, %swap3A_446], %swap3A_449 {strides = array<i32>} : memref<80x144xf32, #tpu.memory_space<vmem>>, vector<1x16xf32>,
      %slice3A_450 = vector.extract_strided_slice %exp3A_379 {offsets = [5], sizes = [1], strides = [1]} : vector<16xf32> to vector<1xf32>
      %squeeze3A_451 = vector.extract %slice3A_450[0] : f32 from vector<1xf32>
      %get3A_452 = arith.index_cast %scan3A_354 : i32 to index
      %get3A_453 = arith.constant 80 : index
      %get3A_454 = tpu.vector_load %arg16[%get3A_452, %get3A_453] {strides = array<i32>} : memref<80x144xf32, #tpu.memory_space<vmem>>, vector<1x16xf32>,
      %get3A_455 = vector.shape_cast %get3A_454 : vector<1x16xf32> to vector<16xf32>
      %mul3A_456 = vector.broadcast %squeeze3A_451 : f32 to vector<16xf32>
      %mul3A_457 = arith.mulf %get3A_455, %mul3A_456 : vector<16xf32>
      %swap3A_458 = arith.index_cast %scan3A_354 : i32 to index
      %swap3A_459 = arith.constant 80 : index
      %swap3A_460 = tpu.vector_load %arg16[%swap3A_458, %swap3A_459] {strides = array<i32>} : memref<80x144xf32, #tpu.memory_space<vmem>>, vector<1x16xf32>,
      %swap3A_461 = vector.shape_cast %swap3A_460 : vector<1x16xf32> to vector<16xf32>
      %swap3A_462 = vector.shape_cast %mul3A_457 : vector<16xf32> to vector<1x16xf32>
      tpu.vector_store %arg16[%swap3A_458, %swap3A_459], %swap3A_462 {strides = array<i32>} : memref<80x144xf32, #tpu.memory_space<vmem>>, vector<1x16xf32>,
      %slice3A_463 = vector.extract_strided_slice %exp3A_379 {offsets = [6], sizes = [1], strides = [1]} : vector<16xf32> to vector<1xf32>
      %squeeze3A_464 = vector.extract %slice3A_463[0] : f32 from vector<1xf32>
      %get3A_465 = arith.index_cast %scan3A_354 : i32 to index
      %get3A_466 = arith.constant 96 : index
      %get3A_467 = tpu.vector_load %arg16[%get3A_465, %get3A_466] {strides = array<i32>} : memref<80x144xf32, #tpu.memory_space<vmem>>, vector<1x16xf32>,
      %get3A_468 = vector.shape_cast %get3A_467 : vector<1x16xf32> to vector<16xf32>
      %mul3A_469 = vector.broadcast %squeeze3A_464 : f32 to vector<16xf32>
      %mul3A_470 = arith.mulf %get3A_468, %mul3A_469 : vector<16xf32>
      %swap3A_471 = arith.index_cast %scan3A_354 : i32 to index
      %swap3A_472 = arith.constant 96 : index
      %swap3A_473 = tpu.vector_load %arg16[%swap3A_471, %swap3A_472] {strides = array<i32>} : memref<80x144xf32, #tpu.memory_space<vmem>>, vector<1x16xf32>,
      %swap3A_474 = vector.shape_cast %swap3A_473 : vector<1x16xf32> to vector<16xf32>
      %swap3A_475 = vector.shape_cast %mul3A_470 : vector<16xf32> to vector<1x16xf32>
      tpu.vector_store %arg16[%swap3A_471, %swap3A_472], %swap3A_475 {strides = array<i32>} : memref<80x144xf32, #tpu.memory_space<vmem>>, vector<1x16xf32>,
      %slice3A_476 = vector.extract_strided_slice %exp3A_379 {offsets = [7], sizes = [1], strides = [1]} : vector<16xf32> to vector<1xf32>
      %squeeze3A_477 = vector.extract %slice3A_476[0] : f32 from vector<1xf32>
      %get3A_478 = arith.index_cast %scan3A_354 : i32 to index
      %get3A_479 = arith.constant 112 : index
      %get3A_480 = tpu.vector_load %arg16[%get3A_478, %get3A_479] {strides = array<i32>} : memref<80x144xf32, #tpu.memory_space<vmem>>, vector<1x16xf32>,
      %get3A_481 = vector.shape_cast %get3A_480 : vector<1x16xf32> to vector<16xf32>
      %mul3A_482 = vector.broadcast %squeeze3A_477 : f32 to vector<16xf32>
      %mul3A_483 = arith.mulf %get3A_481, %mul3A_482 : vector<16xf32>
      %swap3A_484 = arith.index_cast %scan3A_354 : i32 to index
      %swap3A_485 = arith.constant 112 : index
      %swap3A_486 = tpu.vector_load %arg16[%swap3A_484, %swap3A_485] {strides = array<i32>} : memref<80x144xf32, #tpu.memory_space<vmem>>, vector<1x16xf32>,
      %swap3A_487 = vector.shape_cast %swap3A_486 : vector<1x16xf32> to vector<16xf32>
      %swap3A_488 = vector.shape_cast %mul3A_483 : vector<16xf32> to vector<1x16xf32>
      tpu.vector_store %arg16[%swap3A_484, %swap3A_485], %swap3A_488 {strides = array<i32>} : memref<80x144xf32, #tpu.memory_space<vmem>>, vector<1x16xf32>,
      %scan3A_489 = arith.constant 0 : i32
      %scan3A_490 = arith.constant 3 : i32
      %scan3A_491 = arith.addi %scan3A_87, %scan3A_490 : i32
      %get3A_492 = arith.index_cast %scan3A_491 : i32 to index
      %get3A_493 = arith.constant 0 : index
      %get3A_494 = tpu.vector_load %arg14[%get3A_492, %get3A_493] {strides = array<i32>} : memref<80x16xf32, #tpu.memory_space<vmem>>, vector<1x16xf32>,
      %get3A_495 = vector.shape_cast %get3A_494 : vector<1x16xf32> to vector<16xf32>
      %get3A_496 = arith.index_cast %scan3A_491 : i32 to index
      %get3A_497 = arith.constant 128 : index
      %get3A_498 = tpu.vector_load %arg16[%get3A_496, %get3A_497] {strides = array<i32>} : memref<80x144xf32, #tpu.memory_space<vmem>>, vector<1x16xf32>,
      %get3A_499 = vector.shape_cast %get3A_498 : vector<1x16xf32> to vector<16xf32>
      %add3A_500 = arith.addf %get3A_495, %get3A_499 : vector<16xf32>
      %get3A_501 = arith.index_cast %scan3A_491 : i32 to index
      %get3A_502 = arith.constant 0 : index
      %get3A_503 = tpu.vector_load %arg8[%get3A_501, %get3A_502] {strides = array<i32>} : memref<80x16xf32, #tpu.memory_space<vmem>>, vector<1x16xf32>,
      %get3A_504 = vector.shape_cast %get3A_503 : vector<1x16xf32> to vector<16xf32>
      %add3A_505 = arith.addf %add3A_500, %get3A_504 : vector<16xf32>
      %ge3A_506 = arith.constant 0.000000e+00 : f32
      %ge3A_507 = vector.broadcast %ge3A_506 : f32 to vector<16xf32>
      %ge3A_508 = arith.cmpf oge, %add3A_505, %ge3A_507 : vector<16xf32>
      %mul3A_509 = arith.constant 0.00999999977 : f32
      %mul3A_510 = vector.broadcast %mul3A_509 : f32 to vector<16xf32>
      %mul3A_511 = arith.mulf %mul3A_510, %add3A_505 : vector<16xf32>
      %select_n3A_512 = arith.select %ge3A_508, %add3A_505, %mul3A_511 : vector<16xi1>, vector<16xf32>
      %min3A_513 = arith.constant 7.000000e+01 : f32
      %min3A_514 = vector.broadcast %min3A_513 : f32 to vector<16xf32>
      %min3A_515 = arith.minimumf %select_n3A_512, %min3A_514 : vector<16xf32>
      %exp3A_516 = math.exp %min3A_515 : vector<16xf32>
      %swap3A_517 = arith.index_cast %scan3A_491 : i32 to index
      %swap3A_518 = arith.constant 128 : index
      %swap3A_519 = tpu.vector_load %arg16[%swap3A_517, %swap3A_518] {strides = array<i32>} : memref<80x144xf32, #tpu.memory_space<vmem>>, vector<1x16xf32>,
      %swap3A_520 = vector.shape_cast %swap3A_519 : vector<1x16xf32> to vector<16xf32>
      %swap3A_521 = vector.shape_cast %exp3A_516 : vector<16xf32> to vector<1x16xf32>
      tpu.vector_store %arg16[%swap3A_517, %swap3A_518], %swap3A_521 {strides = array<i32>} : memref<80x144xf32, #tpu.memory_space<vmem>>, vector<1x16xf32>,
      %slice3A_522 = vector.extract_strided_slice %exp3A_516 {offsets = [0], sizes = [1], strides = [1]} : vector<16xf32> to vector<1xf32>
      %squeeze3A_523 = vector.extract %slice3A_522[0] : f32 from vector<1xf32>
      %get3A_524 = arith.index_cast %scan3A_491 : i32 to index
      %get3A_525 = arith.constant 0 : index
      %get3A_526 = tpu.vector_load %arg16[%get3A_524, %get3A_525] {strides = array<i32>} : memref<80x144xf32, #tpu.memory_space<vmem>>, vector<1x16xf32>,
      %get3A_527 = vector.shape_cast %get3A_526 : vector<1x16xf32> to vector<16xf32>
      %mul3A_528 = vector.broadcast %squeeze3A_523 : f32 to vector<16xf32>
      %mul3A_529 = arith.mulf %get3A_527, %mul3A_528 : vector<16xf32>
      %swap3A_530 = arith.index_cast %scan3A_491 : i32 to index
      %swap3A_531 = arith.constant 0 : index
      %swap3A_532 = tpu.vector_load %arg16[%swap3A_530, %swap3A_531] {strides = array<i32>} : memref<80x144xf32, #tpu.memory_space<vmem>>, vector<1x16xf32>,
      %swap3A_533 = vector.shape_cast %swap3A_532 : vector<1x16xf32> to vector<16xf32>
      %swap3A_534 = vector.shape_cast %mul3A_529 : vector<16xf32> to vector<1x16xf32>
      tpu.vector_store %arg16[%swap3A_530, %swap3A_531], %swap3A_534 {strides = array<i32>} : memref<80x144xf32, #tpu.memory_space<vmem>>, vector<1x16xf32>,
      %slice3A_535 = vector.extract_strided_slice %exp3A_516 {offsets = [1], sizes = [1], strides = [1]} : vector<16xf32> to vector<1xf32>
      %squeeze3A_536 = vector.extract %slice3A_535[0] : f32 from vector<1xf32>
      %get3A_537 = arith.index_cast %scan3A_491 : i32 to index
      %get3A_538 = arith.constant 16 : index
      %get3A_539 = tpu.vector_load %arg16[%get3A_537, %get3A_538] {strides = array<i32>} : memref<80x144xf32, #tpu.memory_space<vmem>>, vector<1x16xf32>,
      %get3A_540 = vector.shape_cast %get3A_539 : vector<1x16xf32> to vector<16xf32>
      %mul3A_541 = vector.broadcast %squeeze3A_536 : f32 to vector<16xf32>
      %mul3A_542 = arith.mulf %get3A_540, %mul3A_541 : vector<16xf32>
      %swap3A_543 = arith.index_cast %scan3A_491 : i32 to index
      %swap3A_544 = arith.constant 16 : index
      %swap3A_545 = tpu.vector_load %arg16[%swap3A_543, %swap3A_544] {strides = array<i32>} : memref<80x144xf32, #tpu.memory_space<vmem>>, vector<1x16xf32>,
      %swap3A_546 = vector.shape_cast %swap3A_545 : vector<1x16xf32> to vector<16xf32>
      %swap3A_547 = vector.shape_cast %mul3A_542 : vector<16xf32> to vector<1x16xf32>
      tpu.vector_store %arg16[%swap3A_543, %swap3A_544], %swap3A_547 {strides = array<i32>} : memref<80x144xf32, #tpu.memory_space<vmem>>, vector<1x16xf32>,
      %slice3A_548 = vector.extract_strided_slice %exp3A_516 {offsets = [2], sizes = [1], strides = [1]} : vector<16xf32> to vector<1xf32>
      %squeeze3A_549 = vector.extract %slice3A_548[0] : f32 from vector<1xf32>
      %get3A_550 = arith.index_cast %scan3A_491 : i32 to index
      %get3A_551 = arith.constant 32 : index
      %get3A_552 = tpu.vector_load %arg16[%get3A_550, %get3A_551] {strides = array<i32>} : memref<80x144xf32, #tpu.memory_space<vmem>>, vector<1x16xf32>,
      %get3A_553 = vector.shape_cast %get3A_552 : vector<1x16xf32> to vector<16xf32>
      %mul3A_554 = vector.broadcast %squeeze3A_549 : f32 to vector<16xf32>
      %mul3A_555 = arith.mulf %get3A_553, %mul3A_554 : vector<16xf32>
      %swap3A_556 = arith.index_cast %scan3A_491 : i32 to index
      %swap3A_557 = arith.constant 32 : index
      %swap3A_558 = tpu.vector_load %arg16[%swap3A_556, %swap3A_557] {strides = array<i32>} : memref<80x144xf32, #tpu.memory_space<vmem>>, vector<1x16xf32>,
      %swap3A_559 = vector.shape_cast %swap3A_558 : vector<1x16xf32> to vector<16xf32>
      %swap3A_560 = vector.shape_cast %mul3A_555 : vector<16xf32> to vector<1x16xf32>
      tpu.vector_store %arg16[%swap3A_556, %swap3A_557], %swap3A_560 {strides = array<i32>} : memref<80x144xf32, #tpu.memory_space<vmem>>, vector<1x16xf32>,
      %slice3A_561 = vector.extract_strided_slice %exp3A_516 {offsets = [3], sizes = [1], strides = [1]} : vector<16xf32> to vector<1xf32>
      %squeeze3A_562 = vector.extract %slice3A_561[0] : f32 from vector<1xf32>
      %get3A_563 = arith.index_cast %scan3A_491 : i32 to index
      %get3A_564 = arith.constant 48 : index
      %get3A_565 = tpu.vector_load %arg16[%get3A_563, %get3A_564] {strides = array<i32>} : memref<80x144xf32, #tpu.memory_space<vmem>>, vector<1x16xf32>,
      %get3A_566 = vector.shape_cast %get3A_565 : vector<1x16xf32> to vector<16xf32>
      %mul3A_567 = vector.broadcast %squeeze3A_562 : f32 to vector<16xf32>
      %mul3A_568 = arith.mulf %get3A_566, %mul3A_567 : vector<16xf32>
      %swap3A_569 = arith.index_cast %scan3A_491 : i32 to index
      %swap3A_570 = arith.constant 48 : index
      %swap3A_571 = tpu.vector_load %arg16[%swap3A_569, %swap3A_570] {strides = array<i32>} : memref<80x144xf32, #tpu.memory_space<vmem>>, vector<1x16xf32>,
      %swap3A_572 = vector.shape_cast %swap3A_571 : vector<1x16xf32> to vector<16xf32>
      %swap3A_573 = vector.shape_cast %mul3A_568 : vector<16xf32> to vector<1x16xf32>
      tpu.vector_store %arg16[%swap3A_569, %swap3A_570], %swap3A_573 {strides = array<i32>} : memref<80x144xf32, #tpu.memory_space<vmem>>, vector<1x16xf32>,
      %slice3A_574 = vector.extract_strided_slice %exp3A_516 {offsets = [4], sizes = [1], strides = [1]} : vector<16xf32> to vector<1xf32>
      %squeeze3A_575 = vector.extract %slice3A_574[0] : f32 from vector<1xf32>
      %get3A_576 = arith.index_cast %scan3A_491 : i32 to index
      %get3A_577 = arith.constant 64 : index
      %get3A_578 = tpu.vector_load %arg16[%get3A_576, %get3A_577] {strides = array<i32>} : memref<80x144xf32, #tpu.memory_space<vmem>>, vector<1x16xf32>,
      %get3A_579 = vector.shape_cast %get3A_578 : vector<1x16xf32> to vector<16xf32>
      %mul3A_580 = vector.broadcast %squeeze3A_575 : f32 to vector<16xf32>
      %mul3A_581 = arith.mulf %get3A_579, %mul3A_580 : vector<16xf32>
      %swap3A_582 = arith.index_cast %scan3A_491 : i32 to index
      %swap3A_583 = arith.constant 64 : index
      %swap3A_584 = tpu.vector_load %arg16[%swap3A_582, %swap3A_583] {strides = array<i32>} : memref<80x144xf32, #tpu.memory_space<vmem>>, vector<1x16xf32>,
      %swap3A_585 = vector.shape_cast %swap3A_584 : vector<1x16xf32> to vector<16xf32>
      %swap3A_586 = vector.shape_cast %mul3A_581 : vector<16xf32> to vector<1x16xf32>
      tpu.vector_store %arg16[%swap3A_582, %swap3A_583], %swap3A_586 {strides = array<i32>} : memref<80x144xf32, #tpu.memory_space<vmem>>, vector<1x16xf32>,
      %slice3A_587 = vector.extract_strided_slice %exp3A_516 {offsets = [5], sizes = [1], strides = [1]} : vector<16xf32> to vector<1xf32>
      %squeeze3A_588 = vector.extract %slice3A_587[0] : f32 from vector<1xf32>
      %get3A_589 = arith.index_cast %scan3A_491 : i32 to index
      %get3A_590 = arith.constant 80 : index
      %get3A_591 = tpu.vector_load %arg16[%get3A_589, %get3A_590] {strides = array<i32>} : memref<80x144xf32, #tpu.memory_space<vmem>>, vector<1x16xf32>,
      %get3A_592 = vector.shape_cast %get3A_591 : vector<1x16xf32> to vector<16xf32>
      %mul3A_593 = vector.broadcast %squeeze3A_588 : f32 to vector<16xf32>
      %mul3A_594 = arith.mulf %get3A_592, %mul3A_593 : vector<16xf32>
      %swap3A_595 = arith.index_cast %scan3A_491 : i32 to index
      %swap3A_596 = arith.constant 80 : index
      %swap3A_597 = tpu.vector_load %arg16[%swap3A_595, %swap3A_596] {strides = array<i32>} : memref<80x144xf32, #tpu.memory_space<vmem>>, vector<1x16xf32>,
      %swap3A_598 = vector.shape_cast %swap3A_597 : vector<1x16xf32> to vector<16xf32>
      %swap3A_599 = vector.shape_cast %mul3A_594 : vector<16xf32> to vector<1x16xf32>
      tpu.vector_store %arg16[%swap3A_595, %swap3A_596], %swap3A_599 {strides = array<i32>} : memref<80x144xf32, #tpu.memory_space<vmem>>, vector<1x16xf32>,
      %slice3A_600 = vector.extract_strided_slice %exp3A_516 {offsets = [6], sizes = [1], strides = [1]} : vector<16xf32> to vector<1xf32>
      %squeeze3A_601 = vector.extract %slice3A_600[0] : f32 from vector<1xf32>
      %get3A_602 = arith.index_cast %scan3A_491 : i32 to index
      %get3A_603 = arith.constant 96 : index
      %get3A_604 = tpu.vector_load %arg16[%get3A_602, %get3A_603] {strides = array<i32>} : memref<80x144xf32, #tpu.memory_space<vmem>>, vector<1x16xf32>,
      %get3A_605 = vector.shape_cast %get3A_604 : vector<1x16xf32> to vector<16xf32>
      %mul3A_606 = vector.broadcast %squeeze3A_601 : f32 to vector<16xf32>
      %mul3A_607 = arith.mulf %get3A_605, %mul3A_606 : vector<16xf32>
      %swap3A_608 = arith.index_cast %scan3A_491 : i32 to index
      %swap3A_609 = arith.constant 96 : index
      %swap3A_610 = tpu.vector_load %arg16[%swap3A_608, %swap3A_609] {strides = array<i32>} : memref<80x144xf32, #tpu.memory_space<vmem>>, vector<1x16xf32>,
      %swap3A_611 = vector.shape_cast %swap3A_610 : vector<1x16xf32> to vector<16xf32>
      %swap3A_612 = vector.shape_cast %mul3A_607 : vector<16xf32> to vector<1x16xf32>
      tpu.vector_store %arg16[%swap3A_608, %swap3A_609], %swap3A_612 {strides = array<i32>} : memref<80x144xf32, #tpu.memory_space<vmem>>, vector<1x16xf32>,
      %slice3A_613 = vector.extract_strided_slice %exp3A_516 {offsets = [7], sizes = [1], strides = [1]} : vector<16xf32> to vector<1xf32>
      %squeeze3A_614 = vector.extract %slice3A_613[0] : f32 from vector<1xf32>
      %get3A_615 = arith.index_cast %scan3A_491 : i32 to index
      %get3A_616 = arith.constant 112 : index
      %get3A_617 = tpu.vector_load %arg16[%get3A_615, %get3A_616] {strides = array<i32>} : memref<80x144xf32, #tpu.memory_space<vmem>>, vector<1x16xf32>,
      %get3A_618 = vector.shape_cast %get3A_617 : vector<1x16xf32> to vector<16xf32>
      %mul3A_619 = vector.broadcast %squeeze3A_614 : f32 to vector<16xf32>
      %mul3A_620 = arith.mulf %get3A_618, %mul3A_619 : vector<16xf32>
      %swap3A_621 = arith.index_cast %scan3A_491 : i32 to index
      %swap3A_622 = arith.constant 112 : index
      %swap3A_623 = tpu.vector_load %arg16[%swap3A_621, %swap3A_622] {strides = array<i32>} : memref<80x144xf32, #tpu.memory_space<vmem>>, vector<1x16xf32>,
      %swap3A_624 = vector.shape_cast %swap3A_623 : vector<1x16xf32> to vector<16xf32>
      %swap3A_625 = vector.shape_cast %mul3A_620 : vector<16xf32> to vector<1x16xf32>
      tpu.vector_store %arg16[%swap3A_621, %swap3A_622], %swap3A_625 {strides = array<i32>} : memref<80x144xf32, #tpu.memory_space<vmem>>, vector<1x16xf32>,
      %scan3A_626 = arith.constant 0 : i32
      scf.yield %scan3A_626 : i32
    }
    %scan3A_81 = arith.constant 80 : i32
    "tpu.region"() ({
      %run_scoped3A = tpu.sem_alloc : memref<!tpu.dma_semaphore, #tpu.memory_space<semaphore_mem>>
      %dma_start3A_87 = arith.constant 0 : i32
      %dma_start3A_88 = arith.constant 0 : i32
      %dma_start3A_89 = tpu.memref_slice %arg18[%dma_start3A_87, %dma_start3A_88] : memref<10240x144xf32, #tpu.memory_space<vmem_shared>> -> memref<10240x144xf32, #tpu.memory_space<vmem_shared>>
      tpu.enqueue_indirect_dma source(%arg16 : memref<80x144xf32, #tpu.memory_space<vmem>>) target(%dma_start3A_89 : memref<10240x144xf32, #tpu.memory_space<vmem_shared>>) offsets(%arg10 : memref<80xi32, #tpu.memory_space<vmem>>) semaphore(%run_scoped3A : memref<!tpu.dma_semaphore, #tpu.memory_space<semaphore_mem>>) {add = true}
      %dma_wait3A_90 = arith.constant 0 : i32
      %dma_wait3A_91 = arith.constant 0 : i32
      %dma_wait3A_92 = tpu.memref_slice %arg18[%dma_wait3A_90, %dma_wait3A_91] : memref<10240x144xf32, #tpu.memory_space<vmem_shared>> -> memref<10240x144xf32, #tpu.memory_space<vmem_shared>>
      tpu.wait_indirect_dma semaphore(%run_scoped3A : memref<!tpu.dma_semaphore, #tpu.memory_space<semaphore_mem>>) src(%arg16 : memref<80x144xf32, #tpu.memory_space<vmem>>) dst(%dma_wait3A_92 : memref<10240x144xf32, #tpu.memory_space<vmem_shared>>)
      tpu.yield
    }) : () -> ()
    %barrier3A_82 = arith.constant 0 : index
    tpu.barrier barrier_id(%barrier3A_82)
    %add3A_83 = arith.constant 0 : i32
    %add3A_84 = arith.addi %mul3A_11, %add3A_83 : i32
    "tpu.region"() ({
      %run_scoped3A = tpu.sem_alloc : memref<!tpu.dma_semaphore, #tpu.memory_space<semaphore_mem>>
      %dma_start3A_87 = arith.constant 0 : i32
      %dma_start3A_88 = tpu.memref_slice %arg7[%arg0, %add3A_84, %dma_start3A_87] : memref<2x10240x144xf32, #tpu.memory_space<hbm>> -> memref<1x320x144xf32, #tpu.memory_space<hbm>>
      %dma_start3A_89 = tpu.memref_squeeze %dma_start3A_88 : memref<1x320x144xf32, #tpu.memory_space<hbm>> -> memref<320x144xf32, #tpu.memory_space<hbm>>
      %dma_start3A_90 = arith.constant 0 : i32
      %dma_start3A_91 = tpu.memref_slice %arg18[%add3A_84, %dma_start3A_90] : memref<10240x144xf32, #tpu.memory_space<vmem_shared>> -> memref<320x144xf32, #tpu.memory_space<vmem_shared>>
      tpu.enqueue_dma source(%dma_start3A_91 : memref<320x144xf32, #tpu.memory_space<vmem_shared>>) target(%dma_start3A_89 : memref<320x144xf32, #tpu.memory_space<hbm>>) target_semaphore(%run_scoped3A : memref<!tpu.dma_semaphore, #tpu.memory_space<semaphore_mem>>)
      %dma_wait3A_92 = arith.constant 0 : i32
      %dma_wait3A_93 = tpu.memref_slice %arg7[%arg0, %add3A_84, %dma_wait3A_92] : memref<2x10240x144xf32, #tpu.memory_space<hbm>> -> memref<1x320x144xf32, #tpu.memory_space<hbm>>
      %dma_wait3A_94 = tpu.memref_squeeze %dma_wait3A_93 : memref<1x320x144xf32, #tpu.memory_space<hbm>> -> memref<320x144xf32, #tpu.memory_space<hbm>>
      %dma_wait3A_95 = arith.constant 0 : i32
      %dma_wait3A_96 = tpu.memref_slice %arg18[%add3A_84, %dma_wait3A_95] : memref<10240x144xf32, #tpu.memory_space<vmem_shared>> -> memref<320x144xf32, #tpu.memory_space<vmem_shared>>
      tpu.wait_dma2 semaphore(%run_scoped3A : memref<!tpu.dma_semaphore, #tpu.memory_space<semaphore_mem>>) src(%dma_wait3A_96 : memref<320x144xf32, #tpu.memory_space<vmem_shared>>) dst(%dma_wait3A_94 : memref<320x144xf32, #tpu.memory_space<hbm>>)
      tpu.yield
    }) : () -> ()
    %add3A_85 = arith.constant 320 : i32
    %add3A_86 = arith.addi %mul3A_11, %add3A_85 : i32
    "tpu.region"() ({
      %run_scoped3A = tpu.sem_alloc : memref<!tpu.dma_semaphore, #tpu.memory_space<semaphore_mem>>
      %dma_start3A_87 = arith.constant 0 : i32
      %dma_start3A_88 = tpu.memref_slice %arg7[%arg0, %add3A_86, %dma_start3A_87] : memref<2x10240x144xf32, #tpu.memory_space<hbm>> -> memref<1x320x144xf32, #tpu.memory_space<hbm>>
      %dma_start3A_89 = tpu.memref_squeeze %dma_start3A_88 : memref<1x320x144xf32, #tpu.memory_space<hbm>> -> memref<320x144xf32, #tpu.memory_space<hbm>>
      %dma_start3A_90 = arith.constant 0 : i32
      %dma_start3A_91 = tpu.memref_slice %arg18[%add3A_86, %dma_start3A_90] : memref<10240x144xf32, #tpu.memory_space<vmem_shared>> -> memref<320x144xf32, #tpu.memory_space<vmem_shared>>
      tpu.enqueue_dma source(%dma_start3A_91 : memref<320x144xf32, #tpu.memory_space<vmem_shared>>) target(%dma_start3A_89 : memref<320x144xf32, #tpu.memory_space<hbm>>) target_semaphore(%run_scoped3A : memref<!tpu.dma_semaphore, #tpu.memory_space<semaphore_mem>>)
      %dma_wait3A_92 = arith.constant 0 : i32
      %dma_wait3A_93 = tpu.memref_slice %arg7[%arg0, %add3A_86, %dma_wait3A_92] : memref<2x10240x144xf32, #tpu.memory_space<hbm>> -> memref<1x320x144xf32, #tpu.memory_space<hbm>>
      %dma_wait3A_94 = tpu.memref_squeeze %dma_wait3A_93 : memref<1x320x144xf32, #tpu.memory_space<hbm>> -> memref<320x144xf32, #tpu.memory_space<hbm>>
      %dma_wait3A_95 = arith.constant 0 : i32
      %dma_wait3A_96 = tpu.memref_slice %arg18[%add3A_86, %dma_wait3A_95] : memref<10240x144xf32, #tpu.memory_space<vmem_shared>> -> memref<320x144xf32, #tpu.memory_space<vmem_shared>>
      tpu.wait_dma2 semaphore(%run_scoped3A : memref<!tpu.dma_semaphore, #tpu.memory_space<semaphore_mem>>) src(%dma_wait3A_96 : memref<320x144xf32, #tpu.memory_space<vmem_shared>>) dst(%dma_wait3A_94 : memref<320x144xf32, #tpu.memory_space<hbm>>)
      tpu.yield
    }) : () -> ()
    return
  }
}

module attributes {stable_mosaic.version = 14 : i64} {
  func.func @body(%arg0: i32, %arg1: memref<4000x16xf32, #tpu.memory_space<vmem>>, %arg2: memref<16x16xf32, #tpu.memory_space<vmem>>, %arg3: memref<16x16xf32, #tpu.memory_space<vmem>>, %arg4: memref<4000x16xf32, #tpu.memory_space<vmem>>) attributes {dimension_semantics = [#tpu.dimension_semantics<arbitrary>], iteration_bounds = array<i64: 80>, scalar_prefetch = 0 : i64, scratch_operands = 0 : i64, tpu.core_type = #tpu.core_type<tc>, window_params = [{transform_indices = @transform_0, window_bounds = array<i64: 4000, 16>}, {pipeline_mode = #tpu.pipeline_mode<synchronous>, transform_indices = @transform_1, window_bounds = array<i64: 16, 16>}, {pipeline_mode = #tpu.pipeline_mode<synchronous>, transform_indices = @transform_2, window_bounds = array<i64: 16, 16>}, {transform_indices = @transform_3, window_bounds = array<i64: 4000, 16>}]} {
    %get3A = arith.constant 0 : index
    %get3A_0 = arith.constant 0 : index
    %get3A_1 = vector.load %arg1[%get3A, %get3A_0] : memref<4000x16xf32, #tpu.memory_space<vmem>>, vector<4000x16xf32>
    %get3A_2 = arith.constant 0 : index
    %get3A_3 = arith.constant 0 : index
    %get3A_4 = vector.load %arg2[%get3A_2, %get3A_3] : memref<16x16xf32, #tpu.memory_space<vmem>>, vector<16x16xf32>
    %dot_general3A = arith.constant dense<0.000000e+00> : vector<4000x16xf32>
    %dot_general3A_5 = tpu.matmul %get3A_1, %get3A_4, %dot_general3A {dimension_numbers = #tpu.dot_dimension_numbers<[1], [0], [0], [1], [0, 0, 1, 1], [], []>, transpose_lhs_hint = false} : vector<4000x16xf32>, vector<16x16xf32>, vector<4000x16xf32> -> vector<4000x16xf32>
    %get3A_6 = arith.constant 0 : index
    %get3A_7 = arith.constant 0 : index
    %get3A_8 = vector.load %arg3[%get3A_6, %get3A_7] : memref<16x16xf32, #tpu.memory_space<vmem>>, vector<16x16xf32>
    %dot_general3A_9 = arith.constant dense<0.000000e+00> : vector<4000x16xf32>
    %dot_general3A_10 = tpu.matmul %dot_general3A_5, %get3A_8, %dot_general3A_9 {dimension_numbers = #tpu.dot_dimension_numbers<[1], [0], [0], [1], [0, 0, 1, 1], [], []>, transpose_lhs_hint = false} : vector<4000x16xf32>, vector<16x16xf32>, vector<4000x16xf32> -> vector<4000x16xf32>
    %swap3A = arith.constant 0 : index
    %swap3A_11 = arith.constant 0 : index
    %swap3A_12 = vector.load %arg4[%swap3A, %swap3A_11] : memref<4000x16xf32, #tpu.memory_space<vmem>>, vector<4000x16xf32>
    tpu.vector_store %arg4[%swap3A, %swap3A_11], %dot_general3A_10 {strides = array<i32>} : memref<4000x16xf32, #tpu.memory_space<vmem>>, vector<4000x16xf32>,
    return
  }
  func.func @transform_0(%arg0: i32) -> (i32, i32) {
    %c0_i32 = arith.constant 0 : i32
    %c0_i32_0 = arith.constant 0 : i32
    return %arg0, %c0_i32 : i32, i32
  }
  func.func @transform_1(%arg0: i32) -> (i32, i32) {
    %c0_i32 = arith.constant 0 : i32
    %c0_i32_0 = arith.constant 0 : i32
    %c0_i32_1 = arith.constant 0 : i32
    return %c0_i32, %c0_i32_0 : i32, i32
  }
  func.func @transform_2(%arg0: i32) -> (i32, i32) {
    %c0_i32 = arith.constant 0 : i32
    %c0_i32_0 = arith.constant 0 : i32
    %c0_i32_1 = arith.constant 0 : i32
    return %c0_i32, %c0_i32_0 : i32, i32
  }
  func.func @transform_3(%arg0: i32) -> (i32, i32) {
    %c0_i32 = arith.constant 0 : i32
    %c0_i32_0 = arith.constant 0 : i32
    return %arg0, %c0_i32 : i32, i32
  }
}

module attributes {stable_mosaic.version = 14 : i64} {
  func.func @body(%arg0: i32, %arg1: memref<400x128xf32, #tpu.memory_space<vmem>>, %arg2: memref<128x128xf32, #tpu.memory_space<vmem>>, %arg3: memref<128x16xf32, #tpu.memory_space<vmem>>, %arg4: memref<128x16xf32, #tpu.memory_space<vmem>>, %arg5: memref<400x144xf32, #tpu.memory_space<vmem>>, %arg6: memref<400x16xf32, #tpu.memory_space<vmem>>) attributes {dimension_semantics = [#tpu.dimension_semantics<arbitrary>], iteration_bounds = array<i64: 25>, scalar_prefetch = 0 : i64, scratch_operands = 0 : i64, tpu.core_type = #tpu.core_type<tc>, window_params = [{transform_indices = @transform_0, window_bounds = array<i64: 400, 128>}, {pipeline_mode = #tpu.pipeline_mode<synchronous>, transform_indices = @transform_1, window_bounds = array<i64: 128, 128>}, {pipeline_mode = #tpu.pipeline_mode<synchronous>, transform_indices = @transform_2, window_bounds = array<i64: 128, 16>}, {pipeline_mode = #tpu.pipeline_mode<synchronous>, transform_indices = @transform_3, window_bounds = array<i64: 128, 16>}, {transform_indices = @transform_4, window_bounds = array<i64: 400, 144>}, {transform_indices = @transform_5, window_bounds = array<i64: 400, 16>}]} {
    %get3A = arith.constant 0 : index
    %get3A_0 = arith.constant 0 : index
    %get3A_1 = vector.load %arg1[%get3A, %get3A_0] : memref<400x128xf32, #tpu.memory_space<vmem>>, vector<400x128xf32>
    %get3A_2 = arith.constant 0 : index
    %get3A_3 = arith.constant 0 : index
    %get3A_4 = vector.load %arg2[%get3A_2, %get3A_3] : memref<128x128xf32, #tpu.memory_space<vmem>>, vector<128x128xf32>
    %dot_general3A = arith.constant dense<0.000000e+00> : vector<400x128xf32>
    %dot_general3A_5 = tpu.matmul %get3A_1, %get3A_4, %dot_general3A {dimension_numbers = #tpu.dot_dimension_numbers<[1], [0], [0], [1], [0, 0, 1, 1], [], []>, transpose_lhs_hint = false} : vector<400x128xf32>, vector<128x128xf32>, vector<400x128xf32> -> vector<400x128xf32>
    %get3A_6 = arith.constant 0 : index
    %get3A_7 = arith.constant 0 : index
    %get3A_8 = vector.load %arg4[%get3A_6, %get3A_7] : memref<128x16xf32, #tpu.memory_space<vmem>>, vector<128x16xf32>
    %dot_general3A_9 = arith.constant dense<0.000000e+00> : vector<400x16xf32>
    %dot_general3A_10 = tpu.matmul %dot_general3A_5, %get3A_8, %dot_general3A_9 {dimension_numbers = #tpu.dot_dimension_numbers<[1], [0], [0], [1], [0, 0, 1, 1], [], []>, transpose_lhs_hint = false} : vector<400x128xf32>, vector<128x16xf32>, vector<400x16xf32> -> vector<400x16xf32>
    %concatenate3A = tpu.concatenate %dot_general3A_5, %dot_general3A_10 in 1 : vector<400x128xf32>, vector<400x16xf32> -> vector<400x144xf32>
    %swap3A = arith.constant 0 : index
    %swap3A_11 = arith.constant 0 : index
    %swap3A_12 = vector.load %arg5[%swap3A, %swap3A_11] : memref<400x144xf32, #tpu.memory_space<vmem>>, vector<400x144xf32>
    tpu.vector_store %arg5[%swap3A, %swap3A_11], %concatenate3A {strides = array<i32>} : memref<400x144xf32, #tpu.memory_space<vmem>>, vector<400x144xf32>,
    %get3A_13 = arith.constant 0 : index
    %get3A_14 = arith.constant 0 : index
    %get3A_15 = vector.load %arg3[%get3A_13, %get3A_14] : memref<128x16xf32, #tpu.memory_space<vmem>>, vector<128x16xf32>
    %dot_general3A_16 = arith.constant dense<0.000000e+00> : vector<400x16xf32>
    %dot_general3A_17 = tpu.matmul %dot_general3A_5, %get3A_15, %dot_general3A_16 {dimension_numbers = #tpu.dot_dimension_numbers<[1], [0], [0], [1], [0, 0, 1, 1], [], []>, transpose_lhs_hint = false} : vector<400x128xf32>, vector<128x16xf32>, vector<400x16xf32> -> vector<400x16xf32>
    %swap3A_18 = arith.constant 0 : index
    %swap3A_19 = arith.constant 0 : index
    %swap3A_20 = vector.load %arg6[%swap3A_18, %swap3A_19] : memref<400x16xf32, #tpu.memory_space<vmem>>, vector<400x16xf32>
    tpu.vector_store %arg6[%swap3A_18, %swap3A_19], %dot_general3A_17 {strides = array<i32>} : memref<400x16xf32, #tpu.memory_space<vmem>>, vector<400x16xf32>,
    return
  }
  func.func @transform_0(%arg0: i32) -> (i32, i32) {
    %c0_i32 = arith.constant 0 : i32
    %c0_i32_0 = arith.constant 0 : i32
    return %arg0, %c0_i32 : i32, i32
  }
  func.func @transform_1(%arg0: i32) -> (i32, i32) {
    %c0_i32 = arith.constant 0 : i32
    %c0_i32_0 = arith.constant 0 : i32
    %c0_i32_1 = arith.constant 0 : i32
    return %c0_i32, %c0_i32_0 : i32, i32
  }
  func.func @transform_2(%arg0: i32) -> (i32, i32) {
    %c0_i32 = arith.constant 0 : i32
    %c0_i32_0 = arith.constant 0 : i32
    %c0_i32_1 = arith.constant 0 : i32
    return %c0_i32, %c0_i32_0 : i32, i32
  }
  func.func @transform_3(%arg0: i32) -> (i32, i32) {
    %c0_i32 = arith.constant 0 : i32
    %c0_i32_0 = arith.constant 0 : i32
    %c0_i32_1 = arith.constant 0 : i32
    return %c0_i32, %c0_i32_0 : i32, i32
  }
  func.func @transform_4(%arg0: i32) -> (i32, i32) {
    %c0_i32 = arith.constant 0 : i32
    %c0_i32_0 = arith.constant 0 : i32
    return %arg0, %c0_i32 : i32, i32
  }
  func.func @transform_5(%arg0: i32) -> (i32, i32) {
    %c0_i32 = arith.constant 0 : i32
    %c0_i32_0 = arith.constant 0 : i32
    return %arg0, %c0_i32 : i32, i32
  }
}

module attributes {stable_mosaic.version = 14 : i64} {
  func.func @body(%arg0: i32, %arg1: memref<2x400x144xf32, #tpu.memory_space<vmem>>, %arg2: memref<16x128xf32, #tpu.memory_space<vmem>>, %arg3: memref<1x128xf32, #tpu.memory_space<vmem>>, %arg4: memref<128x128xf32, #tpu.memory_space<vmem>>, %arg5: memref<1x128xf32, #tpu.memory_space<vmem>>, %arg6: memref<400x128xf32, #tpu.memory_space<vmem>>) attributes {dimension_semantics = [#tpu.dimension_semantics<arbitrary>], iteration_bounds = array<i64: 25>, scalar_prefetch = 0 : i64, scratch_operands = 0 : i64, tpu.core_type = #tpu.core_type<tc>, window_params = [{transform_indices = @transform_0, window_bounds = array<i64: 2, 400, 144>}, {pipeline_mode = #tpu.pipeline_mode<synchronous>, transform_indices = @transform_1, window_bounds = array<i64: 16, 128>}, {pipeline_mode = #tpu.pipeline_mode<synchronous>, transform_indices = @transform_2, window_bounds = array<i64: 1, 128>}, {pipeline_mode = #tpu.pipeline_mode<synchronous>, transform_indices = @transform_3, window_bounds = array<i64: 128, 128>}, {pipeline_mode = #tpu.pipeline_mode<synchronous>, transform_indices = @transform_4, window_bounds = array<i64: 1, 128>}, {transform_indices = @transform_5, window_bounds = array<i64: 400, 128>}]} {
    %get3A = arith.constant 0 : index
    %get3A_0 = arith.constant 0 : index
    %get3A_1 = arith.constant 0 : index
    %get3A_2 = vector.load %arg1[%get3A, %get3A_0, %get3A_1] : memref<2x400x144xf32, #tpu.memory_space<vmem>>, vector<1x400x144xf32>
    %get3A_3 = vector.shape_cast %get3A_2 : vector<1x400x144xf32> to vector<400x144xf32>
    %get3A_4 = arith.constant 1 : index
    %get3A_5 = arith.constant 0 : index
    %get3A_6 = arith.constant 0 : index
    %get3A_7 = vector.load %arg1[%get3A_4, %get3A_5, %get3A_6] : memref<2x400x144xf32, #tpu.memory_space<vmem>>, vector<1x400x144xf32>
    %get3A_8 = vector.shape_cast %get3A_7 : vector<1x400x144xf32> to vector<400x144xf32>
    %add3A = arith.addf %get3A_3, %get3A_8 : vector<400x144xf32>
    %slice3A = vector.extract_strided_slice %add3A {offsets = [0, 128], sizes = [400, 16], strides = [1, 1]} : vector<400x144xf32> to vector<400x16xf32>
    %slice3A_9 = vector.extract_strided_slice %add3A {offsets = [0, 0], sizes = [400, 128], strides = [1, 1]} : vector<400x144xf32> to vector<400x128xf32>
    %gt3A = arith.constant 0.000000e+00 : f32
    %gt3A_10 = vector.broadcast %gt3A : f32 to vector<400x16xf32>
    %gt3A_11 = arith.cmpf ogt, %slice3A, %gt3A_10 : vector<400x16xf32>
    %jit3A = arith.constant 1.000000e+00 : f32
    %broadcast_in_dim3A = vector.broadcast %jit3A : f32 to vector<400x16xf32>
    %select_n3A = arith.select %gt3A_11, %slice3A, %broadcast_in_dim3A : vector<400x16xi1>, vector<400x16xf32>
    %div3A = arith.constant 1.000000e+00 : f32
    %div3A_12 = vector.broadcast %div3A : f32 to vector<400x16xf32>
    %div3A_13 = arith.divf %div3A_12, %select_n3A : vector<400x16xf32>
    %get3A_14 = arith.constant 0 : index
    %get3A_15 = arith.constant 0 : index
    %get3A_16 = vector.load %arg2[%get3A_14, %get3A_15] : memref<16x128xf32, #tpu.memory_space<vmem>>, vector<16x128xf32>
    %dot_general3A = arith.constant dense<0.000000e+00> : vector<400x128xf32>
    %dot_general3A_17 = tpu.matmul %div3A_13, %get3A_16, %dot_general3A {dimension_numbers = #tpu.dot_dimension_numbers<[1], [0], [0], [1], [0, 0, 1, 1], [], []>, transpose_lhs_hint = false} : vector<400x16xf32>, vector<16x128xf32>, vector<400x128xf32> -> vector<400x128xf32>
    %mul3A = arith.mulf %slice3A_9, %dot_general3A_17 : vector<400x128xf32>
    %get3A_18 = arith.constant 0 : index
    %get3A_19 = arith.constant 0 : index
    %get3A_20 = vector.load %arg3[%get3A_18, %get3A_19] : memref<1x128xf32, #tpu.memory_space<vmem>>, vector<1x128xf32>
    %add3A_21 = vector.broadcast %get3A_20 : vector<1x128xf32> to vector<400x128xf32>
    %add3A_22 = arith.addf %mul3A, %add3A_21 : vector<400x128xf32>
    %get3A_23 = arith.constant 0 : index
    %get3A_24 = arith.constant 0 : index
    %get3A_25 = vector.load %arg4[%get3A_23, %get3A_24] : memref<128x128xf32, #tpu.memory_space<vmem>>, vector<128x128xf32>
    %dot_general3A_26 = arith.constant dense<0.000000e+00> : vector<400x128xf32>
    %dot_general3A_27 = tpu.matmul %add3A_22, %get3A_25, %dot_general3A_26 {dimension_numbers = #tpu.dot_dimension_numbers<[1], [0], [0], [1], [0, 0, 1, 1], [], []>, transpose_lhs_hint = false} : vector<400x128xf32>, vector<128x128xf32>, vector<400x128xf32> -> vector<400x128xf32>
    %get3A_28 = arith.constant 0 : index
    %get3A_29 = arith.constant 0 : index
    %get3A_30 = vector.load %arg5[%get3A_28, %get3A_29] : memref<1x128xf32, #tpu.memory_space<vmem>>, vector<1x128xf32>
    %add3A_31 = vector.broadcast %get3A_30 : vector<1x128xf32> to vector<400x128xf32>
    %add3A_32 = arith.addf %dot_general3A_27, %add3A_31 : vector<400x128xf32>
    %swap3A = arith.constant 0 : index
    %swap3A_33 = arith.constant 0 : index
    %swap3A_34 = vector.load %arg6[%swap3A, %swap3A_33] : memref<400x128xf32, #tpu.memory_space<vmem>>, vector<400x128xf32>
    tpu.vector_store %arg6[%swap3A, %swap3A_33], %add3A_32 {strides = array<i32>} : memref<400x128xf32, #tpu.memory_space<vmem>>, vector<400x128xf32>,
    return
  }
  func.func @transform_0(%arg0: i32) -> (i32, i32, i32) {
    %c0_i32 = arith.constant 0 : i32
    %c0_i32_0 = arith.constant 0 : i32
    %c0_i32_1 = arith.constant 0 : i32
    return %c0_i32, %arg0, %c0_i32_0 : i32, i32, i32
  }
  func.func @transform_1(%arg0: i32) -> (i32, i32) {
    %c0_i32 = arith.constant 0 : i32
    %c0_i32_0 = arith.constant 0 : i32
    %c0_i32_1 = arith.constant 0 : i32
    return %c0_i32, %c0_i32_0 : i32, i32
  }
  func.func @transform_2(%arg0: i32) -> (i32, i32) {
    %c0_i32 = arith.constant 0 : i32
    %c0_i32_0 = arith.constant 0 : i32
    %c0_i32_1 = arith.constant 0 : i32
    return %c0_i32, %c0_i32_0 : i32, i32
  }
  func.func @transform_3(%arg0: i32) -> (i32, i32) {
    %c0_i32 = arith.constant 0 : i32
    %c0_i32_0 = arith.constant 0 : i32
    %c0_i32_1 = arith.constant 0 : i32
    return %c0_i32, %c0_i32_0 : i32, i32
  }
  func.func @transform_4(%arg0: i32) -> (i32, i32) {
    %c0_i32 = arith.constant 0 : i32
    %c0_i32_0 = arith.constant 0 : i32
    %c0_i32_1 = arith.constant 0 : i32
    return %c0_i32, %c0_i32_0 : i32, i32
  }
  func.func @transform_5(%arg0: i32) -> (i32, i32) {
    %c0_i32 = arith.constant 0 : i32
    %c0_i32_0 = arith.constant 0 : i32
    return %arg0, %c0_i32 : i32, i32
  }
}

</mosaic_0001>

<sc_bundles>
// kernel: kernel.6.cloned.1.call-start
scs
__scs_entry_jumppad:
0x0: {  	(pc) =	sbr.rel $0x88, $3  }
0x1: {  	(tag) =	ssettag $0x0;
	lr =	simm.s32 $0x1  }
0x2: {  	[smem:$0x3F98] =	sst lr;
	_ =	strace $0xD0000000  }
0x3: {  	_ = 	snop  }
0x4: {  	_ = 	snop  }
0x5: {  	_ = 	snop  }
0x6: {  	_ = 	snop  }
0x7: {  	_ = 	snop  }
__scs_overlays_trampoline_lowered:
0x8: {  	[smem:$0x3FA7] =	sst s0  }
0x9: {  	[smem:$0x3FA8] =	sst s1  }
0xa: {  	[smem:$0x3FA9] =	sst s2  }
0xb: {  	[smem:$0x3FAA] =	sst s3  }
0xc: {  	[smem:$0x3FAB] =	sst s4  }
0xd: {  	[smem:$0x3FAC] =	sst s5  }
0xe: {  	[smem:$0x3FAD] =	sst s6  }
0xf: {  	[smem:$0x3FAE] =	sst s7  }
0x10: {  	[smem:$0x3FAF] =	sst s8  }
0x11: {  	[smem:$0x3FB0] =	sst s9;
	s0 =	simm.s32 @!p0 $0x0  }
0x12: {  	s1 =	sld [smem:$0x3F96];
	s0 =	simm.s32 @p0 $0x1  }
0x13: {  	[smem:$0x3FB1] =	sst s0;
	s0 =	simm.s32 @!p1 $0x0  }
0x14: {  	s2 =	sld [smem:$0x3F95];
	s0 =	simm.s32 @p1 $0x1  }
0x15: {  	[smem:$0x3FB2] =	sst s0;
	s0 =	simm.s32 @!p2 $0x0  }
0x16: {  	s3 =	sld [smem:$0x3FDB];
	s0 =	simm.s32 @p2 $0x1  }
0x17: {  	s4 =	simm.s32 $0x1BF5;
	[smem:$0x3FB4] =	sst s0  }
0x18: {  	s0 =	sld [smem:$0x3F97];
	_ =	swait.ge [sflag:s4], $0x0  }
0x19: {  	s7 =	sld [smem:$0x3F98]  }
0x1a: {  	s8 =	sadd.s32 $0xFFFFE003, lr  }
0x1b: {  	s9 =	sadd.s32 $0xFFFFFEF7, lr;
	s5 =	simm.s32 $0xFFFFFFFF;
	p2 =	slt.u32 s8, $0xFFFFF086  }
0x1c: {  	p1 =	slt.u32 s9, $0xF7A;
	s5 =	simm.s32 @!p2 $0x0  }
0x1d: {  	s5 =	simm.s32 @p1 $0x1;
	p0 =	seq.s32 s7, s2  }
0x1e: {  	s7 =	smul.u32 @!p0 $0xF7A, s2;
	p2 =	seq.s32 @!p0 s5, $0x0  }
0x1f: {  	s9 =	smul.u32 $0xF7A, s1;
	s8 =	simm.s32 @!p0 $0x1BF5;
	p2 =	por !p2, p0  }
0x20: {  	[sflag:s8] =	ssyncset.s32 @!p0 $0xFFFFF086;
	s6 =	sadd.s32 @!p0 s3, s7;
	s7 =	simm.s32 @!p0 $0x108  }
0x21: {  	s3 =	sadd.s32 s3, s9;
	s6 =	sadd.s32 @!p0 $0x88, s6;
	s7 =	simm.s32 @p2 $0x1082  }
0x22: {  	[simem:s7], [sflag:s8] =	dma.local @!p0 [hbm:s6], $0xF7A  }
0x23: {  	s9 =	sor.u32 $0xD0000000, s2;
	s6 =	simm.s32 $0x108;
	_ =	swait.ge @!p0 [sflag:s8], $0x0  }
0x24: {  	s3 =	sadd.s32 $0x88, s3;
	s6 =	simm.s32 @!p1 $0x1082;
	[sflag:s4] =	ssyncset.s32 $0xFFFFF086  }
0x25: {  	[simem:s6], [sflag:s4] =	dma.local [hbm:s3], $0xF7A  }
0x26: {  	[smem:$0x3F98] =	sst s1;
	(tag) =	ssettag s2;
	_ =	strace s9  }
0x27: {  	s1 =	sld [smem:$0x3FA8]  }
0x28: {  	s2 =	sld [smem:$0x3FA9]  }
0x29: {  	s4 =	sld [smem:$0x3FAB]  }
0x2a: {  	p0 =	seq.s32 s5, $0x0;
	s5 =	sld [smem:$0x3FAC]  }
0x2b: {  	s6 =	sld [smem:$0x3FAD]  }
0x2c: {  	s7 =	sld [smem:$0x3FAE]  }
0x2d: {  	s3 =	simm.s32 $0x108;
	s8 =	sld [smem:$0x3FAF]  }
0x2e: {  	s3 =	simm.s32 @!p0 $0x1082;
	s9 =	sld [smem:$0x3FB0]  }
0x2f: {  	lr =	sadd.s32 s0, s3;
	s0 =	sld [smem:$0x3FA7]  }
0x30: {  	s3 =	sld [smem:$0x3FAA]  }
0x31: {  	[smem:$0x3FB3] =	sst s10  }
0x32: {  	s10 =	sld [smem:$0x3FB1];
	_ =	sdelay $0x3  }
0x33: {  	p0 =	seq.s32 s10, $0x1;
	s10 =	sld [smem:$0x3FB3];
	_ =	sdelay $0x3  }
0x34: {  	[smem:$0x3FB3] =	sst s10  }
0x35: {  	s10 =	sld [smem:$0x3FB2];
	_ =	sdelay $0x3  }
0x36: {  	p1 =	seq.s32 s10, $0x1;
	s10 =	sld [smem:$0x3FB3];
	_ =	sdelay $0x3  }
0x37: {  	[smem:$0x3FB3] =	sst s10  }
0x38: {  	s10 =	sld [smem:$0x3FB4]  }
0x39: {  	_ = 	snop;
	(pc) =	sbr.ind lr, $3  }
0x3a: {  	_ = 	snop  }
0x3b: {  	_ = 	snop  }
0x3c: {  	p2 =	seq.s32 s10, $0x1;
	s10 =	sld [smem:$0x3FB3]  }
0x3d: {  	_ =	shalt  }
0x3e: {  	_ =	shalt  }
0x3f: {  	_ =	shalt  }
0x40: {  	_ =	shalt  }
0x41: {  	_ =	shalt  }
0x42: {  	_ =	shalt  }
0x43: {  	_ =	shalt  }
0x44: {  	_ =	shalt  }
0x45: {  	_ =	shalt  }
0x46: {  	_ =	shalt  }
0x47: {  	_ =	shalt  }
0x48: {  	_ =	shalt  }
0x49: {  	_ =	shalt  }
0x4a: {  	_ =	shalt  }
0x4b: {  	_ =	shalt  }
0x4c: {  	_ =	shalt  }
0x4d: {  	_ =	shalt  }
0x4e: {  	_ =	shalt  }
0x4f: {  	_ =	shalt  }
0x50: {  	_ =	shalt  }
0x51: {  	_ =	shalt  }
0x52: {  	_ =	shalt  }
0x53: {  	_ =	shalt  }
0x54: {  	_ =	shalt  }
0x55: {  	_ =	shalt  }
0x56: {  	_ =	shalt  }
0x57: {  	_ =	shalt  }
0x58: {  	_ =	shalt  }
0x59: {  	_ =	shalt  }
0x5a: {  	_ =	shalt  }
0x5b: {  	_ =	shalt  }
0x5c: {  	_ =	shalt  }
0x5d: {  	_ =	shalt  }
0x5e: {  	_ =	shalt  }
0x5f: {  	_ =	shalt  }
0x60: {  	_ =	shalt  }
0x61: {  	_ =	shalt  }
0x62: {  	_ =	shalt  }
0x63: {  	_ =	shalt  }
0x64: {  	_ =	shalt  }
0x65: {  	_ =	shalt  }
0x66: {  	_ =	shalt  }
0x67: {  	_ =	shalt  }
0x68: {  	_ =	shalt  }
0x69: {  	_ =	shalt  }
0x6a: {  	_ =	shalt  }
0x6b: {  	_ =	shalt  }
0x6c: {  	_ =	shalt  }
0x6d: {  	_ =	shalt  }
0x6e: {  	_ =	shalt  }
0x6f: {  	_ =	shalt  }
0x70: {  	_ =	shalt  }
0x71: {  	_ =	shalt  }
0x72: {  	_ =	shalt  }
0x73: {  	_ =	shalt  }
0x74: {  	_ =	shalt  }
0x75: {  	_ =	shalt  }
0x76: {  	_ =	shalt  }
0x77: {  	_ =	shalt  }
0x78: {  	_ =	shalt  }
0x79: {  	_ =	shalt  }
0x7a: {  	_ =	shalt  }
0x7b: {  	_ =	shalt  }
0x7c: {  	_ =	shalt  }
0x7d: {  	_ =	shalt  }
0x7e: {  	_ =	shalt  }
0x7f: {  	_ =	shalt  }
0x80: {  	_ =	shalt  }
0x81: {  	_ =	shalt  }
0x82: {  	_ =	shalt  }
0x83: {  	_ =	shalt  }
0x84: {  	_ =	shalt  }
0x85: {  	_ =	shalt  }
0x86: {  	_ =	shalt  }
0x87: {  	_ =	shalt  }
.Lfunc_end0:
.L_simem_size_0:
called_computation_lowered:
.L_overlay_start_0:
0x88: {  	s2 =	sld [smem:$0x3FD9]  }
0x89: {  	s3 =	sld [smem:$0x3FFE];
	_ =	sdelay $0x1  }
0x8a: {  	s1 =	srdreg.scid  }
0x8b: {  	s0 =	sand.u32 $0x1, s1  }
0x8c: {  	s14 =	sshll.u32 s0, $0xA;
	s2 =	sadd.s32 s3, s2  }
0x8d: {  	s2 =	sadd.s32 s2, s14  }
0x8e: {  	[smem:$0x3FBF] =	sst s2  }
0x8f: {  	_ = 	snop  }
0x90: {  	s2 =	sld [smem:$0x3FD0];
	_ =	sdelay $0x2  }
0x91: {  	s15 =	simm.s32 $0xA;
	s4 =	simm.s32 $0x10  }
0x92: {  	[smem:s4], [sflag:s15] =	dma.local [hbm:s2], $0x1  }
0x93: {  	_ =	swait.eq [sflag:s15], $0x1  }
0x94: {  	s16 =	sld [smem:$0x10];
	[sflag:s15] =	ssyncset.done $0x0  }
0x95: {  	s17 =	sld [smem:$0x11];
	[sflag:s15] =	ssyncadd.s32 $0xFFFFFFFF  }
0x96: {  	s18 =	sld [smem:$0x12];
	(tm) =	ssettm $0x1  }
0x97: {  	s5 =	sld [smem:$0x3FFB];
	_ =	sdelay $0x3  }
0x98: {  	_ =	strace s5  }
0x99: {  	s5 =	sld [smem:$0x3FFC];
	_ =	sdelay $0x3  }
0x9a: {  	_ =	strace s5  }
0x9b: {  	s5 =	sld [smem:$0x3FFD];
	_ =	sdelay $0x3  }
0x9c: {  	_ =	strace s5  }
0x9d: {  	_ =	strace $0x8FFFFFFF  }
0x9e: {  	s19 =	sld [smem:$0x3FDB];
	_ =	sdelay $0x1  }
0x9f: {  	s6 =	simm.s32 $_scs_section_size  }
0xa0: {  	s7 =	simm.s32 $_size__tile_overlayer_lowered;
	s8 =	simm.s32 $_tile_overlayer_lowered  }
0xa1: {  	s22 =	simm.s32 $0x1BFF;
	s21 =	sshll.u32 s8, $0x1;
	s5 =	sadd.s32 s6, s19  }
0xa2: {  	s9 =	simm.s32 $0x0;
	s20 =	sshll.u32 s7, $0x1;
	s7 =	sadd.s32 s21, s5  }
0xa3: {  	[timem:s9], [sflag:s22] =	dma.local [hbm:s7], s20  }
0xa4: {  	_ =	swait.ge [sflag:s22], s20  }
0xa5: {  	s6 =	ssub.s32 $0x0, s20;
	[sflag:s22] =	ssyncset.done $0x0  }
0xa6: {  	[sflag:s22] =	ssyncadd.s32 s6;
	_ =	sdelay $0x1  }
0xa7: {  	s23 =	simm.s32 $0x1B8B  }
0xa8: {  	_ =	swait.ge [sflag:s23], $0x1  }
0xa9: {  	[sflag:s23] =	ssyncset.done $0x0  }
0xaa: {  	s25 =	simm.s32 $0x1B8E;
	s24 =	sld [smem:$0x3FFE];
	[sflag:s23] =	ssyncadd.s32 $0xFFFFFFFF  }
0xab: {  	s26 =	simm.s32 $execute0_lowered;
	[smem:$0x3FD2] =	sst s25  }
0xac: {  	s7 =	sshll.u32 s26, $0x1;
	_ =	strace $0x80000046;
	[dreg:$0x1] =	wrdreg $0xFFFFFFFF  }
0xad: {  	s28 =	simm.s32 $_size_execute0_lowered;
	s5 =	sadd.s32 s5, s7;
	[dreg:$0x0] =	wrdreg $0x0  }
0xae: {  	s7 =	sshll.u32 s28, $0x1;
	[dreg:$0x2] =	wrdreg s5  }
0xaf: {  	[dreg:$0x3] =	wrdreg s7  }
0xb0: {  	[dreg:$0x4] =	wrdreg $0xC0  }
0xb1: {  	_ =	task [dreg:s9], $0x5FFFF  }
0xb2: {  	[dreg:$0x1] =	wrdreg $0xFFFFFFFF  }
0xb3: {  	[dreg:$0x0] =	wrdreg $0x60  }
0xb4: {  	[dreg:$0x2] =	wrdreg s16  }
0xb5: {  	[dreg:$0x3] =	wrdreg s17  }
0xb6: {  	[dreg:$0x4] =	wrdreg s18  }
0xb7: {  	[dreg:$0x5] =	wrdreg s24  }
0xb8: {  	[dreg:$0x6] =	wrdreg $0x6F400  }
0xb9: {  	[dreg:$0x7] =	wrdreg $0x9  }
0xba: {  	_ =	task.clear_ibuf [dreg:s9], $0x8FFFF;
	_ =	strace $0x90000046  }
0xbb: {  	s29 =	simm.s32 $0x9;
	_ =	strace $0x80000048  }
0xbc: {  	_ =	swait.ge [sflag:s29], $0x1  }
0xbd: {  	[sflag:s29] =	ssyncadd.s32 $0xFFFFFFFF  }
0xbe: {  	_ =	strace $0x90000048  }
0xbf: {  	_ =	sfence  }
0xc0: {  	s30 =	sld [smem:$0x0];
	_ =	sdelay $0x2  }
0xc1: {  	s31 =	sshll.u32 s1, $0xD;
	s1 =	sshrl.u32 s1, $0x2  }
0xc2: {  	s3 =	sand.u32 $0x4000, s31;
	s1 =	sadd.s32 s1, s30  }
0xc3: {  	s0 =	sor.u32 s3, s0;
	s1 =	sshll.u32 s1, $0x11  }
0xc4: {  	s0 =	sor.u32 s1, s0  }
0xc5: {  	s0 =	sadd.s32 $0x8F2B, s0  }
0xc6: {  	[sflag:s0] =	ssyncadd.remote.s32 $0x1  }
0xc7: {  	_ =	sfence.sel $0xFFFF  }
0xc8: {  	[dreg:$0x0] =	wrdreg $0xFFFFFFFF;
	(pc) =	sbr.abs _section_cstart, $3  }
0xc9: {  	[dreg:$0x1] =	wrdreg $0xFFFFFFFF  }
0xca: {  	_ =	task.clear_ibuf [dreg:s9], $0x2FFFF;
	_ =	strace $0x9FFFFFFF  }
0xcb: {  	(tm) =	ssettm $0x7FFFFFFF  }
tec
execute0_lowered:
.L_overlay_start_1:
0x0: {  	(tag) =	ssettag $0x1  }
0x1: {  	s1 =	rddreg [dreg:$0x0]  }
0x2: {  	s2 =	rddreg [dreg:$0x1]  }
0x3: {  	s3 =	rddreg [dreg:$0x2]  }
0x4: {  	s0 =	rddreg [dreg:$0x3]  }
0x5: {  	s4 =	rddreg [dreg:$0x4];
	s6 =	simm.s32 $0x0;
	s5 =	srdreg.scid  }
0x6: {  	s14 =	stileid.u32;
	s29 =	simm.s32 $0x1540;
	s30 =	simm.s32 $0x3  }
0x7: {  	s31 =	simm.s32 $0xA00;
	[smem:$0x7FF] =	sst s6;
	s5 =	sand.u32 $0x1, s5  }
0x8: {  	s7 =	sadd.s32 $0x1400, s0;
	s10 =	smul.u32 $0x5A000, s14;
	s8 =	sadd.s32 $0x6400, s0  }
0x9: {  	s0 =	sadd.s32 $0x32400, s0;
	s13 =	smul.u32 $0x16800, s14;
	_ =	strace $0x80000047  }
0xa: {  	s9 =	ssub.s32 $0x2, s5;
	s12 =	sshll.u32 s5, $0x4;
	s5 =	smul.u32 $0x168000, s5  }
0xb: {  	s11 =	sshrl.u32 s9, $0x1;
	s10 =	sshrl.u32 s10, $0x2;
	s22 =	sor.u32 s14, s12  }
0xc: {  	s19 =	sadd.s32 s13, s4;
	s26 =	sadd.s32 $0xB400, s13;
	s14 =	simm.s32 $0xAF0  }
0xd: {  	s10 =	sadd.s32 s10, s4;
	s20 =	sadd.s32 s26, s4;
	[dreg:$0x6] =	wrdreg s19  }
0xe: {  	s9 =	ssub.s32 s9, s11;
	s23 =	sadd.s32 $0x2D00, s10;
	[dreg:$0xa] =	wrdreg s20  }
0xf: {  	s12 =	smul.u32 $0x2710, s22;
	s24 =	sadd.s32 $0x5A00, s10;
	[dreg:$0x7] =	wrdreg s23  }
0x10: {  	s11 =	smul.u32 $0x4E20, s22;
	s25 =	sadd.s32 $0x8700, s10;
	[dreg:$0x8] =	wrdreg s24  }
0x11: {  	s22 =	sadd.s32 s13, s5;
	s15 =	sadd.s32 $0xE100, s10;
	[dreg:$0x9] =	wrdreg s25  }
0x12: {  	s5 =	sadd.s32 s5, s26;
	s28 =	sadd.s32 $0x10E00, s10;
	[dreg:$0xb] =	wrdreg s15  }
0x13: {  	s13 =	simm.s32 $0x0;
	s10 =	sadd.s32 $0x13B00, s10;
	[dreg:$0xc] =	wrdreg s28  }
0x14: {  	s5 =	sshrl.u32 s5, $0x3;
	s16 =	sshrl.u32 s12, $0x3;
	[dreg:$0xd] =	wrdreg s10  }
0x15: {  	s21 =	sadd.s32 s3, s11;
	s23 =	sadd.s32 $0x50, s12;
	s10 =	sshrl.u32 s22, $0x3  }
0x16: {  	s28 =	smax.u32 s9, $0x1;
	s11 =	simm.s32 $0xB40;
	[dreg:$0x10] =	wrdreg s21  }
0x17: {  	s15 =	simm.s32 $0x500;
	s17 =	sadd.s32 s1, s16;
	[dreg:$0x16] =	wrdreg s28  }
0x18: {  	s18 =	sadd.s32 s2, s16;
	s10 =	sadd.s32 s0, s10;
	[dreg:$0xe] =	wrdreg s17  }
0x19: {  	s0 =	sadd.s32 s0, s5;
	s24 =	sshrl.u32 s23, $0x3;
	[dreg:$0xf] =	wrdreg s18  }
0x1a: {  	s26 =	sshll.u32 s23, $0x1;
	s5 =	simm.s32 $0x1;
	[dreg:$0x11] =	wrdreg s10  }
0x1b: {  	s16 =	simm.s32 $0x2;
	[dreg:$0x12] =	wrdreg s0;
	s25 =	sadd.s32 s1, s24  }
0x1c: {  	s0 =	sadd.s32 s2, s24;
	s10 =	simm.s32 $0x50;
	[dreg:$0x13] =	wrdreg s25  }
0x1d: {  	s17 =	simm.s32 $0x1040;
	s18 =	simm.s32 $0x4240;
	[dreg:$0x14] =	wrdreg s0  }
0x1e: {  	s0 =	sadd.s32 s3, s26;
	s25 =	sadd.s32 $0xA0, s12;
	s26 =	sadd.s32 $0xF0, s12  }
0x1f: {  	v0 =	vimm.f32 $0.0e+00;
	s12 =	simm.s32 $0xA50;
	[dreg:$0x15] =	wrdreg s0;
	s0 =	simm.s32 $0xAA0  }
.LBB2_1:
0x20: {  	[dreg:$0x17] =	wrdreg s13;
	s9 =	simm.s32 $0x0;
	s13 =	simm.s32 $0x240  }
.LBB2_2:
0x21: {  	p0 =	sne.s32 s13, $0xB1C0;
	[tilespmem:s9+$0x15C0] =	vst v0  }
0x22: {  	[tilespmem:s9+$0x1540] =	vst v0  }
0x23: {  	[tilespmem:s9+$0x1550] =	vst v0  }
0x24: {  	[tilespmem:s9+$0x1560] =	vst v0  }
.Ltmp0:
0x25: {  	[tilespmem:s9+$0x1570] =	vst v0;
	(pc) =	sbr.rel @p0 .LBB2_2-.Ltmp0, $4  }
0x26: {  	[tilespmem:s9+$0x1580] =	vst v0  }
0x27: {  	[tilespmem:s9+$0x1590] =	vst v0  }
0x28: {  	[tilespmem:s9+$0x15A0] =	vst v0  }
0x29: {  	[tilespmem:s9+$0x15B0] =	vst v0;
	s9 =	sshra.s32 s13, $0x2;
	s13 =	sadd.s32 $0x240, s13  }
0x2a: {  	[tilespmem:s9+$0x15C0] =	vst v0  }
0x2b: {  	[tilespmem:s9+$0x1540] =	vst v0  }
0x2c: {  	[tilespmem:s9+$0x1550] =	vst v0  }
0x2d: {  	[tilespmem:s9+$0x1560] =	vst v0  }
0x2e: {  	[tilespmem:s9+$0x1570] =	vst v0  }
0x2f: {  	[tilespmem:s9+$0x1580] =	vst v0  }
0x30: {  	[tilespmem:s9+$0x1590] =	vst v0  }
0x31: {  	[tilespmem:s9+$0x15A0] =	vst v0  }
0x32: {  	[tilespmem:s9+$0x15B0] =	vst v0  }
0x33: {  	[spmem:s19] =	stream.linear.scatter [tilespmem:s29], [sflag:$0x3], $0x2D00, $0x38;
	[tilespmem:$0x1D740] =	vst v63  }
0x34: {  	_ =	swait.ge [sflag:s30], $0x2D00  }
0x35: {  	[sflag:s30] =	ssyncset.done $0x0  }
0x36: {  	s21 =	rddreg [dreg:$0x7];
	[sflag:s30] =	ssyncadd.s32 $0xFFFFD300  }
0x37: {  	[spmem:s21] =	stream.linear.scatter [tilespmem:s29], [sflag:$0x3], $0x2D00, $0x38;
	[tilespmem:$0x1D740] =	vst v63  }
0x38: {  	_ =	swait.ge [sflag:s30], $0x2D00  }
0x39: {  	[sflag:s30] =	ssyncset.done $0x0  }
0x3a: {  	s22 =	rddreg [dreg:$0x8];
	[sflag:s30] =	ssyncadd.s32 $0xFFFFD300  }
0x3b: {  	[spmem:s22] =	stream.linear.scatter [tilespmem:s29], [sflag:$0x3], $0x2D00, $0x38;
	[tilespmem:$0x1D740] =	vst v63  }
0x3c: {  	_ =	swait.ge [sflag:s30], $0x2D00  }
0x3d: {  	[sflag:s30] =	ssyncset.done $0x0  }
0x3e: {  	s23 =	rddreg [dreg:$0x9];
	[sflag:s30] =	ssyncadd.s32 $0xFFFFD300  }
0x3f: {  	[spmem:s23] =	stream.linear.scatter [tilespmem:s29], [sflag:$0x3], $0x2D00, $0x38;
	[tilespmem:$0x1D740] =	vst v63  }
0x40: {  	_ =	swait.ge [sflag:s30], $0x2D00  }
0x41: {  	[sflag:s30] =	ssyncset.done $0x0  }
0x42: {  	[sflag:s30] =	ssyncadd.s32 $0xFFFFD300  }
0x43: {  	[spmem:s20] =	stream.linear.scatter [tilespmem:s29], [sflag:$0x3], $0x2D00, $0x38;
	[tilespmem:$0x1D740] =	vst v63  }
0x44: {  	_ =	swait.ge [sflag:s30], $0x2D00  }
0x45: {  	[sflag:s30] =	ssyncset.done $0x0  }
0x46: {  	s24 =	rddreg [dreg:$0xb];
	[sflag:s30] =	ssyncadd.s32 $0xFFFFD300  }
0x47: {  	[spmem:s24] =	stream.linear.scatter [tilespmem:s29], [sflag:$0x3], $0x2D00, $0x38;
	[tilespmem:$0x1D740] =	vst v63  }
0x48: {  	_ =	swait.ge [sflag:s30], $0x2D00  }
0x49: {  	[sflag:s30] =	ssyncset.done $0x0  }
0x4a: {  	s28 =	rddreg [dreg:$0xc];
	[sflag:s30] =	ssyncadd.s32 $0xFFFFD300  }
0x4b: {  	[spmem:s28] =	stream.linear.scatter [tilespmem:s29], [sflag:$0x3], $0x2D00, $0x38;
	[tilespmem:$0x1D740] =	vst v63  }
0x4c: {  	_ =	swait.ge [sflag:s30], $0x2D00  }
0x4d: {  	[sflag:s30] =	ssyncset.done $0x0  }
0x4e: {  	s13 =	rddreg [dreg:$0xd];
	[sflag:s30] =	ssyncadd.s32 $0xFFFFD300  }
0x4f: {  	[spmem:s13] =	stream.linear.scatter [tilespmem:s29], [sflag:$0x3], $0x2D00, $0x38;
	[tilespmem:$0x1D740] =	vst v63  }
0x50: {  	_ =	swait.ge [sflag:s30], $0x2D00  }
0x51: {  	[sflag:s30] =	ssyncset.done $0x0  }
0x52: {  	[sflag:s30] =	ssyncadd.s32 $0xFFFFD300  }
0x53: {  	[bflag:$0x0] =	sbarrier.arrive $0xFFFF  }
0x54: {  	s20 =	simm.s32 $0x0;
	s19 =	rddreg [dreg:$0xe]  }
0x55: {  	[tilespmem:s31], [sflag:$0x1] =	stream.linear.gather [hbm4b:s19+s20], $0x50, $0x38;
	[tilespmem:$0x1D740] =	vst v63  }
0x56: {  	s21 =	rddreg [dreg:$0xf]  }
0x57: {  	[tilespmem:s0], [sflag:$0x1] =	stream.linear.gather [hbm4b:s21+s20], $0x50, $0x38;
	[tilespmem:$0x1D740] =	vst v63  }
0x58: {  	s22 =	rddreg [dreg:$0x10]  }
0x59: {  	[tilespmem:s20], [sflag:$0x1] =	stream.linear.gather [hbm4b:s22+s20], $0x500, $0x38;
	[tilespmem:$0x1D740] =	vst v63  }
0x5a: {  	_ =	swait.ge [sflag:s5], $0x50  }
0x5b: {  	[sflag:s5] =	ssyncset.done $0x0  }
0x5c: {  	[sflag:s5] =	ssyncadd.s32 $0xFFFFFFB0  }
0x5d: {  	_ =	swait.ge [sflag:s5], $0x50  }
0x5e: {  	[sflag:s5] =	ssyncset.done $0x0  }
0x5f: {  	[sflag:s5] =	ssyncadd.s32 $0xFFFFFFB0  }
0x60: {  	_ =	swait.ge [sflag:s5], $0x500  }
0x61: {  	[sflag:s5] =	ssyncset.done $0x0  }
0x62: {  	[sflag:s5] =	ssyncadd.s32 $0xFFFFFB00  }
0x63: {  	[tilespmem:s11], [sflag:$0x2] =	stream.indirect.gather [hbm4b:s7+s10], $0x10, s31, s10, $0xb8;
	[tilespmem:$0x1D740] =	vst v63  }
0x64: {  	_ = 	snop  }
0x65: {  	[tilespmem:s29], [sflag:$0x2] =	stream.indirect.gather [hbm4b:s8+s10], $0x90, s0, s10, $0xb8;
	[tilespmem:$0x1D740] =	vst v63  }
0x66: {  	s23 =	rddreg [dreg:$0x13]  }
0x67: {  	[tilespmem:s12], [sflag:$0x1] =	stream.linear.gather [hbm4b:s23+s20], $0x50, $0x38;
	[tilespmem:$0x1D740] =	vst v63  }
0x68: {  	s24 =	rddreg [dreg:$0x14]  }
0x69: {  	[tilespmem:s14], [sflag:$0x1] =	stream.linear.gather [hbm4b:s24+s20], $0x50, $0x38;
	[tilespmem:$0x1D740] =	vst v63  }
0x6a: {  	s28 =	rddreg [dreg:$0x15]  }
0x6b: {  	[tilespmem:s15], [sflag:$0x1] =	stream.linear.gather [hbm4b:s28+s20], $0x500, $0x38;
	[tilespmem:$0x1D740] =	vst v63  }
.LBB2_4:
0x6c: {  	_ =	swait.ge [sflag:s16], $0x500  }
0x6d: {  	[sflag:s16] =	ssyncset.done $0x0  }
0x6e: {  	[sflag:s16] =	ssyncadd.s32 $0xFFFFFB00  }
0x6f: {  	_ =	swait.ge [sflag:s16], $0x2D00  }
0x70: {  	[sflag:s16] =	ssyncset.done $0x0  }
0x71: {  	[sflag:s16] =	ssyncadd.s32 $0xFFFFD300  }
0x72: {  	_ =	swait.ge [sflag:s5], $0x50  }
0x73: {  	[sflag:s5] =	ssyncset.done $0x0  }
0x74: {  	[sflag:s5] =	ssyncadd.s32 $0xFFFFFFB0  }
0x75: {  	_ =	swait.ge [sflag:s5], $0x50  }
0x76: {  	[sflag:s5] =	ssyncset.done $0x0  }
0x77: {  	[sflag:s5] =	ssyncadd.s32 $0xFFFFFFB0  }
0x78: {  	_ =	swait.ge [sflag:s5], $0x500  }
0x79: {  	[sflag:s5] =	ssyncset.done $0x0  }
0x7a: {  	[sflag:s5] =	ssyncadd.s32 $0xFFFFFB00  }
0x7b: {  	[tilespmem:s17], [sflag:$0x2] =	stream.indirect.gather [hbm4b:s7+s10], $0x10, s12, s10, $0xb8;
	[tilespmem:$0x1D740] =	vst v63  }
0x7c: {  	s21 =	simm.s32 $0x1660  }
0x7d: {  	[tilespmem:s18], [sflag:$0x2] =	stream.indirect.gather [hbm4b:s8+s10], $0x90, s14, s10, $0xb8;
	[tilespmem:$0x1D740] =	vst v63  }
0x7e: {  	s22 =	simm.s32 $0xB60;
	v1 =	vld [tilespmem:s21+$0xFFFFFF60]  }
0x7f: {  	v2 =	vld [tilespmem:s22+$0xFFFFFFE0]  }
0x80: {  	s23 =	simm.s32 $0x20  }
0x81: {  	v3 =	vld [tilespmem:s23+$0xFFFFFFE0];
	_ =	sdelay $0x2  }
0x82: {  	v1 =	vadd.f32 v1, v2;
	_ =	sdelay $0x1  }
0x83: {  	v1 =	vadd.f32 v3, v1;
	_ =	sdelay $0x1  }
0x84: {  	v2 =	vmul.f32 $9.999999770e-03, v1  }
0x85: {  	vm0 =	vge.f32 v1, $0.0e+00  }
0x86: {  	v1 =	vsel vm0, v1, v2  }
0x87: {  	v1 =	vmin.f32 v1, $7.000000000e+01  }
0x88: {  	v1 =	vmul.f32 $1.442695020e+00, v1;
	_ =	sdelay $0x1  }
0x89: {  	(erf) = vpow2.f32 v1;
	_ =	sdelay $0x6  }
0x8a: {  	v1 =	vld [tilespmem:s21+$0xFFFFFEE0]  }
0x8b: {  	v3 =	vld [tilespmem:s21+$0xFFFFFF40]  }
0x8c: {  	v6 =	vld [tilespmem:s21+$0xFFFFFF20];
	v4 =	vpop (erf)  }
0x8d: {  	v5 =	vld [tilespmem:s21+$0xFFFFFF30];
	v7 =	vbroadcast v4, $0x0  }
0x8e: {  	v8 =	vld [tilespmem:s21+$0xFFFFFF10];
	v9 =	vbroadcast v4, $0x6  }
0x8f: {  	v35 =	vld [tilespmem:s21+$0xFFFFFEF0];
	v12 =	vbroadcast v4, $0x4;
	v1 =	vmul.f32 v7, v1  }
0x90: {  	v11 =	vld [tilespmem:s21+$0xFFFFFF00];
	[tilespmem:s21+$0xFFFFFF60] =	vst v4;
	v10 =	vbroadcast v4, $0x5;
	v3 =	vmul.f32 v3, v9  }
0x91: {  	v2 =	vld [tilespmem:s21+$0xFFFFFF50];
	v36 =	vbroadcast v4, $0x3;
	v6 =	vmul.f32 v6, v12;
	[tilespmem:s21+$0xFFFFFEE0] =	vst v1  }
0x92: {  	v37 =	vbroadcast v4, $0x1;
	v1 =	vmul.f32 v5, v10;
	[tilespmem:s21+$0xFFFFFF40] =	vst v3  }
0x93: {  	v8 =	vmul.f32 v8, v36;
	v3 =	vbroadcast v4, $0x2;
	[tilespmem:s21+$0xFFFFFF20] =	vst v6  }
0x94: {  	v38 =	vmul.f32 v37, v35;
	[tilespmem:s21+$0xFFFFFF30] =	vst v1;
	v1 =	vbroadcast v4, $0x7  }
0x95: {  	[tilespmem:s21+$0xFFFFFF10] =	vst v8;
	v3 =	vmul.f32 v3, v11  }
0x96: {  	[tilespmem:s21+$0xFFFFFEF0] =	vst v38;
	v1 =	vmul.f32 v2, v1  }
0x97: {  	[tilespmem:s21+$0xFFFFFF00] =	vst v3  }
0x98: {  	[tilespmem:s21+$0xFFFFFF50] =	vst v1;
	v1 =	vld [tilespmem:s21+$0xFFFFFFF0]  }
0x99: {  	v2 =	vld [tilespmem:s22+$0xFFFFFFF0];
	_ =	sdelay $0x1  }
0x9a: {  	v3 =	vld [tilespmem:s23+$0xFFFFFFF0];
	_ =	sdelay $0x2  }
0x9b: {  	v1 =	vadd.f32 v1, v2;
	_ =	sdelay $0x1  }
0x9c: {  	v1 =	vadd.f32 v3, v1;
	_ =	sdelay $0x1  }
0x9d: {  	v2 =	vmul.f32 $9.999999770e-03, v1  }
0x9e: {  	vm14 =	vge.f32 v1, $0.0e+00  }
0x9f: {  	v1 =	vsel vm14, v1, v2  }
0xa0: {  	v1 =	vmin.f32 v1, $7.000000000e+01  }
0xa1: {  	v1 =	vmul.f32 $1.442695020e+00, v1;
	_ =	sdelay $0x1  }
0xa2: {  	(erf) = vpow2.f32 v1;
	_ =	sdelay $0x6  }
0xa3: {  	v2 =	vld [tilespmem:s21+$0xFFFFFF80]  }
0xa4: {  	v3 =	vld [tilespmem:s21+$0xFFFFFFC0]  }
0xa5: {  	v1 =	vld [tilespmem:s21+$0xFFFFFFE0];
	v39 =	vpop (erf)  }
0xa6: {  	v43 =	vld [tilespmem:s21+$0xFFFFFF90];
	v41 =	vbroadcast v39, $0x1  }
0xa7: {  	v42 =	vld [tilespmem:s21+$0xFFFFFFD0];
	v44 =	vbroadcast v39, $0x5  }
0xa8: {  	v46 =	vld [tilespmem:s21+$0xFFFFFF70];
	v45 =	vbroadcast v39, $0x7;
	v2 =	vmul.f32 v41, v2  }
0xa9: {  	v40 =	vld [tilespmem:s21+$0xFFFFFFB0];
	[tilespmem:s21+$0xFFFFFFF0] =	vst v39;
	v49 =	vbroadcast v39, $0x2;
	v3 =	vmul.f32 v3, v44  }
0xaa: {  	v47 =	vld [tilespmem:s21+$0xFFFFFFA0];
	v48 =	vbroadcast v39, $0x6;
	v1 =	vmul.f32 v1, v45;
	[tilespmem:s21+$0xFFFFFF80] =	vst v2  }
0xab: {  	v8 =	vmul.f32 v49, v43;
	v2 =	vbroadcast v39, $0x0;
	[tilespmem:s21+$0xFFFFFFC0] =	vst v3  }
0xac: {  	v50 =	vbroadcast v39, $0x4;
	v3 =	vmul.f32 v42, v48;
	[tilespmem:s21+$0xFFFFFFE0] =	vst v1  }
0xad: {  	v1 =	vbroadcast v39, $0x3;
	[tilespmem:s21+$0xFFFFFF90] =	vst v8;
	v2 =	vmul.f32 v2, v46  }
0xae: {  	[tilespmem:s21+$0xFFFFFFD0] =	vst v3;
	v3 =	vmul.f32 v40, v50  }
0xaf: {  	v1 =	vmul.f32 v47, v1;
	[tilespmem:s21+$0xFFFFFF70] =	vst v2  }
0xb0: {  	[tilespmem:s21+$0xFFFFFFB0] =	vst v3  }
0xb1: {  	[tilespmem:s21+$0xFFFFFFA0] =	vst v1;
	v1 =	vld [tilespmem:s21+$0x80]  }
0xb2: {  	v2 =	vld [tilespmem:s22+$0x0];
	_ =	sdelay $0x1  }
0xb3: {  	v3 =	vld [tilespmem:s23+$0x0];
	_ =	sdelay $0x2  }
0xb4: {  	v1 =	vadd.f32 v1, v2;
	_ =	sdelay $0x1  }
0xb5: {  	v1 =	vadd.f32 v3, v1;
	_ =	sdelay $0x1  }
0xb6: {  	v2 =	vmul.f32 $9.999999770e-03, v1  }
0xb7: {  	vm15 =	vge.f32 v1, $0.0e+00  }
0xb8: {  	v1 =	vsel vm15, v1, v2  }
0xb9: {  	v1 =	vmin.f32 v1, $7.000000000e+01  }
0xba: {  	v1 =	vmul.f32 $1.442695020e+00, v1;
	_ =	sdelay $0x1  }
0xbb: {  	(erf) = vpow2.f32 v1;
	_ =	sdelay $0x6  }
0xbc: {  	v2 =	vld [tilespmem:s21+$0x0]  }
0xbd: {  	v3 =	vld [tilespmem:s21+$0x20]  }
0xbe: {  	v51 =	vld [tilespmem:s21+$0x30];
	v52 =	vpop (erf)  }
0xbf: {  	v53 =	vld [tilespmem:s21+$0x40];
	v54 =	vbroadcast v52, $0x0  }
0xc0: {  	v55 =	vld [tilespmem:s21+$0x50];
	v56 =	vbroadcast v52, $0x2  }
0xc1: {  	v57 =	vld [tilespmem:s21+$0x10];
	v58 =	vbroadcast v52, $0x3;
	v2 =	vmul.f32 v54, v2  }
0xc2: {  	v1 =	vld [tilespmem:s21+$0x60];
	[tilespmem:s21+$0x80] =	vst v52;
	v59 =	vbroadcast v52, $0x4;
	v3 =	vmul.f32 v56, v3  }
0xc3: {  	v60 =	vld [tilespmem:s21+$0x70];
	v4 =	vmul.f32 v51, v58;
	[tilespmem:s21+$0x0] =	vst v2;
	v2 =	vbroadcast v52, $0x5  }
0xc4: {  	v61 =	vbroadcast v52, $0x1;
	v6 =	vmul.f32 v53, v59;
	[tilespmem:s21+$0x20] =	vst v3  }
0xc5: {  	v3 =	vbroadcast v52, $0x6;
	[tilespmem:s21+$0x30] =	vst v4;
	v2 =	vmul.f32 v55, v2  }
0xc6: {  	v62 =	vbroadcast v52, $0x7;
	v63 =	vmul.f32 v61, v57;
	[tilespmem:s21+$0x40] =	vst v6  }
0xc7: {  	s24 =	simm.s32 $0x0;
	[tilespmem:s21+$0x50] =	vst v2;
	v2 =	vmul.f32 v1, v3  }
0xc8: {  	s9 =	simm.s32 $0xBA0;
	s13 =	simm.s32 $0x1660;
	s28 =	simm.s32 $0x20;
	[tilespmem:s21+$0x10] =	vst v63;
	v1 =	vmul.f32 v60, v62  }
.LBB2_5:
0xc9: {  	s24 =	sadd.s32 $0x4, s24;
	[tilespmem:s21+$0x60] =	vst v2;
	s13 =	sadd.s32 $0x240, s13;
	s23 =	sadd.s32 $0x40, s23  }
0xca: {  	p0 =	slt.u32 s24, $0x4C;
	[tilespmem:s21+$0x70] =	vst v1;
	v1 =	vld [tilespmem:s21+$0x110]  }
0xcb: {  	v2 =	vld [tilespmem:s22+$0x10];
	s22 =	smov.u32 s9  }
0xcc: {  	v3 =	vld [tilespmem:s28+$0x10];
	s28 =	smov.u32 s23;
	_ =	sdelay $0x3  }
0xcd: {  	v1 =	vadd.f32 v1, v2;
	_ =	sdelay $0x1  }
0xce: {  	v1 =	vadd.f32 v3, v1;
	_ =	sdelay $0x1  }
0xcf: {  	v2 =	vmul.f32 $9.999999770e-03, v1  }
0xd0: {  	vm0 =	vge.f32 v1, $0.0e+00  }
0xd1: {  	v1 =	vsel vm0, v1, v2  }
0xd2: {  	v1 =	vmin.f32 v1, $7.000000000e+01  }
0xd3: {  	v1 =	vmul.f32 $1.442695020e+00, v1;
	_ =	sdelay $0x1  }
0xd4: {  	(erf) = vpow2.f32 v1;
	_ =	sdelay $0x4  }
0xd5: {  	v1 =	vld [tilespmem:s21+$0xB0]  }
0xd6: {  	v2 =	vld [tilespmem:s21+$0x100]  }
0xd7: {  	v3 =	vld [tilespmem:s21+$0xF0]  }
0xd8: {  	v4 =	vld [tilespmem:s21+$0xC0]  }
0xd9: {  	v5 =	vld [tilespmem:s21+$0xD0];
	v6 =	vpop (erf)  }
0xda: {  	[tilespmem:s21+$0x110] =	vst v6;
	v7 =	vbroadcast v6, $0x0;
	v8 =	vbroadcast v6, $0x1;
	v9 =	vld [tilespmem:s21+$0xE0]  }
0xdb: {  	v11 =	vbroadcast v6, $0x2;
	v12 =	vbroadcast v6, $0x3;
	v10 =	vld [tilespmem:s21+$0x90]  }
0xdc: {  	v14 =	vbroadcast v6, $0x4;
	v15 =	vbroadcast v6, $0x5;
	v13 =	vld [tilespmem:s21+$0xA0]  }
0xdd: {  	v4 =	vmul.f32 v4, v12;
	v12 =	vbroadcast v6, $0x6  }
0xde: {  	v6 =	vbroadcast v6, $0x7;
	v5 =	vmul.f32 v5, v14  }
0xdf: {  	[tilespmem:s21+$0xC0] =	vst v4;
	v4 =	vmul.f32 v9, v15;
	v3 =	vmul.f32 v3, v12  }
0xe0: {  	v2 =	vmul.f32 v2, v6;
	v7 =	vmul.f32 v7, v10;
	[tilespmem:s21+$0xD0] =	vst v5  }
0xe1: {  	v1 =	vmul.f32 v11, v1;
	v5 =	vmul.f32 v8, v13;
	[tilespmem:s21+$0xE0] =	vst v4  }
0xe2: {  	[tilespmem:s21+$0x100] =	vst v2  }
0xe3: {  	[tilespmem:s21+$0xF0] =	vst v3  }
0xe4: {  	[tilespmem:s21+$0x90] =	vst v7  }
0xe5: {  	[tilespmem:s21+$0xB0] =	vst v1  }
0xe6: {  	v1 =	vld [tilespmem:s13+$0xFFFFFF60];
	[tilespmem:s21+$0xA0] =	vst v5;
	s21 =	smov.u32 s13  }
0xe7: {  	v2 =	vld [tilespmem:s9+$0xFFFFFFE0];
	_ =	sdelay $0x1  }
0xe8: {  	v3 =	vld [tilespmem:s23+$0xFFFFFFE0];
	_ =	sdelay $0x2  }
0xe9: {  	v1 =	vadd.f32 v1, v2;
	_ =	sdelay $0x1  }
0xea: {  	v1 =	vadd.f32 v3, v1;
	_ =	sdelay $0x1  }
0xeb: {  	vm0 =	vge.f32 v1, $0.0e+00;
	v2 =	vmul.f32 $9.999999770e-03, v1;
	_ =	sdelay $0x1  }
0xec: {  	v1 =	vsel vm0, v1, v2  }
0xed: {  	v1 =	vmin.f32 v1, $7.000000000e+01  }
0xee: {  	v1 =	vmul.f32 $1.442695020e+00, v1;
	_ =	sdelay $0x1  }
0xef: {  	(erf) = vpow2.f32 v1;
	_ =	sdelay $0x4  }
0xf0: {  	v1 =	vld [tilespmem:s13+$0xFFFFFF10]  }
0xf1: {  	v2 =	vld [tilespmem:s13+$0xFFFFFF20]  }
0xf2: {  	v3 =	vld [tilespmem:s13+$0xFFFFFEE0]  }
0xf3: {  	v4 =	vld [tilespmem:s13+$0xFFFFFF50]  }
0xf4: {  	v5 =	vld [tilespmem:s13+$0xFFFFFF40];
	v6 =	vpop (erf)  }
0xf5: {  	[tilespmem:s13+$0xFFFFFF60] =	vst v6;
	v7 =	vbroadcast v6, $0x0;
	v8 =	vbroadcast v6, $0x3;
	v9 =	vld [tilespmem:s13+$0xFFFFFF30]  }
0xf6: {  	v11 =	vbroadcast v6, $0x5;
	v12 =	vbroadcast v6, $0x6;
	v10 =	vld [tilespmem:s13+$0xFFFFFF00]  }
0xf7: {  	v13 =	vbroadcast v6, $0x1;
	v3 =	vmul.f32 v7, v3;
	v7 =	vld [tilespmem:s13+$0xFFFFFEF0]  }
0xf8: {  	v14 =	vbroadcast v6, $0x4;
	v15 =	vbroadcast v6, $0x7  }
0xf9: {  	[tilespmem:s13+$0xFFFFFEE0] =	vst v3;
	v3 =	vbroadcast v6, $0x2;
	v5 =	vmul.f32 v5, v12  }
0xfa: {  	v4 =	vmul.f32 v4, v15;
	v6 =	vmul.f32 v9, v11  }
0xfb: {  	v2 =	vmul.f32 v2, v14;
	v3 =	vmul.f32 v3, v10;
	[tilespmem:s13+$0xFFFFFF40] =	vst v5  }
0xfc: {  	v1 =	vmul.f32 v1, v8;
	v5 =	vmul.f32 v13, v7;
	[tilespmem:s13+$0xFFFFFF30] =	vst v6  }
0xfd: {  	[tilespmem:s13+$0xFFFFFF20] =	vst v2  }
0xfe: {  	[tilespmem:s13+$0xFFFFFF10] =	vst v1  }
0xff: {  	[tilespmem:s13+$0xFFFFFEF0] =	vst v5  }
0x100: {  	[tilespmem:s13+$0xFFFFFF00] =	vst v3  }
0x101: {  	[tilespmem:s13+$0xFFFFFF50] =	vst v4;
	v1 =	vld [tilespmem:s13+$0xFFFFFFF0]  }
0x102: {  	v2 =	vld [tilespmem:s9+$0xFFFFFFF0]  }
0x103: {  	v3 =	vld [tilespmem:s23+$0xFFFFFFF0];
	_ =	sdelay $0x3  }
0x104: {  	v1 =	vadd.f32 v1, v2;
	_ =	sdelay $0x1  }
0x105: {  	v1 =	vadd.f32 v3, v1;
	_ =	sdelay $0x1  }
0x106: {  	v2 =	vmul.f32 $9.999999770e-03, v1  }
0x107: {  	vm0 =	vge.f32 v1, $0.0e+00  }
0x108: {  	v1 =	vsel vm0, v1, v2  }
0x109: {  	v1 =	vmin.f32 v1, $7.000000000e+01  }
0x10a: {  	v1 =	vmul.f32 $1.442695020e+00, v1;
	_ =	sdelay $0x1  }
0x10b: {  	(erf) = vpow2.f32 v1;
	_ =	sdelay $0x5  }
0x10c: {  	v1 =	vld [tilespmem:s13+$0xFFFFFFE0]  }
0x10d: {  	v2 =	vld [tilespmem:s13+$0xFFFFFFC0]  }
0x10e: {  	v3 =	vld [tilespmem:s13+$0xFFFFFF80]  }
0x10f: {  	v4 =	vld [tilespmem:s13+$0xFFFFFFB0];
	v5 =	vpop (erf)  }
0x110: {  	[tilespmem:s13+$0xFFFFFFF0] =	vst v5;
	v6 =	vbroadcast v5, $0x0;
	v7 =	vld [tilespmem:s13+$0xFFFFFF90];
	v8 =	vbroadcast v5, $0x5  }
0x111: {  	v9 =	vbroadcast v5, $0x1;
	v11 =	vbroadcast v5, $0x7;
	v10 =	vld [tilespmem:s13+$0xFFFFFFD0]  }
0x112: {  	v13 =	vbroadcast v5, $0x2;
	v14 =	vbroadcast v5, $0x4;
	v12 =	vld [tilespmem:s13+$0xFFFFFF70]  }
0x113: {  	v15 =	vbroadcast v5, $0x6;
	v3 =	vmul.f32 v9, v3;
	v9 =	vld [tilespmem:s13+$0xFFFFFFA0]  }
0x114: {  	v2 =	vmul.f32 v2, v8;
	v4 =	vmul.f32 v4, v14  }
0x115: {  	v1 =	vmul.f32 v1, v11;
	[tilespmem:s13+$0xFFFFFF80] =	vst v3;
	v3 =	vmul.f32 v13, v7  }
0x116: {  	v5 =	vbroadcast v5, $0x3;
	[tilespmem:s13+$0xFFFFFFC0] =	vst v2;
	v2 =	vmul.f32 v10, v15  }
0x117: {  	v6 =	vmul.f32 v6, v12;
	[tilespmem:s13+$0xFFFFFFE0] =	vst v1  }
0x118: {  	v1 =	vmul.f32 v9, v5;
	[tilespmem:s13+$0xFFFFFFD0] =	vst v2  }
0x119: {  	[tilespmem:s13+$0xFFFFFF90] =	vst v3  }
0x11a: {  	[tilespmem:s13+$0xFFFFFF70] =	vst v6  }
0x11b: {  	[tilespmem:s13+$0xFFFFFFB0] =	vst v4  }
0x11c: {  	[tilespmem:s13+$0xFFFFFFA0] =	vst v1;
	v1 =	vld [tilespmem:s13+$0x80]  }
0x11d: {  	v2 =	vld [tilespmem:s9+$0x0]  }
0x11e: {  	v3 =	vld [tilespmem:s23+$0x0];
	_ =	sdelay $0x3  }
0x11f: {  	v1 =	vadd.f32 v1, v2;
	_ =	sdelay $0x1  }
0x120: {  	v1 =	vadd.f32 v3, v1;
	_ =	sdelay $0x1  }
0x121: {  	v2 =	vmul.f32 $9.999999770e-03, v1  }
0x122: {  	vm0 =	vge.f32 v1, $0.0e+00  }
0x123: {  	v1 =	vsel vm0, v1, v2  }
0x124: {  	v1 =	vmin.f32 v1, $7.000000000e+01  }
0x125: {  	v1 =	vmul.f32 $1.442695020e+00, v1;
	_ =	sdelay $0x1  }
0x126: {  	(erf) = vpow2.f32 v1;
	_ =	sdelay $0x4  }
0x127: {  	v1 =	vld [tilespmem:s13+$0x60]  }
0x128: {  	v2 =	vld [tilespmem:s13+$0x30]  }
0x129: {  	v3 =	vld [tilespmem:s13+$0x0]  }
0x12a: {  	v4 =	vld [tilespmem:s13+$0x20]  }
0x12b: {  	v5 =	vld [tilespmem:s13+$0x40];
	v6 =	vpop (erf)  }
0x12c: {  	[tilespmem:s13+$0x80] =	vst v6;
	v7 =	vbroadcast v6, $0x0;
	v8 =	vbroadcast v6, $0x1;
	v9 =	vld [tilespmem:s13+$0x50]  }
0x12d: {  	v11 =	vbroadcast v6, $0x2;
	v12 =	vbroadcast v6, $0x3;
	v10 =	vld [tilespmem:s13+$0x10]  }
0x12e: {  	v3 =	vmul.f32 v7, v3;
	v7 =	vbroadcast v6, $0x4;
	v13 =	vld [tilespmem:s13+$0x70]  }
0x12f: {  	v2 =	vmul.f32 v2, v12;
	v4 =	vmul.f32 v11, v4  }
0x130: {  	[tilespmem:s13+$0x0] =	vst v3;
	v3 =	vmul.f32 v5, v7;
	v5 =	vbroadcast v6, $0x5  }
.Ltmp1:
0x131: {  	[tilespmem:s13+$0x20] =	vst v4;
	v4 =	vbroadcast v6, $0x6;
	v6 =	vbroadcast v6, $0x7;
	(pc) =	sbr.rel @p0 .LBB2_5-.Ltmp1, $4  }
0x132: {  	v7 =	vmul.f32 v8, v10;
	[tilespmem:s13+$0x30] =	vst v2;
	v5 =	vmul.f32 v9, v5  }
0x133: {  	[tilespmem:s13+$0x40] =	vst v3;
	v2 =	vmul.f32 v1, v4;
	v1 =	vmul.f32 v13, v6  }
0x134: {  	[tilespmem:s13+$0x50] =	vst v5  }
0x135: {  	s9 =	sadd.s32 $0x40, s9;
	[tilespmem:s13+$0x10] =	vst v7  }
0x136: {  	[tilespmem:s21+$0x60] =	vst v2  }
0x137: {  	[tilespmem:s21+$0x70] =	vst v1;
	v1 =	vld [tilespmem:s21+$0x110]  }
0x138: {  	v2 =	vld [tilespmem:s22+$0x10];
	_ =	sdelay $0x1  }
0x139: {  	v3 =	vld [tilespmem:s28+$0x10];
	_ =	sdelay $0x2  }
0x13a: {  	v1 =	vadd.f32 v1, v2;
	_ =	sdelay $0x1  }
0x13b: {  	v1 =	vadd.f32 v3, v1;
	_ =	sdelay $0x1  }
0x13c: {  	v2 =	vmul.f32 $9.999999770e-03, v1  }
0x13d: {  	vm0 =	vge.f32 v1, $0.0e+00  }
0x13e: {  	v1 =	vsel vm0, v1, v2  }
0x13f: {  	v1 =	vmin.f32 v1, $7.000000000e+01  }
0x140: {  	v1 =	vmul.f32 $1.442695020e+00, v1;
	_ =	sdelay $0x1  }
0x141: {  	(erf) = vpow2.f32 v1;
	_ =	sdelay $0x6  }
0x142: {  	v3 =	vld [tilespmem:s21+$0xC0]  }
0x143: {  	v5 =	vld [tilespmem:s21+$0xD0]  }
0x144: {  	v1 =	vld [tilespmem:s21+$0x100];
	v4 =	vpop (erf)  }
0x145: {  	v6 =	vld [tilespmem:s21+$0xE0];
	v7 =	vbroadcast v4, $0x3  }
0x146: {  	v2 =	vld [tilespmem:s21+$0xF0];
	v9 =	vbroadcast v4, $0x4  }
0x147: {  	v10 =	vld [tilespmem:s21+$0x90];
	v22 =	vbroadcast v4, $0x7;
	v3 =	vmul.f32 v3, v7  }
0x148: {  	v8 =	vld [tilespmem:s21+$0xB0];
	[tilespmem:s21+$0x110] =	vst v4;
	v11 =	vbroadcast v4, $0x5;
	v5 =	vmul.f32 v5, v9  }
0x149: {  	v21 =	vld [tilespmem:s21+$0xA0];
	v12 =	vbroadcast v4, $0x6;
	v1 =	vmul.f32 v1, v22;
	[tilespmem:s21+$0xC0] =	vst v3  }
0x14a: {  	v23 =	vbroadcast v4, $0x0;
	v3 =	vmul.f32 v6, v11;
	[tilespmem:s21+$0xD0] =	vst v5  }
0x14b: {  	v24 =	vbroadcast v4, $0x2;
	v2 =	vmul.f32 v2, v12;
	[tilespmem:s21+$0x100] =	vst v1  }
0x14c: {  	v25 =	vmul.f32 v23, v10;
	[tilespmem:s21+$0xE0] =	vst v3;
	v3 =	vbroadcast v4, $0x1  }
0x14d: {  	v1 =	vmul.f32 v24, v8;
	[tilespmem:s21+$0xF0] =	vst v2  }
0x14e: {  	[tilespmem:s21+$0x90] =	vst v25;
	v2 =	vmul.f32 v3, v21  }
0x14f: {  	[tilespmem:s21+$0xB0] =	vst v1  }
0x150: {  	[tilespmem:s21+$0xA0] =	vst v2;
	s21 =	smul.u32 $0xA0, s20  }
0x151: {  	[spmem:s4] =	stream.indirect.scatter.add.f32 [tilespmem:s29], [sflag:$0x3], $0x90, s31, s10, $0xb8;
	[tilespmem:$0x1D740] =	vst v63  }
0x152: {  	_ =	swait.ge [sflag:s30], $0x2D00;
	s9 =	sadd.s32 s21, s25  }
0x153: {  	[sflag:s30] =	ssyncset.done $0x0;
	s13 =	sshrl.u32 s9, $0x3  }
0x154: {  	s9 =	sshll.u32 s9, $0x1;
	[sflag:s30] =	ssyncadd.s32 $0xFFFFD300;
	s19 =	sadd.s32 s1, s13  }
0x155: {  	[tilespmem:s31], [sflag:$0x1] =	stream.linear.gather [hbm4b:s19+s6], $0x50, $0x38;
	[tilespmem:$0x1D740] =	vst v63  }
0x156: {  	s13 =	sadd.s32 s2, s13;
	s9 =	sand.u32 $0x1FFFFFE0, s9  }
0x157: {  	[tilespmem:s0], [sflag:$0x1] =	stream.linear.gather [hbm4b:s13+s6], $0x50, $0x38;
	[tilespmem:$0x1D740] =	vst v63  }
0x158: {  	s9 =	sadd.s32 s3, s9  }
0x159: {  	[tilespmem:s6], [sflag:$0x1] =	stream.linear.gather [hbm4b:s9+s6], $0x500, $0x38;
	[tilespmem:$0x1D740] =	vst v63  }
0x15a: {  	_ =	swait.ge [sflag:s16], $0x500  }
0x15b: {  	[sflag:s16] =	ssyncset.done $0x0  }
0x15c: {  	[sflag:s16] =	ssyncadd.s32 $0xFFFFFB00  }
0x15d: {  	_ =	swait.ge [sflag:s16], $0x2D00  }
0x15e: {  	[sflag:s16] =	ssyncset.done $0x0  }
0x15f: {  	[sflag:s16] =	ssyncadd.s32 $0xFFFFD300  }
0x160: {  	_ =	swait.ge [sflag:s5], $0x50  }
0x161: {  	[sflag:s5] =	ssyncset.done $0x0  }
0x162: {  	[sflag:s5] =	ssyncadd.s32 $0xFFFFFFB0  }
0x163: {  	_ =	swait.ge [sflag:s5], $0x50  }
0x164: {  	[sflag:s5] =	ssyncset.done $0x0  }
0x165: {  	[sflag:s5] =	ssyncadd.s32 $0xFFFFFFB0  }
0x166: {  	_ =	swait.ge [sflag:s5], $0x500  }
0x167: {  	[sflag:s5] =	ssyncset.done $0x0  }
0x168: {  	[sflag:s5] =	ssyncadd.s32 $0xFFFFFB00  }
0x169: {  	[tilespmem:s11], [sflag:$0x2] =	stream.indirect.gather [hbm4b:s7+s10], $0x10, s31, s10, $0xb8;
	[tilespmem:$0x1D740] =	vst v63  }
0x16a: {  	s22 =	simm.s32 $0x4360  }
0x16b: {  	[tilespmem:s29], [sflag:$0x2] =	stream.indirect.gather [hbm4b:s8+s10], $0x90, s0, s10, $0xb8;
	[tilespmem:$0x1D740] =	vst v63  }
0x16c: {  	s23 =	simm.s32 $0x1060;
	v1 =	vld [tilespmem:s22+$0xFFFFFF60]  }
0x16d: {  	v2 =	vld [tilespmem:s23+$0xFFFFFFE0]  }
0x16e: {  	s24 =	simm.s32 $0x520  }
0x16f: {  	v3 =	vld [tilespmem:s24+$0xFFFFFFE0];
	_ =	sdelay $0x2  }
0x170: {  	v1 =	vadd.f32 v1, v2;
	_ =	sdelay $0x1  }
0x171: {  	v1 =	vadd.f32 v3, v1;
	_ =	sdelay $0x1  }
0x172: {  	v2 =	vmul.f32 $9.999999770e-03, v1  }
0x173: {  	vm13 =	vge.f32 v1, $0.0e+00  }
0x174: {  	v1 =	vsel vm13, v1, v2  }
0x175: {  	v1 =	vmin.f32 v1, $7.000000000e+01  }
0x176: {  	v1 =	vmul.f32 $1.442695020e+00, v1;
	_ =	sdelay $0x1  }
0x177: {  	(erf) = vpow2.f32 v1;
	_ =	sdelay $0x6  }
0x178: {  	v1 =	vld [tilespmem:s22+$0xFFFFFEE0]  }
0x179: {  	v3 =	vld [tilespmem:s22+$0xFFFFFF40]  }
0x17a: {  	v28 =	vld [tilespmem:s22+$0xFFFFFF20];
	v26 =	vpop (erf)  }
0x17b: {  	v27 =	vld [tilespmem:s22+$0xFFFFFF30];
	v29 =	vbroadcast v26, $0x0  }
0x17c: {  	v30 =	vld [tilespmem:s22+$0xFFFFFF10];
	v31 =	vbroadcast v26, $0x6  }
0x17d: {  	v33 =	vld [tilespmem:s22+$0xFFFFFEF0];
	v35 =	vbroadcast v26, $0x4;
	v1 =	vmul.f32 v29, v1  }
0x17e: {  	v34 =	vld [tilespmem:s22+$0xFFFFFF00];
	[tilespmem:s22+$0xFFFFFF60] =	vst v26;
	v32 =	vbroadcast v26, $0x5;
	v3 =	vmul.f32 v3, v31  }
0x17f: {  	v2 =	vld [tilespmem:s22+$0xFFFFFF50];
	v36 =	vbroadcast v26, $0x3;
	v6 =	vmul.f32 v28, v35;
	[tilespmem:s22+$0xFFFFFEE0] =	vst v1  }
0x180: {  	v37 =	vbroadcast v26, $0x1;
	v1 =	vmul.f32 v27, v32;
	[tilespmem:s22+$0xFFFFFF40] =	vst v3  }
0x181: {  	v8 =	vmul.f32 v30, v36;
	v3 =	vbroadcast v26, $0x2;
	[tilespmem:s22+$0xFFFFFF20] =	vst v6  }
0x182: {  	v38 =	vmul.f32 v37, v33;
	[tilespmem:s22+$0xFFFFFF30] =	vst v1;
	v1 =	vbroadcast v26, $0x7  }
0x183: {  	[tilespmem:s22+$0xFFFFFF10] =	vst v8;
	v3 =	vmul.f32 v3, v34  }
0x184: {  	[tilespmem:s22+$0xFFFFFEF0] =	vst v38;
	v1 =	vmul.f32 v2, v1  }
0x185: {  	[tilespmem:s22+$0xFFFFFF00] =	vst v3  }
0x186: {  	[tilespmem:s22+$0xFFFFFF50] =	vst v1;
	v1 =	vld [tilespmem:s22+$0xFFFFFFF0]  }
0x187: {  	v2 =	vld [tilespmem:s23+$0xFFFFFFF0];
	_ =	sdelay $0x1  }
0x188: {  	v3 =	vld [tilespmem:s24+$0xFFFFFFF0];
	_ =	sdelay $0x2  }
0x189: {  	v1 =	vadd.f32 v1, v2;
	_ =	sdelay $0x1  }
0x18a: {  	v1 =	vadd.f32 v3, v1;
	_ =	sdelay $0x1  }
0x18b: {  	v2 =	vmul.f32 $9.999999770e-03, v1  }
0x18c: {  	vm14 =	vge.f32 v1, $0.0e+00  }
0x18d: {  	v1 =	vsel vm14, v1, v2  }
0x18e: {  	v1 =	vmin.f32 v1, $7.000000000e+01  }
0x18f: {  	v1 =	vmul.f32 $1.442695020e+00, v1;
	_ =	sdelay $0x1  }
0x190: {  	(erf) = vpow2.f32 v1;
	_ =	sdelay $0x6  }
0x191: {  	v2 =	vld [tilespmem:s22+$0xFFFFFF80]  }
0x192: {  	v3 =	vld [tilespmem:s22+$0xFFFFFFC0]  }
0x193: {  	v1 =	vld [tilespmem:s22+$0xFFFFFFE0];
	v39 =	vpop (erf)  }
0x194: {  	v43 =	vld [tilespmem:s22+$0xFFFFFF90];
	v41 =	vbroadcast v39, $0x1  }
0x195: {  	v42 =	vld [tilespmem:s22+$0xFFFFFFD0];
	v44 =	vbroadcast v39, $0x5  }
0x196: {  	v46 =	vld [tilespmem:s22+$0xFFFFFF70];
	v45 =	vbroadcast v39, $0x7;
	v2 =	vmul.f32 v41, v2  }
0x197: {  	v40 =	vld [tilespmem:s22+$0xFFFFFFB0];
	[tilespmem:s22+$0xFFFFFFF0] =	vst v39;
	v49 =	vbroadcast v39, $0x2;
	v3 =	vmul.f32 v3, v44  }
0x198: {  	v47 =	vld [tilespmem:s22+$0xFFFFFFA0];
	v48 =	vbroadcast v39, $0x6;
	v1 =	vmul.f32 v1, v45;
	[tilespmem:s22+$0xFFFFFF80] =	vst v2  }
0x199: {  	v8 =	vmul.f32 v49, v43;
	v2 =	vbroadcast v39, $0x0;
	[tilespmem:s22+$0xFFFFFFC0] =	vst v3  }
0x19a: {  	v50 =	vbroadcast v39, $0x4;
	v3 =	vmul.f32 v42, v48;
	[tilespmem:s22+$0xFFFFFFE0] =	vst v1  }
0x19b: {  	v1 =	vbroadcast v39, $0x3;
	[tilespmem:s22+$0xFFFFFF90] =	vst v8;
	v2 =	vmul.f32 v2, v46  }
0x19c: {  	[tilespmem:s22+$0xFFFFFFD0] =	vst v3;
	v3 =	vmul.f32 v40, v50  }
0x19d: {  	v1 =	vmul.f32 v47, v1;
	[tilespmem:s22+$0xFFFFFF70] =	vst v2  }
0x19e: {  	[tilespmem:s22+$0xFFFFFFB0] =	vst v3  }
0x19f: {  	[tilespmem:s22+$0xFFFFFFA0] =	vst v1;
	v1 =	vld [tilespmem:s22+$0x80]  }
0x1a0: {  	v2 =	vld [tilespmem:s23+$0x0];
	_ =	sdelay $0x1  }
0x1a1: {  	v3 =	vld [tilespmem:s24+$0x0];
	_ =	sdelay $0x2  }
0x1a2: {  	v1 =	vadd.f32 v1, v2;
	_ =	sdelay $0x1  }
0x1a3: {  	v1 =	vadd.f32 v3, v1;
	_ =	sdelay $0x1  }
0x1a4: {  	v2 =	vmul.f32 $9.999999770e-03, v1  }
0x1a5: {  	vm15 =	vge.f32 v1, $0.0e+00  }
0x1a6: {  	v1 =	vsel vm15, v1, v2  }
0x1a7: {  	v1 =	vmin.f32 v1, $7.000000000e+01  }
0x1a8: {  	v1 =	vmul.f32 $1.442695020e+00, v1;
	_ =	sdelay $0x1  }
0x1a9: {  	(erf) = vpow2.f32 v1;
	_ =	sdelay $0x6  }
0x1aa: {  	v2 =	vld [tilespmem:s22+$0x0]  }
0x1ab: {  	v3 =	vld [tilespmem:s22+$0x20]  }
0x1ac: {  	v51 =	vld [tilespmem:s22+$0x30];
	v52 =	vpop (erf)  }
0x1ad: {  	v53 =	vld [tilespmem:s22+$0x40];
	v54 =	vbroadcast v52, $0x0  }
0x1ae: {  	v55 =	vld [tilespmem:s22+$0x50];
	v56 =	vbroadcast v52, $0x2  }
0x1af: {  	v57 =	vld [tilespmem:s22+$0x10];
	v58 =	vbroadcast v52, $0x3;
	v2 =	vmul.f32 v54, v2  }
0x1b0: {  	v1 =	vld [tilespmem:s22+$0x60];
	[tilespmem:s22+$0x80] =	vst v52;
	v59 =	vbroadcast v52, $0x4;
	v3 =	vmul.f32 v56, v3  }
0x1b1: {  	v60 =	vld [tilespmem:s22+$0x70];
	v4 =	vmul.f32 v51, v58;
	[tilespmem:s22+$0x0] =	vst v2;
	v2 =	vbroadcast v52, $0x5  }
0x1b2: {  	v61 =	vbroadcast v52, $0x1;
	v6 =	vmul.f32 v53, v59;
	[tilespmem:s22+$0x20] =	vst v3  }
0x1b3: {  	v3 =	vbroadcast v52, $0x6;
	[tilespmem:s22+$0x30] =	vst v4;
	v2 =	vmul.f32 v55, v2  }
0x1b4: {  	v62 =	vbroadcast v52, $0x7;
	v63 =	vmul.f32 v61, v57;
	[tilespmem:s22+$0x40] =	vst v6  }
0x1b5: {  	s28 =	simm.s32 $0x0;
	[tilespmem:s22+$0x50] =	vst v2;
	v2 =	vmul.f32 v1, v3  }
0x1b6: {  	s19 =	simm.s32 $0x4360;
	s13 =	simm.s32 $0x10A0;
	s9 =	simm.s32 $0x520;
	[tilespmem:s22+$0x10] =	vst v63;
	v1 =	vmul.f32 v60, v62  }
.LBB2_7:
0x1b7: {  	s28 =	sadd.s32 $0x4, s28;
	[tilespmem:s22+$0x60] =	vst v2;
	s19 =	sadd.s32 $0x240, s19;
	s24 =	sadd.s32 $0x40, s24  }
0x1b8: {  	p0 =	slt.u32 s28, $0x4C;
	[tilespmem:s22+$0x70] =	vst v1;
	v1 =	vld [tilespmem:s22+$0x110]  }
0x1b9: {  	v2 =	vld [tilespmem:s23+$0x10];
	s23 =	smov.u32 s13  }
0x1ba: {  	v3 =	vld [tilespmem:s9+$0x10];
	s9 =	smov.u32 s24;
	_ =	sdelay $0x3  }
0x1bb: {  	v1 =	vadd.f32 v1, v2;
	_ =	sdelay $0x1  }
0x1bc: {  	v1 =	vadd.f32 v3, v1;
	_ =	sdelay $0x1  }
0x1bd: {  	v2 =	vmul.f32 $9.999999770e-03, v1  }
0x1be: {  	vm0 =	vge.f32 v1, $0.0e+00  }
0x1bf: {  	v1 =	vsel vm0, v1, v2  }
0x1c0: {  	v1 =	vmin.f32 v1, $7.000000000e+01  }
0x1c1: {  	v1 =	vmul.f32 $1.442695020e+00, v1;
	_ =	sdelay $0x1  }
0x1c2: {  	(erf) = vpow2.f32 v1;
	_ =	sdelay $0x4  }
0x1c3: {  	v1 =	vld [tilespmem:s22+$0xB0]  }
0x1c4: {  	v2 =	vld [tilespmem:s22+$0x100]  }
0x1c5: {  	v3 =	vld [tilespmem:s22+$0xF0]  }
0x1c6: {  	v4 =	vld [tilespmem:s22+$0xC0]  }
0x1c7: {  	v5 =	vld [tilespmem:s22+$0xD0];
	v6 =	vpop (erf)  }
0x1c8: {  	[tilespmem:s22+$0x110] =	vst v6;
	v7 =	vbroadcast v6, $0x0;
	v8 =	vbroadcast v6, $0x1;
	v9 =	vld [tilespmem:s22+$0xE0]  }
0x1c9: {  	v11 =	vbroadcast v6, $0x2;
	v12 =	vbroadcast v6, $0x3;
	v10 =	vld [tilespmem:s22+$0x90]  }
0x1ca: {  	v14 =	vbroadcast v6, $0x4;
	v15 =	vbroadcast v6, $0x5;
	v13 =	vld [tilespmem:s22+$0xA0]  }
0x1cb: {  	v4 =	vmul.f32 v4, v12;
	v12 =	vbroadcast v6, $0x6  }
0x1cc: {  	v6 =	vbroadcast v6, $0x7;
	v5 =	vmul.f32 v5, v14  }
0x1cd: {  	[tilespmem:s22+$0xC0] =	vst v4;
	v4 =	vmul.f32 v9, v15;
	v3 =	vmul.f32 v3, v12  }
0x1ce: {  	v2 =	vmul.f32 v2, v6;
	v7 =	vmul.f32 v7, v10;
	[tilespmem:s22+$0xD0] =	vst v5  }
0x1cf: {  	v1 =	vmul.f32 v11, v1;
	v5 =	vmul.f32 v8, v13;
	[tilespmem:s22+$0xE0] =	vst v4  }
0x1d0: {  	[tilespmem:s22+$0x100] =	vst v2  }
0x1d1: {  	[tilespmem:s22+$0xF0] =	vst v3  }
0x1d2: {  	[tilespmem:s22+$0x90] =	vst v7  }
0x1d3: {  	[tilespmem:s22+$0xB0] =	vst v1  }
0x1d4: {  	v1 =	vld [tilespmem:s19+$0xFFFFFF60];
	[tilespmem:s22+$0xA0] =	vst v5;
	s22 =	smov.u32 s19  }
0x1d5: {  	v2 =	vld [tilespmem:s13+$0xFFFFFFE0];
	_ =	sdelay $0x1  }
0x1d6: {  	v3 =	vld [tilespmem:s24+$0xFFFFFFE0];
	_ =	sdelay $0x2  }
0x1d7: {  	v1 =	vadd.f32 v1, v2;
	_ =	sdelay $0x1  }
0x1d8: {  	v1 =	vadd.f32 v3, v1;
	_ =	sdelay $0x1  }
0x1d9: {  	vm0 =	vge.f32 v1, $0.0e+00;
	v2 =	vmul.f32 $9.999999770e-03, v1;
	_ =	sdelay $0x1  }
0x1da: {  	v1 =	vsel vm0, v1, v2  }
0x1db: {  	v1 =	vmin.f32 v1, $7.000000000e+01  }
0x1dc: {  	v1 =	vmul.f32 $1.442695020e+00, v1;
	_ =	sdelay $0x1  }
0x1dd: {  	(erf) = vpow2.f32 v1;
	_ =	sdelay $0x4  }
0x1de: {  	v1 =	vld [tilespmem:s19+$0xFFFFFF10]  }
0x1df: {  	v2 =	vld [tilespmem:s19+$0xFFFFFF20]  }
0x1e0: {  	v3 =	vld [tilespmem:s19+$0xFFFFFEE0]  }
0x1e1: {  	v4 =	vld [tilespmem:s19+$0xFFFFFF50]  }
0x1e2: {  	v5 =	vld [tilespmem:s19+$0xFFFFFF40];
	v6 =	vpop (erf)  }
0x1e3: {  	[tilespmem:s19+$0xFFFFFF60] =	vst v6;
	v7 =	vbroadcast v6, $0x0;
	v8 =	vbroadcast v6, $0x3;
	v9 =	vld [tilespmem:s19+$0xFFFFFF30]  }
0x1e4: {  	v11 =	vbroadcast v6, $0x5;
	v12 =	vbroadcast v6, $0x6;
	v10 =	vld [tilespmem:s19+$0xFFFFFF00]  }
0x1e5: {  	v13 =	vbroadcast v6, $0x1;
	v3 =	vmul.f32 v7, v3;
	v7 =	vld [tilespmem:s19+$0xFFFFFEF0]  }
0x1e6: {  	v14 =	vbroadcast v6, $0x4;
	v15 =	vbroadcast v6, $0x7  }
0x1e7: {  	[tilespmem:s19+$0xFFFFFEE0] =	vst v3;
	v3 =	vbroadcast v6, $0x2;
	v5 =	vmul.f32 v5, v12  }
0x1e8: {  	v4 =	vmul.f32 v4, v15;
	v6 =	vmul.f32 v9, v11  }
0x1e9: {  	v2 =	vmul.f32 v2, v14;
	v3 =	vmul.f32 v3, v10;
	[tilespmem:s19+$0xFFFFFF40] =	vst v5  }
0x1ea: {  	v1 =	vmul.f32 v1, v8;
	v5 =	vmul.f32 v13, v7;
	[tilespmem:s19+$0xFFFFFF30] =	vst v6  }
0x1eb: {  	[tilespmem:s19+$0xFFFFFF20] =	vst v2  }
0x1ec: {  	[tilespmem:s19+$0xFFFFFF10] =	vst v1  }
0x1ed: {  	[tilespmem:s19+$0xFFFFFEF0] =	vst v5  }
0x1ee: {  	[tilespmem:s19+$0xFFFFFF00] =	vst v3  }
0x1ef: {  	[tilespmem:s19+$0xFFFFFF50] =	vst v4;
	v1 =	vld [tilespmem:s19+$0xFFFFFFF0]  }
0x1f0: {  	v2 =	vld [tilespmem:s13+$0xFFFFFFF0]  }
0x1f1: {  	v3 =	vld [tilespmem:s24+$0xFFFFFFF0];
	_ =	sdelay $0x3  }
0x1f2: {  	v1 =	vadd.f32 v1, v2;
	_ =	sdelay $0x1  }
0x1f3: {  	v1 =	vadd.f32 v3, v1;
	_ =	sdelay $0x1  }
0x1f4: {  	v2 =	vmul.f32 $9.999999770e-03, v1  }
0x1f5: {  	vm0 =	vge.f32 v1, $0.0e+00  }
0x1f6: {  	v1 =	vsel vm0, v1, v2  }
0x1f7: {  	v1 =	vmin.f32 v1, $7.000000000e+01  }
0x1f8: {  	v1 =	vmul.f32 $1.442695020e+00, v1;
	_ =	sdelay $0x1  }
0x1f9: {  	(erf) = vpow2.f32 v1;
	_ =	sdelay $0x5  }
0x1fa: {  	v1 =	vld [tilespmem:s19+$0xFFFFFFE0]  }
0x1fb: {  	v2 =	vld [tilespmem:s19+$0xFFFFFFC0]  }
0x1fc: {  	v3 =	vld [tilespmem:s19+$0xFFFFFF80]  }
0x1fd: {  	v4 =	vld [tilespmem:s19+$0xFFFFFFB0];
	v5 =	vpop (erf)  }
0x1fe: {  	[tilespmem:s19+$0xFFFFFFF0] =	vst v5;
	v6 =	vbroadcast v5, $0x0;
	v7 =	vld [tilespmem:s19+$0xFFFFFF90];
	v8 =	vbroadcast v5, $0x5  }
0x1ff: {  	v9 =	vbroadcast v5, $0x1;
	v11 =	vbroadcast v5, $0x7;
	v10 =	vld [tilespmem:s19+$0xFFFFFFD0]  }
0x200: {  	v13 =	vbroadcast v5, $0x2;
	v14 =	vbroadcast v5, $0x4;
	v12 =	vld [tilespmem:s19+$0xFFFFFF70]  }
0x201: {  	v15 =	vbroadcast v5, $0x6;
	v3 =	vmul.f32 v9, v3;
	v9 =	vld [tilespmem:s19+$0xFFFFFFA0]  }
0x202: {  	v2 =	vmul.f32 v2, v8;
	v4 =	vmul.f32 v4, v14  }
0x203: {  	v1 =	vmul.f32 v1, v11;
	[tilespmem:s19+$0xFFFFFF80] =	vst v3;
	v3 =	vmul.f32 v13, v7  }
0x204: {  	v5 =	vbroadcast v5, $0x3;
	[tilespmem:s19+$0xFFFFFFC0] =	vst v2;
	v2 =	vmul.f32 v10, v15  }
0x205: {  	v6 =	vmul.f32 v6, v12;
	[tilespmem:s19+$0xFFFFFFE0] =	vst v1  }
0x206: {  	v1 =	vmul.f32 v9, v5;
	[tilespmem:s19+$0xFFFFFFD0] =	vst v2  }
0x207: {  	[tilespmem:s19+$0xFFFFFF90] =	vst v3  }
0x208: {  	[tilespmem:s19+$0xFFFFFF70] =	vst v6  }
0x209: {  	[tilespmem:s19+$0xFFFFFFB0] =	vst v4  }
0x20a: {  	[tilespmem:s19+$0xFFFFFFA0] =	vst v1;
	v1 =	vld [tilespmem:s19+$0x80]  }
0x20b: {  	v2 =	vld [tilespmem:s13+$0x0]  }
0x20c: {  	v3 =	vld [tilespmem:s24+$0x0];
	_ =	sdelay $0x3  }
0x20d: {  	v1 =	vadd.f32 v1, v2;
	_ =	sdelay $0x1  }
0x20e: {  	v1 =	vadd.f32 v3, v1;
	_ =	sdelay $0x1  }
0x20f: {  	v2 =	vmul.f32 $9.999999770e-03, v1  }
0x210: {  	vm0 =	vge.f32 v1, $0.0e+00  }
0x211: {  	v1 =	vsel vm0, v1, v2  }
0x212: {  	v1 =	vmin.f32 v1, $7.000000000e+01  }
0x213: {  	v1 =	vmul.f32 $1.442695020e+00, v1;
	_ =	sdelay $0x1  }
0x214: {  	(erf) = vpow2.f32 v1;
	_ =	sdelay $0x4  }
0x215: {  	v1 =	vld [tilespmem:s19+$0x60]  }
0x216: {  	v2 =	vld [tilespmem:s19+$0x30]  }
0x217: {  	v3 =	vld [tilespmem:s19+$0x0]  }
0x218: {  	v4 =	vld [tilespmem:s19+$0x20]  }
0x219: {  	v5 =	vld [tilespmem:s19+$0x40];
	v6 =	vpop (erf)  }
0x21a: {  	[tilespmem:s19+$0x80] =	vst v6;
	v7 =	vbroadcast v6, $0x0;
	v8 =	vbroadcast v6, $0x1;
	v9 =	vld [tilespmem:s19+$0x50]  }
0x21b: {  	v11 =	vbroadcast v6, $0x2;
	v12 =	vbroadcast v6, $0x3;
	v10 =	vld [tilespmem:s19+$0x10]  }
0x21c: {  	v3 =	vmul.f32 v7, v3;
	v7 =	vbroadcast v6, $0x4;
	v13 =	vld [tilespmem:s19+$0x70]  }
0x21d: {  	v2 =	vmul.f32 v2, v12;
	v4 =	vmul.f32 v11, v4  }
0x21e: {  	[tilespmem:s19+$0x0] =	vst v3;
	v3 =	vmul.f32 v5, v7;
	v5 =	vbroadcast v6, $0x5  }
.Ltmp2:
0x21f: {  	[tilespmem:s19+$0x20] =	vst v4;
	v4 =	vbroadcast v6, $0x6;
	v6 =	vbroadcast v6, $0x7;
	(pc) =	sbr.rel @p0 .LBB2_7-.Ltmp2, $4  }
0x220: {  	v7 =	vmul.f32 v8, v10;
	[tilespmem:s19+$0x30] =	vst v2;
	v5 =	vmul.f32 v9, v5  }
0x221: {  	[tilespmem:s19+$0x40] =	vst v3;
	v2 =	vmul.f32 v1, v4;
	v1 =	vmul.f32 v13, v6  }
0x222: {  	[tilespmem:s19+$0x50] =	vst v5  }
0x223: {  	s13 =	sadd.s32 $0x40, s13;
	[tilespmem:s19+$0x10] =	vst v7  }
0x224: {  	[tilespmem:s22+$0x60] =	vst v2  }
0x225: {  	[tilespmem:s22+$0x70] =	vst v1;
	v1 =	vld [tilespmem:s22+$0x110]  }
0x226: {  	v2 =	vld [tilespmem:s23+$0x10];
	_ =	sdelay $0x1  }
0x227: {  	v3 =	vld [tilespmem:s9+$0x10];
	_ =	sdelay $0x2  }
0x228: {  	v1 =	vadd.f32 v1, v2;
	_ =	sdelay $0x1  }
0x229: {  	v1 =	vadd.f32 v3, v1;
	_ =	sdelay $0x1  }
0x22a: {  	v2 =	vmul.f32 $9.999999770e-03, v1  }
0x22b: {  	vm0 =	vge.f32 v1, $0.0e+00  }
0x22c: {  	v1 =	vsel vm0, v1, v2  }
0x22d: {  	v1 =	vmin.f32 v1, $7.000000000e+01  }
0x22e: {  	v1 =	vmul.f32 $1.442695020e+00, v1;
	_ =	sdelay $0x1  }
0x22f: {  	(erf) = vpow2.f32 v1;
	_ =	sdelay $0x6  }
0x230: {  	v3 =	vld [tilespmem:s22+$0xC0]  }
0x231: {  	v5 =	vld [tilespmem:s22+$0xD0]  }
0x232: {  	v1 =	vld [tilespmem:s22+$0x100];
	v4 =	vpop (erf)  }
0x233: {  	v6 =	vld [tilespmem:s22+$0xE0];
	v7 =	vbroadcast v4, $0x3  }
0x234: {  	v2 =	vld [tilespmem:s22+$0xF0];
	v9 =	vbroadcast v4, $0x4  }
0x235: {  	v10 =	vld [tilespmem:s22+$0x90];
	v60 =	vbroadcast v4, $0x7;
	v3 =	vmul.f32 v3, v7  }
0x236: {  	v8 =	vld [tilespmem:s22+$0xB0];
	[tilespmem:s22+$0x110] =	vst v4;
	v11 =	vbroadcast v4, $0x5;
	v5 =	vmul.f32 v5, v9  }
0x237: {  	v59 =	vld [tilespmem:s22+$0xA0];
	v12 =	vbroadcast v4, $0x6;
	v1 =	vmul.f32 v1, v60;
	[tilespmem:s22+$0xC0] =	vst v3  }
0x238: {  	v61 =	vbroadcast v4, $0x0;
	v3 =	vmul.f32 v6, v11;
	[tilespmem:s22+$0xD0] =	vst v5  }
0x239: {  	v62 =	vbroadcast v4, $0x2;
	v2 =	vmul.f32 v2, v12;
	[tilespmem:s22+$0x100] =	vst v1  }
0x23a: {  	v63 =	vmul.f32 v61, v10;
	[tilespmem:s22+$0xE0] =	vst v3;
	v3 =	vbroadcast v4, $0x1  }
0x23b: {  	v1 =	vmul.f32 v62, v8;
	[tilespmem:s22+$0xF0] =	vst v2  }
0x23c: {  	[tilespmem:s22+$0x90] =	vst v63;
	v2 =	vmul.f32 v3, v59  }
0x23d: {  	p0 =	seq.s32 s20, $0x3D;
	[tilespmem:s22+$0xB0] =	vst v1  }
.Ltmp3:
0x23e: {  	[tilespmem:s22+$0xA0] =	vst v2;
	(pc) =	sbr.rel @p0 .LBB2_10-.Ltmp3, $4  }
0x23f: {  	[spmem:s4] =	stream.indirect.scatter.add.f32 [tilespmem:s18], [sflag:$0x3], $0x90, s12, s10, $0xb8;
	[tilespmem:$0x1D740] =	vst v63  }
0x240: {  	_ =	swait.ge [sflag:s30], $0x2D00  }
0x241: {  	[sflag:s30] =	ssyncset.done $0x0  }
0x242: {  	[sflag:s30] =	ssyncadd.s32 $0xFFFFD300  }
0x243: {  	s9 =	sadd.s32 s21, s26  }
0x244: {  	s13 =	sshrl.u32 s9, $0x3  }
0x245: {  	s19 =	sadd.s32 s1, s13  }
0x246: {  	[tilespmem:s12], [sflag:$0x1] =	stream.linear.gather [hbm4b:s19+s6], $0x50, $0x38;
	[tilespmem:$0x1D740] =	vst v63  }
.Ltmp4:
0x247: {  	s9 =	sshll.u32 s9, $0x1;
	(pc) =	sbr.rel .LBB2_4-.Ltmp4, $4  }
0x248: {  	s13 =	sadd.s32 s2, s13;
	s9 =	sand.u32 $0x1FFFFFE0, s9  }
0x249: {  	[tilespmem:s14], [sflag:$0x1] =	stream.linear.gather [hbm4b:s13+s6], $0x50, $0x38;
	[tilespmem:$0x1D740] =	vst v63  }
0x24a: {  	s20 =	sadd.s32 $0x1, s20;
	s9 =	sadd.s32 s3, s9  }
0x24b: {  	[tilespmem:s15], [sflag:$0x1] =	stream.linear.gather [hbm4b:s9+s6], $0x500, $0x38;
	[tilespmem:$0x1D740] =	vst v63  }
.LBB2_10:
0x24c: {  	_ =	swait.ge [sflag:s16], $0x500  }
0x24d: {  	[sflag:s16] =	ssyncset.done $0x0  }
0x24e: {  	[sflag:s16] =	ssyncadd.s32 $0xFFFFFB00  }
0x24f: {  	_ =	swait.ge [sflag:s16], $0x2D00  }
0x250: {  	[sflag:s16] =	ssyncset.done $0x0  }
0x251: {  	s20 =	simm.s32 $0x1660;
	[sflag:s16] =	ssyncadd.s32 $0xFFFFD300  }
0x252: {  	s21 =	simm.s32 $0xB60;
	v1 =	vld [tilespmem:s20+$0xFFFFFF60]  }
0x253: {  	v2 =	vld [tilespmem:s21+$0xFFFFFFE0]  }
0x254: {  	s22 =	simm.s32 $0x20  }
0x255: {  	v3 =	vld [tilespmem:s22+$0xFFFFFFE0];
	_ =	sdelay $0x2  }
0x256: {  	v1 =	vadd.f32 v1, v2;
	_ =	sdelay $0x1  }
0x257: {  	v1 =	vadd.f32 v3, v1;
	_ =	sdelay $0x1  }
0x258: {  	v2 =	vmul.f32 $9.999999770e-03, v1  }
0x259: {  	vm0 =	vge.f32 v1, $0.0e+00  }
0x25a: {  	v1 =	vsel vm0, v1, v2  }
0x25b: {  	v1 =	vmin.f32 v1, $7.000000000e+01  }
0x25c: {  	v1 =	vmul.f32 $1.442695020e+00, v1;
	_ =	sdelay $0x1  }
0x25d: {  	(erf) = vpow2.f32 v1;
	_ =	sdelay $0x6  }
0x25e: {  	v1 =	vld [tilespmem:s20+$0xFFFFFEE0]  }
0x25f: {  	v3 =	vld [tilespmem:s20+$0xFFFFFF40]  }
0x260: {  	v6 =	vld [tilespmem:s20+$0xFFFFFF20];
	v4 =	vpop (erf)  }
0x261: {  	v5 =	vld [tilespmem:s20+$0xFFFFFF30];
	v7 =	vbroadcast v4, $0x0  }
0x262: {  	v8 =	vld [tilespmem:s20+$0xFFFFFF10];
	v9 =	vbroadcast v4, $0x6  }
0x263: {  	v35 =	vld [tilespmem:s20+$0xFFFFFEF0];
	v12 =	vbroadcast v4, $0x4;
	v1 =	vmul.f32 v7, v1  }
0x264: {  	v11 =	vld [tilespmem:s20+$0xFFFFFF00];
	[tilespmem:s20+$0xFFFFFF60] =	vst v4;
	v10 =	vbroadcast v4, $0x5;
	v3 =	vmul.f32 v3, v9  }
0x265: {  	v2 =	vld [tilespmem:s20+$0xFFFFFF50];
	v36 =	vbroadcast v4, $0x3;
	v6 =	vmul.f32 v6, v12;
	[tilespmem:s20+$0xFFFFFEE0] =	vst v1  }
0x266: {  	v37 =	vbroadcast v4, $0x1;
	v1 =	vmul.f32 v5, v10;
	[tilespmem:s20+$0xFFFFFF40] =	vst v3  }
0x267: {  	v8 =	vmul.f32 v8, v36;
	v3 =	vbroadcast v4, $0x2;
	[tilespmem:s20+$0xFFFFFF20] =	vst v6  }
0x268: {  	v38 =	vmul.f32 v37, v35;
	[tilespmem:s20+$0xFFFFFF30] =	vst v1;
	v1 =	vbroadcast v4, $0x7  }
0x269: {  	[tilespmem:s20+$0xFFFFFF10] =	vst v8;
	v3 =	vmul.f32 v3, v11  }
0x26a: {  	[tilespmem:s20+$0xFFFFFEF0] =	vst v38;
	v1 =	vmul.f32 v2, v1  }
0x26b: {  	[tilespmem:s20+$0xFFFFFF00] =	vst v3  }
0x26c: {  	[tilespmem:s20+$0xFFFFFF50] =	vst v1;
	v1 =	vld [tilespmem:s20+$0xFFFFFFF0]  }
0x26d: {  	v2 =	vld [tilespmem:s21+$0xFFFFFFF0];
	_ =	sdelay $0x1  }
0x26e: {  	v3 =	vld [tilespmem:s22+$0xFFFFFFF0];
	_ =	sdelay $0x2  }
0x26f: {  	v1 =	vadd.f32 v1, v2;
	_ =	sdelay $0x1  }
0x270: {  	v1 =	vadd.f32 v3, v1;
	_ =	sdelay $0x1  }
0x271: {  	v2 =	vmul.f32 $9.999999770e-03, v1  }
0x272: {  	vm14 =	vge.f32 v1, $0.0e+00  }
0x273: {  	v1 =	vsel vm14, v1, v2  }
0x274: {  	v1 =	vmin.f32 v1, $7.000000000e+01  }
0x275: {  	v1 =	vmul.f32 $1.442695020e+00, v1;
	_ =	sdelay $0x1  }
0x276: {  	(erf) = vpow2.f32 v1;
	_ =	sdelay $0x6  }
0x277: {  	v2 =	vld [tilespmem:s20+$0xFFFFFF80]  }
0x278: {  	v3 =	vld [tilespmem:s20+$0xFFFFFFC0]  }
0x279: {  	v1 =	vld [tilespmem:s20+$0xFFFFFFE0];
	v39 =	vpop (erf)  }
0x27a: {  	v43 =	vld [tilespmem:s20+$0xFFFFFF90];
	v41 =	vbroadcast v39, $0x1  }
0x27b: {  	v42 =	vld [tilespmem:s20+$0xFFFFFFD0];
	v44 =	vbroadcast v39, $0x5  }
0x27c: {  	v46 =	vld [tilespmem:s20+$0xFFFFFF70];
	v45 =	vbroadcast v39, $0x7;
	v2 =	vmul.f32 v41, v2  }
0x27d: {  	v40 =	vld [tilespmem:s20+$0xFFFFFFB0];
	[tilespmem:s20+$0xFFFFFFF0] =	vst v39;
	v49 =	vbroadcast v39, $0x2;
	v3 =	vmul.f32 v3, v44  }
0x27e: {  	v47 =	vld [tilespmem:s20+$0xFFFFFFA0];
	v48 =	vbroadcast v39, $0x6;
	v1 =	vmul.f32 v1, v45;
	[tilespmem:s20+$0xFFFFFF80] =	vst v2  }
0x27f: {  	v8 =	vmul.f32 v49, v43;
	v2 =	vbroadcast v39, $0x0;
	[tilespmem:s20+$0xFFFFFFC0] =	vst v3  }
0x280: {  	v50 =	vbroadcast v39, $0x4;
	v3 =	vmul.f32 v42, v48;
	[tilespmem:s20+$0xFFFFFFE0] =	vst v1  }
0x281: {  	v1 =	vbroadcast v39, $0x3;
	[tilespmem:s20+$0xFFFFFF90] =	vst v8;
	v2 =	vmul.f32 v2, v46  }
0x282: {  	[tilespmem:s20+$0xFFFFFFD0] =	vst v3;
	v3 =	vmul.f32 v40, v50  }
0x283: {  	v1 =	vmul.f32 v47, v1;
	[tilespmem:s20+$0xFFFFFF70] =	vst v2  }
0x284: {  	[tilespmem:s20+$0xFFFFFFB0] =	vst v3  }
0x285: {  	[tilespmem:s20+$0xFFFFFFA0] =	vst v1;
	v1 =	vld [tilespmem:s20+$0x80]  }
0x286: {  	v2 =	vld [tilespmem:s21+$0x0];
	_ =	sdelay $0x1  }
0x287: {  	v3 =	vld [tilespmem:s22+$0x0];
	_ =	sdelay $0x2  }
0x288: {  	v1 =	vadd.f32 v1, v2;
	_ =	sdelay $0x1  }
0x289: {  	v1 =	vadd.f32 v3, v1;
	_ =	sdelay $0x1  }
0x28a: {  	v2 =	vmul.f32 $9.999999770e-03, v1  }
0x28b: {  	vm15 =	vge.f32 v1, $0.0e+00  }
0x28c: {  	v1 =	vsel vm15, v1, v2  }
0x28d: {  	v1 =	vmin.f32 v1, $7.000000000e+01  }
0x28e: {  	v1 =	vmul.f32 $1.442695020e+00, v1;
	_ =	sdelay $0x1  }
0x28f: {  	(erf) = vpow2.f32 v1;
	_ =	sdelay $0x6  }
0x290: {  	v2 =	vld [tilespmem:s20+$0x0]  }
0x291: {  	v3 =	vld [tilespmem:s20+$0x20]  }
0x292: {  	v51 =	vld [tilespmem:s20+$0x30];
	v52 =	vpop (erf)  }
0x293: {  	v53 =	vld [tilespmem:s20+$0x40];
	v54 =	vbroadcast v52, $0x0  }
0x294: {  	v55 =	vld [tilespmem:s20+$0x50];
	v56 =	vbroadcast v52, $0x2  }
0x295: {  	v57 =	vld [tilespmem:s20+$0x10];
	v58 =	vbroadcast v52, $0x3;
	v2 =	vmul.f32 v54, v2  }
0x296: {  	v1 =	vld [tilespmem:s20+$0x60];
	[tilespmem:s20+$0x80] =	vst v52;
	v59 =	vbroadcast v52, $0x4;
	v3 =	vmul.f32 v56, v3  }
0x297: {  	v60 =	vld [tilespmem:s20+$0x70];
	v4 =	vmul.f32 v51, v58;
	[tilespmem:s20+$0x0] =	vst v2;
	v2 =	vbroadcast v52, $0x5  }
0x298: {  	v61 =	vbroadcast v52, $0x1;
	v6 =	vmul.f32 v53, v59;
	[tilespmem:s20+$0x20] =	vst v3  }
0x299: {  	v3 =	vbroadcast v52, $0x6;
	[tilespmem:s20+$0x30] =	vst v4;
	v2 =	vmul.f32 v55, v2  }
0x29a: {  	v62 =	vbroadcast v52, $0x7;
	v63 =	vmul.f32 v61, v57;
	[tilespmem:s20+$0x40] =	vst v6  }
0x29b: {  	s23 =	simm.s32 $0x0;
	[tilespmem:s20+$0x50] =	vst v2;
	v2 =	vmul.f32 v1, v3  }
0x29c: {  	s13 =	simm.s32 $0xBA0;
	s19 =	simm.s32 $0x1660;
	s9 =	simm.s32 $0x20;
	[tilespmem:s20+$0x10] =	vst v63;
	v1 =	vmul.f32 v60, v62  }
.LBB2_11:
0x29d: {  	s23 =	sadd.s32 $0x4, s23;
	[tilespmem:s20+$0x60] =	vst v2;
	s19 =	sadd.s32 $0x240, s19;
	s22 =	sadd.s32 $0x40, s22  }
0x29e: {  	p0 =	slt.u32 s23, $0x4C;
	[tilespmem:s20+$0x70] =	vst v1;
	v1 =	vld [tilespmem:s20+$0x110]  }
0x29f: {  	v2 =	vld [tilespmem:s21+$0x10];
	s21 =	smov.u32 s13  }
0x2a0: {  	v3 =	vld [tilespmem:s9+$0x10];
	s9 =	smov.u32 s22;
	_ =	sdelay $0x3  }
0x2a1: {  	v1 =	vadd.f32 v1, v2;
	_ =	sdelay $0x1  }
0x2a2: {  	v1 =	vadd.f32 v3, v1;
	_ =	sdelay $0x1  }
0x2a3: {  	v2 =	vmul.f32 $9.999999770e-03, v1  }
0x2a4: {  	vm0 =	vge.f32 v1, $0.0e+00  }
0x2a5: {  	v1 =	vsel vm0, v1, v2  }
0x2a6: {  	v1 =	vmin.f32 v1, $7.000000000e+01  }
0x2a7: {  	v1 =	vmul.f32 $1.442695020e+00, v1;
	_ =	sdelay $0x1  }
0x2a8: {  	(erf) = vpow2.f32 v1;
	_ =	sdelay $0x4  }
0x2a9: {  	v1 =	vld [tilespmem:s20+$0xB0]  }
0x2aa: {  	v2 =	vld [tilespmem:s20+$0x100]  }
0x2ab: {  	v3 =	vld [tilespmem:s20+$0xF0]  }
0x2ac: {  	v4 =	vld [tilespmem:s20+$0xC0]  }
0x2ad: {  	v5 =	vld [tilespmem:s20+$0xD0];
	v6 =	vpop (erf)  }
0x2ae: {  	[tilespmem:s20+$0x110] =	vst v6;
	v7 =	vbroadcast v6, $0x0;
	v8 =	vbroadcast v6, $0x1;
	v9 =	vld [tilespmem:s20+$0xE0]  }
0x2af: {  	v11 =	vbroadcast v6, $0x2;
	v12 =	vbroadcast v6, $0x3;
	v10 =	vld [tilespmem:s20+$0x90]  }
0x2b0: {  	v14 =	vbroadcast v6, $0x4;
	v15 =	vbroadcast v6, $0x5;
	v13 =	vld [tilespmem:s20+$0xA0]  }
0x2b1: {  	v4 =	vmul.f32 v4, v12;
	v12 =	vbroadcast v6, $0x6  }
0x2b2: {  	v6 =	vbroadcast v6, $0x7;
	v5 =	vmul.f32 v5, v14  }
0x2b3: {  	[tilespmem:s20+$0xC0] =	vst v4;
	v4 =	vmul.f32 v9, v15;
	v3 =	vmul.f32 v3, v12  }
0x2b4: {  	v2 =	vmul.f32 v2, v6;
	v7 =	vmul.f32 v7, v10;
	[tilespmem:s20+$0xD0] =	vst v5  }
0x2b5: {  	v1 =	vmul.f32 v11, v1;
	v5 =	vmul.f32 v8, v13;
	[tilespmem:s20+$0xE0] =	vst v4  }
0x2b6: {  	[tilespmem:s20+$0x100] =	vst v2  }
0x2b7: {  	[tilespmem:s20+$0xF0] =	vst v3  }
0x2b8: {  	[tilespmem:s20+$0x90] =	vst v7  }
0x2b9: {  	[tilespmem:s20+$0xB0] =	vst v1  }
0x2ba: {  	v1 =	vld [tilespmem:s19+$0xFFFFFF60];
	[tilespmem:s20+$0xA0] =	vst v5;
	s20 =	smov.u32 s19  }
0x2bb: {  	v2 =	vld [tilespmem:s13+$0xFFFFFFE0];
	_ =	sdelay $0x1  }
0x2bc: {  	v3 =	vld [tilespmem:s22+$0xFFFFFFE0];
	_ =	sdelay $0x2  }
0x2bd: {  	v1 =	vadd.f32 v1, v2;
	_ =	sdelay $0x1  }
0x2be: {  	v1 =	vadd.f32 v3, v1;
	_ =	sdelay $0x1  }
0x2bf: {  	vm0 =	vge.f32 v1, $0.0e+00;
	v2 =	vmul.f32 $9.999999770e-03, v1;
	_ =	sdelay $0x1  }
0x2c0: {  	v1 =	vsel vm0, v1, v2  }
0x2c1: {  	v1 =	vmin.f32 v1, $7.000000000e+01  }
0x2c2: {  	v1 =	vmul.f32 $1.442695020e+00, v1;
	_ =	sdelay $0x1  }
0x2c3: {  	(erf) = vpow2.f32 v1;
	_ =	sdelay $0x4  }
0x2c4: {  	v1 =	vld [tilespmem:s19+$0xFFFFFF10]  }
0x2c5: {  	v2 =	vld [tilespmem:s19+$0xFFFFFF20]  }
0x2c6: {  	v3 =	vld [tilespmem:s19+$0xFFFFFEE0]  }
0x2c7: {  	v4 =	vld [tilespmem:s19+$0xFFFFFF50]  }
0x2c8: {  	v5 =	vld [tilespmem:s19+$0xFFFFFF40];
	v6 =	vpop (erf)  }
0x2c9: {  	[tilespmem:s19+$0xFFFFFF60] =	vst v6;
	v7 =	vbroadcast v6, $0x0;
	v8 =	vbroadcast v6, $0x3;
	v9 =	vld [tilespmem:s19+$0xFFFFFF30]  }
0x2ca: {  	v11 =	vbroadcast v6, $0x5;
	v12 =	vbroadcast v6, $0x6;
	v10 =	vld [tilespmem:s19+$0xFFFFFF00]  }
0x2cb: {  	v13 =	vbroadcast v6, $0x1;
	v3 =	vmul.f32 v7, v3;
	v7 =	vld [tilespmem:s19+$0xFFFFFEF0]  }
0x2cc: {  	v14 =	vbroadcast v6, $0x4;
	v15 =	vbroadcast v6, $0x7  }
0x2cd: {  	[tilespmem:s19+$0xFFFFFEE0] =	vst v3;
	v3 =	vbroadcast v6, $0x2;
	v5 =	vmul.f32 v5, v12  }
0x2ce: {  	v4 =	vmul.f32 v4, v15;
	v6 =	vmul.f32 v9, v11  }
0x2cf: {  	v2 =	vmul.f32 v2, v14;
	v3 =	vmul.f32 v3, v10;
	[tilespmem:s19+$0xFFFFFF40] =	vst v5  }
0x2d0: {  	v1 =	vmul.f32 v1, v8;
	v5 =	vmul.f32 v13, v7;
	[tilespmem:s19+$0xFFFFFF30] =	vst v6  }
0x2d1: {  	[tilespmem:s19+$0xFFFFFF20] =	vst v2  }
0x2d2: {  	[tilespmem:s19+$0xFFFFFF10] =	vst v1  }
0x2d3: {  	[tilespmem:s19+$0xFFFFFEF0] =	vst v5  }
0x2d4: {  	[tilespmem:s19+$0xFFFFFF00] =	vst v3  }
0x2d5: {  	[tilespmem:s19+$0xFFFFFF50] =	vst v4;
	v1 =	vld [tilespmem:s19+$0xFFFFFFF0]  }
0x2d6: {  	v2 =	vld [tilespmem:s13+$0xFFFFFFF0]  }
0x2d7: {  	v3 =	vld [tilespmem:s22+$0xFFFFFFF0];
	_ =	sdelay $0x3  }
0x2d8: {  	v1 =	vadd.f32 v1, v2;
	_ =	sdelay $0x1  }
0x2d9: {  	v1 =	vadd.f32 v3, v1;
	_ =	sdelay $0x1  }
0x2da: {  	v2 =	vmul.f32 $9.999999770e-03, v1  }
0x2db: {  	vm0 =	vge.f32 v1, $0.0e+00  }
0x2dc: {  	v1 =	vsel vm0, v1, v2  }
0x2dd: {  	v1 =	vmin.f32 v1, $7.000000000e+01  }
0x2de: {  	v1 =	vmul.f32 $1.442695020e+00, v1;
	_ =	sdelay $0x1  }
0x2df: {  	(erf) = vpow2.f32 v1;
	_ =	sdelay $0x5  }
0x2e0: {  	v1 =	vld [tilespmem:s19+$0xFFFFFFE0]  }
0x2e1: {  	v2 =	vld [tilespmem:s19+$0xFFFFFFC0]  }
0x2e2: {  	v3 =	vld [tilespmem:s19+$0xFFFFFF80]  }
0x2e3: {  	v4 =	vld [tilespmem:s19+$0xFFFFFFB0];
	v5 =	vpop (erf)  }
0x2e4: {  	[tilespmem:s19+$0xFFFFFFF0] =	vst v5;
	v6 =	vbroadcast v5, $0x0;
	v7 =	vld [tilespmem:s19+$0xFFFFFF90];
	v8 =	vbroadcast v5, $0x5  }
0x2e5: {  	v9 =	vbroadcast v5, $0x1;
	v11 =	vbroadcast v5, $0x7;
	v10 =	vld [tilespmem:s19+$0xFFFFFFD0]  }
0x2e6: {  	v13 =	vbroadcast v5, $0x2;
	v14 =	vbroadcast v5, $0x4;
	v12 =	vld [tilespmem:s19+$0xFFFFFF70]  }
0x2e7: {  	v15 =	vbroadcast v5, $0x6;
	v3 =	vmul.f32 v9, v3;
	v9 =	vld [tilespmem:s19+$0xFFFFFFA0]  }
0x2e8: {  	v2 =	vmul.f32 v2, v8;
	v4 =	vmul.f32 v4, v14  }
0x2e9: {  	v1 =	vmul.f32 v1, v11;
	[tilespmem:s19+$0xFFFFFF80] =	vst v3;
	v3 =	vmul.f32 v13, v7  }
0x2ea: {  	v5 =	vbroadcast v5, $0x3;
	[tilespmem:s19+$0xFFFFFFC0] =	vst v2;
	v2 =	vmul.f32 v10, v15  }
0x2eb: {  	v6 =	vmul.f32 v6, v12;
	[tilespmem:s19+$0xFFFFFFE0] =	vst v1  }
0x2ec: {  	v1 =	vmul.f32 v9, v5;
	[tilespmem:s19+$0xFFFFFFD0] =	vst v2  }
0x2ed: {  	[tilespmem:s19+$0xFFFFFF90] =	vst v3  }
0x2ee: {  	[tilespmem:s19+$0xFFFFFF70] =	vst v6  }
0x2ef: {  	[tilespmem:s19+$0xFFFFFFB0] =	vst v4  }
0x2f0: {  	[tilespmem:s19+$0xFFFFFFA0] =	vst v1;
	v1 =	vld [tilespmem:s19+$0x80]  }
0x2f1: {  	v2 =	vld [tilespmem:s13+$0x0]  }
0x2f2: {  	v3 =	vld [tilespmem:s22+$0x0];
	_ =	sdelay $0x3  }
0x2f3: {  	v1 =	vadd.f32 v1, v2;
	_ =	sdelay $0x1  }
0x2f4: {  	v1 =	vadd.f32 v3, v1;
	_ =	sdelay $0x1  }
0x2f5: {  	v2 =	vmul.f32 $9.999999770e-03, v1  }
0x2f6: {  	vm0 =	vge.f32 v1, $0.0e+00  }
0x2f7: {  	v1 =	vsel vm0, v1, v2  }
0x2f8: {  	v1 =	vmin.f32 v1, $7.000000000e+01  }
0x2f9: {  	v1 =	vmul.f32 $1.442695020e+00, v1;
	_ =	sdelay $0x1  }
0x2fa: {  	(erf) = vpow2.f32 v1;
	_ =	sdelay $0x4  }
0x2fb: {  	v1 =	vld [tilespmem:s19+$0x60]  }
0x2fc: {  	v2 =	vld [tilespmem:s19+$0x30]  }
0x2fd: {  	v3 =	vld [tilespmem:s19+$0x0]  }
0x2fe: {  	v4 =	vld [tilespmem:s19+$0x20]  }
0x2ff: {  	v5 =	vld [tilespmem:s19+$0x40];
	v6 =	vpop (erf)  }
0x300: {  	[tilespmem:s19+$0x80] =	vst v6;
	v7 =	vbroadcast v6, $0x0;
	v8 =	vbroadcast v6, $0x1;
	v9 =	vld [tilespmem:s19+$0x50]  }
0x301: {  	v11 =	vbroadcast v6, $0x2;
	v12 =	vbroadcast v6, $0x3;
	v10 =	vld [tilespmem:s19+$0x10]  }
0x302: {  	v3 =	vmul.f32 v7, v3;
	v7 =	vbroadcast v6, $0x4;
	v13 =	vld [tilespmem:s19+$0x70]  }
0x303: {  	v2 =	vmul.f32 v2, v12;
	v4 =	vmul.f32 v11, v4  }
0x304: {  	[tilespmem:s19+$0x0] =	vst v3;
	v3 =	vmul.f32 v5, v7;
	v5 =	vbroadcast v6, $0x5  }
.Ltmp5:
0x305: {  	[tilespmem:s19+$0x20] =	vst v4;
	v4 =	vbroadcast v6, $0x6;
	v6 =	vbroadcast v6, $0x7;
	(pc) =	sbr.rel @p0 .LBB2_11-.Ltmp5, $4  }
0x306: {  	v7 =	vmul.f32 v8, v10;
	[tilespmem:s19+$0x30] =	vst v2;
	v5 =	vmul.f32 v9, v5  }
0x307: {  	[tilespmem:s19+$0x40] =	vst v3;
	v2 =	vmul.f32 v1, v4;
	v1 =	vmul.f32 v13, v6  }
0x308: {  	[tilespmem:s19+$0x50] =	vst v5  }
0x309: {  	s13 =	sadd.s32 $0x40, s13;
	[tilespmem:s19+$0x10] =	vst v7  }
0x30a: {  	[tilespmem:s20+$0x60] =	vst v2  }
0x30b: {  	[tilespmem:s20+$0x70] =	vst v1;
	v1 =	vld [tilespmem:s20+$0x110]  }
0x30c: {  	v2 =	vld [tilespmem:s21+$0x10];
	_ =	sdelay $0x1  }
0x30d: {  	v3 =	vld [tilespmem:s9+$0x10];
	_ =	sdelay $0x2  }
0x30e: {  	v1 =	vadd.f32 v1, v2;
	_ =	sdelay $0x1  }
0x30f: {  	v1 =	vadd.f32 v3, v1;
	_ =	sdelay $0x1  }
0x310: {  	v2 =	vmul.f32 $9.999999770e-03, v1  }
0x311: {  	vm0 =	vge.f32 v1, $0.0e+00  }
0x312: {  	v1 =	vsel vm0, v1, v2  }
0x313: {  	v1 =	vmin.f32 v1, $7.000000000e+01  }
0x314: {  	v1 =	vmul.f32 $1.442695020e+00, v1;
	_ =	sdelay $0x1  }
0x315: {  	(erf) = vpow2.f32 v1;
	_ =	sdelay $0x6  }
0x316: {  	v3 =	vld [tilespmem:s20+$0xC0]  }
0x317: {  	v5 =	vld [tilespmem:s20+$0xD0]  }
0x318: {  	v1 =	vld [tilespmem:s20+$0x100];
	v4 =	vpop (erf)  }
0x319: {  	v6 =	vld [tilespmem:s20+$0xE0];
	v7 =	vbroadcast v4, $0x3  }
0x31a: {  	v2 =	vld [tilespmem:s20+$0xF0];
	v9 =	vbroadcast v4, $0x4  }
0x31b: {  	v10 =	vld [tilespmem:s20+$0x90];
	v60 =	vbroadcast v4, $0x7;
	v3 =	vmul.f32 v3, v7  }
0x31c: {  	v8 =	vld [tilespmem:s20+$0xB0];
	[tilespmem:s20+$0x110] =	vst v4;
	v11 =	vbroadcast v4, $0x5;
	v5 =	vmul.f32 v5, v9  }
0x31d: {  	v59 =	vld [tilespmem:s20+$0xA0];
	v12 =	vbroadcast v4, $0x6;
	v1 =	vmul.f32 v1, v60;
	[tilespmem:s20+$0xC0] =	vst v3  }
0x31e: {  	v61 =	vbroadcast v4, $0x0;
	v3 =	vmul.f32 v6, v11;
	[tilespmem:s20+$0xD0] =	vst v5  }
0x31f: {  	v62 =	vbroadcast v4, $0x2;
	v2 =	vmul.f32 v2, v12;
	[tilespmem:s20+$0x100] =	vst v1  }
0x320: {  	v63 =	vmul.f32 v61, v10;
	[tilespmem:s20+$0xE0] =	vst v3;
	v3 =	vbroadcast v4, $0x1  }
0x321: {  	v1 =	vmul.f32 v62, v8;
	[tilespmem:s20+$0xF0] =	vst v2  }
0x322: {  	[tilespmem:s20+$0x90] =	vst v63;
	v2 =	vmul.f32 v3, v59  }
0x323: {  	[tilespmem:s20+$0xB0] =	vst v1  }
0x324: {  	[tilespmem:s20+$0xA0] =	vst v2  }
0x325: {  	[spmem:s4] =	stream.indirect.scatter.add.f32 [tilespmem:s29], [sflag:$0x3], $0x90, s31, s10, $0xb8;
	[tilespmem:$0x1D740] =	vst v63  }
0x326: {  	_ =	swait.ge [sflag:s30], $0x2D00  }
0x327: {  	[sflag:s30] =	ssyncset.done $0x0  }
0x328: {  	[sflag:s30] =	ssyncadd.s32 $0xFFFFD300  }
0x329: {  	s20 =	stileid.u32;
	[bflag:$0x0] =	sbarrier.arrive $0xFFFF  }
0x32a: {  	s9 =	sshll.u32 s20, $0x6;
	s19 =	rddreg [dreg:$0x6]  }
0x32b: {  	s9 =	sor.u32 $0x1C03, s9;
	s21 =	rddreg [dreg:$0x11];
	s13 =	sshrl.u32 s19, $0x3  }
0x32c: {  	[hbm:s21], [sflag:s9] =	dma.local [spmem:s13], $0x1680  }
0x32d: {  	_ =	swait.ge [sflag:s30], $0x1680  }
0x32e: {  	[sflag:s30] =	ssyncset.done $0x0;
	s20 =	rddreg [dreg:$0xa]  }
0x32f: {  	s23 =	rddreg [dreg:$0x12];
	[sflag:s30] =	ssyncadd.s32 $0xFFFFE980;
	s22 =	sshrl.u32 s20, $0x3  }
0x330: {  	[hbm:s23], [sflag:s9] =	dma.local [spmem:s22], $0x1680  }
0x331: {  	_ =	swait.ge [sflag:s30], $0x1680  }
0x332: {  	s24 =	rddreg [dreg:$0x17]  }
0x333: {  	s28 =	rddreg [dreg:$0x16];
	s13 =	sadd.s32 $0x1, s24  }
0x334: {  	p0 =	sne.s32 s13, s28  }
.Ltmp6:
0x335: {  	_ = 	snop;
	(pc) =	sbr.rel @p0 .LBB2_1-.Ltmp6, $3  }
0x336: {  	_ =	sdelay $0x1  }
0x337: {  	[sflag:s30] =	ssyncset.done $0x0  }
0x338: {  	[sflag:s30] =	ssyncadd.s32 $0xFFFFE980  }
0x339: {  	_ =	sfence.sel $0x180000  }
0x33a: {  	[bflag:$0x0] =	sbarrier.arrive $0xFFFF  }
0x33b: {  	_ =	strace $0x90000047  }
0x33c: {  	s0 =	stileid.u32;
	[bflag:$0x2] =	sbarrier.arrive $0xFFFF  }
0x33d: {  	p0 =	sne.s32 s0, $0x0;
	s0 =	rddreg [dreg:$0x5]  }
0x33e: {  	s0 =	sadd.s32 @!p0 $0x100000, s0  }
0x33f: {  	[sflag:s0] =	ssyncadd.tile.s32 @!p0 $0x1;
	_ =	shalt  }
.Lfunc_end2:
_tile_overlayer_lowered:
.L_overlay_start_2:
0x340: {  	(tag) =	ssettag $0x2  }
0x341: {  	s0 =	rddreg [dreg:$0x0];
	s2 =	stileid.u32  }
0x342: {  	s1 =	rddreg [dreg:$0x1];
	p0 =	sne.s32 s2, $0x0  }
0x343: {  	s3 =	rddreg [dreg:$0x2];
	[bflag:$0x3] =	sbarrier.arrive $0xFFFF;
	s2 =	simm.s32 @!p0 $0x1C03  }
0x344: {  	[timem:s3], [sflag:s2] =	dma.local @!p0 [hbm:s0], s1  }
0x345: {  	s0 =	simm.s32 @!p0 $0x3  }
0x346: {  	_ =	swait.ge @!p0 [sflag:s0], s1  }
0x347: {  	s1 =	ssub.s32 @!p0 $0x0, s1;
	[sflag:s0] =	ssyncset.done @!p0 $0x0  }
0x348: {  	[sflag:s0] =	ssyncadd.s32 @!p0 s1  }
0x349: {  	[bflag:$0x3] =	sbarrier.arrive $0xFFFF  }
0x34a: {  	_ =	shalt  }

</sc_bundles>
